<compile_context>
chip_gen: v7x
topology: tpu7x:2x2x1
jax: 0.10.2.dev20260603
libtpu: 0.0.44.dev20260713+nightly
codegen_flags: <defaults>
</compile_context>

<pallas_src>
import functools

import jax
import jax.numpy as jnp
from jax import lax
from jax.experimental import pallas as pl
from jax.experimental.pallas import tpu as pltpu
from jax.experimental.pallas import tpu_sc as plsc

DIM = 64
NWORKERS = 32
LANES = 16
NBUF = 2
EPS = 1e-5

_GDN = lax.GatherDimensionNumbers(
    offset_dims=(), collapsed_slice_dims=(0,), start_index_map=(0,))


def _lane_perm(v, idx):
    return lax.gather(v, idx[:, None], _GDN, (1,),
                      mode=lax.GatherScatterMode.PROMISE_IN_BOUNDS)


def _sc_kernel(nb, nl):
    rows_per_w = nb // NWORKERS
    subs = []
    off = 0
    while off < nl:
        n = min(128, nl - off)
        subs.append((off, n))
        off += n
    assert all(n % 8 == 0 for _, n in subs)
    gstarts = list(range(0, nl - LANES + 1, LANES))
    if gstarts[-1] + LANES < nl:
        gstarts.append(nl - LANES)

    mesh = plsc.VectorSubcoreMesh(core_axis_name="c", subcore_axis_name="s")

    @functools.partial(
        pl.kernel,
        out_type=jax.ShapeDtypeStruct((nb, nl, DIM), jnp.float32),
        mesh=mesh,
        scratch_types=[
            pltpu.VMEM((NBUF, 1, nl), jnp.int32),
            pltpu.VMEM((NBUF, 1, nl), jnp.int32),
            pltpu.VMEM((NBUF, nl, DIM), jnp.float32),
            pltpu.VMEM((NBUF, 1, nl, DIM), jnp.float32),
            pltpu.VMEM((100 * DIM,), jnp.float32),
            pltpu.VMEM((DIM,), jnp.float32),
            pltpu.VMEM((DIM,), jnp.float32),
            pltpu.SemaphoreType.DMA((NBUF,)),
            pltpu.SemaphoreType.DMA((NBUF,)),
        ],
        compiler_params=pltpu.CompilerParams(
            needs_layout_passes=False, use_tc_tiling_on_sc=False),
    )
    def kern(widx_hbm, pidx_hbm, table_hbm, pos_hbm, gam_hbm, bet_hbm,
             out_hbm, widx_v, pidx_v, xrows_v, outbuf_v, pos_v,
             gam_v, bet_v, gsem, osem):
        wid = lax.axis_index("s") * 2 + lax.axis_index("c")
        wrow = wid * rows_per_w

        pltpu.sync_copy(pos_hbm, pos_v)
        pltpu.sync_copy(gam_hbm, gam_v)
        pltpu.sync_copy(bet_hbm, bet_v)
        gb = [(gam_v[pl.ds(k * LANES, LANES)], bet_v[pl.ds(k * LANES, LANES)])
              for k in range(DIM // LANES)]
        iota16 = lax.iota(jnp.int32, LANES)
        perms = [jnp.bitwise_xor(iota16, jnp.int32(d)) for d in (1, 2, 4, 8)]
        masks = [jnp.bitwise_and(iota16, jnp.int32(d)) == 0
                 for d in (1, 2, 4, 8)]

        def start_chunk(c, slot):
            row = wrow + c
            pltpu.sync_copy(widx_hbm.at[pl.ds(row, 1)], widx_v.at[slot])
            pltpu.sync_copy(pidx_hbm.at[pl.ds(row, 1)], pidx_v.at[slot])
            for off, n in subs:
                pltpu.async_copy(
                    table_hbm.at[widx_v.at[slot, 0, pl.ds(off, n)]],
                    xrows_v.at[slot, pl.ds(off, n)], gsem.at[slot])

        for c in range(NBUF):
            start_chunk(c, c)

        def fold(a, b, mask, pr):
            return (jnp.where(mask, a, _lane_perm(b, pr))
                    + jnp.where(mask, _lane_perm(a, pr), b))

        def chunk_body(c, carry):
            slot = lax.rem(c, NBUF)
            row = wrow + c
            for off, n in subs:
                pltpu.make_async_copy(
                    table_hbm.at[widx_v.at[slot, 0, pl.ds(off, n)]],
                    xrows_v.at[slot, pl.ds(off, n)],
                    gsem.at[slot]).wait()

            @pl.when(c >= NBUF)
            def _():
                pltpu.make_async_copy(
                    outbuf_v.at[slot],
                    out_hbm.at[pl.ds(row - NBUF, 1)], osem.at[slot]).wait()

            def group_body(g, carry2):
                start = jnp.minimum(g * LANES, jnp.int32(nl - LANES))
                pidv = pidx_v[slot, 0, pl.ds(start, LANES)]
                for j0 in range(0, LANES, 4):
                    hs, ss, qs = [], [], []
                    for j in range(4):
                        i = start + j0 + j
                        pbase = pidv[j0 + j] * DIM
                        h = []
                        for k in range(DIM // LANES):
                            x = xrows_v[slot, i, pl.ds(k * LANES, LANES)]
                            p = pos_v[pl.ds(pbase + k * LANES, LANES)]
                            h.append(x + p)
                        hs.append(h)
                        ss.append((h[0] + h[1]) + (h[2] + h[3]))
                        qs.append((h[0] * h[0] + h[1] * h[1])
                                  + (h[2] * h[2] + h[3] * h[3]))
                    sm = fold(fold(ss[0], ss[1], masks[0], perms[0]),
                              fold(ss[2], ss[3], masks[0], perms[0]),
                              masks[1], perms[1])
                    qm = fold(fold(qs[0], qs[1], masks[0], perms[0]),
                              fold(qs[2], qs[3], masks[0], perms[0]),
                              masks[1], perms[1])
                    sm = sm + _lane_perm(sm, perms[2])
                    sm = sm + _lane_perm(sm, perms[3])
                    qm = qm + _lane_perm(qm, perms[2])
                    qm = qm + _lane_perm(qm, perms[3])
                    meanv = sm * (1.0 / DIM)
                    av = qm * (1.0 / DIM) - meanv * meanv + EPS
                    ib = jnp.int32(0x5F3759DF) - jnp.right_shift(
                        plsc.bitcast(av, jnp.int32), 1)
                    y = plsc.bitcast(ib, jnp.float32)
                    for _unused in range(2):
                        y = y * (1.5 - 0.5 * av * y * y)
                    ms = meanv * y
                    for j in range(4):
                        i = start + j0 + j
                        pj = jnp.full((LANES,), j, jnp.int32)
                        ysp = _lane_perm(y, pj)
                        mssp = _lane_perm(ms, pj)
                        for k in range(DIM // LANES):
                            gk, bk = gb[k]
                            outbuf_v[slot, 0, i, pl.ds(k * LANES, LANES)] = (
                                (hs[j][k] * ysp - mssp) * gk + bk)

                return carry2

            lax.fori_loop(0, len(gstarts), group_body, 0)

            pltpu.async_copy(outbuf_v.at[slot],
                             out_hbm.at[pl.ds(row, 1)], osem.at[slot])

            @pl.when(c + NBUF < rows_per_w)
            def _():
                start_chunk(c + NBUF, slot)
            return carry

        lax.fori_loop(0, rows_per_w, chunk_body, 0)

        for c in range(rows_per_w - NBUF, rows_per_w):
            slot = c % NBUF
            pltpu.make_async_copy(
                outbuf_v.at[slot],
                out_hbm.at[pl.ds(wrow + c, 1)], osem.at[slot]).wait()

    return kern


def kernel(tcword_id, position_ids, table, pos_embs, gamma, beta):
    b, l = tcword_id.shape
    return _sc_kernel(b, l)(
        tcword_id.astype(jnp.int32), position_ids.astype(jnp.int32),
        table, pos_embs.reshape(100 * DIM), gamma, beta)

# --- scband reference (transcript-rebuilt; emitter-appended) ---
"""Pipeline reference for scband-embedding-wrapper-59150289600776 (READ-ONLY COPY).

The authoritative reference and input builder live on the scoring server;
editing this copy changes nothing except your own understanding.
"""

import jax, jax.numpy as jnp
import numpy as np

VOCAB = 1000000
DIM = 64
B = 16384
L = 200
MAX_POS = 100


def create_embs(max_length: int, embedding_dim: int) -> jnp.ndarray:
    position_enc = np.array(
        [[pos / np.power(10000, 2 * (j // 2) / embedding_dim) for j in range(embedding_dim)]
         for pos in range(max_length)]
    )
    embs = np.zeros((max_length, embedding_dim), dtype=np.float32)
    embs[:, 0::2] = np.sin(position_enc[:, 0::2])
    embs[:, 1::2] = np.cos(position_enc[:, 1::2])
    return jnp.asarray(embs)


def setup_inputs(seed: int = 0) -> dict:
    key = jax.random.key(seed)
    k1, k2, k3 = jax.random.split(key, 3)
    table = jax.random.normal(k1, (VOCAB, DIM), dtype=jnp.float32)
    table = table.at[0].set(0.0)  # padding_idx=0
    tcword_id = jax.random.randint(k2, (B, L), 0, VOCAB)
    position_ids = jax.random.randint(k3, (B, L), 0, MAX_POS)
    pos_embs = create_embs(MAX_POS, DIM)
    gamma = jnp.ones((DIM,), dtype=jnp.float32)
    beta = jnp.zeros((DIM,), dtype=jnp.float32)
    return {
        "tcword_id": tcword_id,
        "position_ids": position_ids,
        "table": table,
        "pos_embs": pos_embs,
        "gamma": gamma,
        "beta": beta,
    }


def reference(tcword_id, position_ids, table, pos_embs, gamma, beta):
    # token embedding lookup (nn.Embedding with padding_idx=0)
    h = jnp.take(table, tcword_id, axis=0)
    # sinusoidal position embedding lookup
    p = jnp.take(pos_embs, position_ids, axis=0)
    x = h + p
    # LayerNorm over last dim (do_layer_norm=True)
    mean = jnp.mean(x, axis=-1, keepdims=True)
    var = jnp.var(x, axis=-1, keepdims=True)
    xn = (x - mean) / jnp.sqrt(var + 1e-5)
    return xn * gamma + beta

if __name__ == "__main__":
    import jax
    _d = setup_inputs()
    print(jax.jit(kernel)(*tuple(_d.values())))

</pallas_src>

<mosaic_0001>
#map = affine_map<(d0, d1) -> (0, 0)>
#map1 = affine_map<(d0, d1) -> (0)>
#map2 = affine_map<(d0, d1) -> (0, 0, 0)>
module attributes {stable_mosaic.version = 14 : i64} {
  func.func @kern(%arg0: i32, %arg1: i32, %arg2: memref<16384x200xi32, #tpu.memory_space<hbm>>, %arg3: memref<16384x200xi32, #tpu.memory_space<hbm>>, %arg4: memref<1000000x64xf32, #tpu.memory_space<hbm>>, %arg5: memref<6400xf32, #tpu.memory_space<hbm>>, %arg6: memref<64xf32, #tpu.memory_space<hbm>>, %arg7: memref<64xf32, #tpu.memory_space<hbm>>, %arg8: memref<16384x200x64xf32, #tpu.memory_space<hbm>>, %arg9: memref<2x1x200xi32, #tpu.memory_space<vmem>>, %arg10: memref<2x1x200xi32, #tpu.memory_space<vmem>>, %arg11: memref<2x200x64xf32, #tpu.memory_space<vmem>>, %arg12: memref<2x1x200x64xf32, #tpu.memory_space<vmem>>, %arg13: memref<6400xf32, #tpu.memory_space<vmem>>, %arg14: memref<64xf32, #tpu.memory_space<vmem>>, %arg15: memref<64xf32, #tpu.memory_space<vmem>>, %arg16: memref<2x!tpu.dma_semaphore, #tpu.memory_space<semaphore_mem>>, %arg17: memref<2x!tpu.dma_semaphore, #tpu.memory_space<semaphore_mem>>) attributes {dimension_semantics = [#tpu.dimension_semantics<core_parallel>, #tpu.dimension_semantics<subcore_parallel>], iteration_bounds = array<i64: 2, 16>, scalar_prefetch = 0 : i64, scratch_operands = 9 : i64, tpu.core_type = #tpu.core_type<sc_vector_subcore>, window_params = [{transform_indices = #map}, {transform_indices = #map}, {transform_indices = #map}, {transform_indices = #map1}, {transform_indices = #map1}, {transform_indices = #map1}, {transform_indices = #map2}]} {
    %mul3A = arith.constant 2 : i32
    %mul3A_0 = arith.muli %arg1, %mul3A : i32
    %add3A = arith.addi %mul3A_0, %arg0 : i32
    %mul3A_1 = arith.constant 512 : i32
    %mul3A_2 = arith.muli %add3A, %mul3A_1 : i32
    "tpu.region"() ({
      %run_scoped3A_169 = tpu.sem_alloc : memref<!tpu.dma_semaphore, #tpu.memory_space<semaphore_mem>>
      tpu.enqueue_dma source(%arg5 : memref<6400xf32, #tpu.memory_space<hbm>>) target(%arg13 : memref<6400xf32, #tpu.memory_space<vmem>>) target_semaphore(%run_scoped3A_169 : memref<!tpu.dma_semaphore, #tpu.memory_space<semaphore_mem>>)
      tpu.wait_dma2 semaphore(%run_scoped3A_169 : memref<!tpu.dma_semaphore, #tpu.memory_space<semaphore_mem>>) src(%arg5 : memref<6400xf32, #tpu.memory_space<hbm>>) dst(%arg13 : memref<6400xf32, #tpu.memory_space<vmem>>)
      tpu.yield
    }) : () -> ()
    "tpu.region"() ({
      %run_scoped3A_169 = tpu.sem_alloc : memref<!tpu.dma_semaphore, #tpu.memory_space<semaphore_mem>>
      tpu.enqueue_dma source(%arg6 : memref<64xf32, #tpu.memory_space<hbm>>) target(%arg14 : memref<64xf32, #tpu.memory_space<vmem>>) target_semaphore(%run_scoped3A_169 : memref<!tpu.dma_semaphore, #tpu.memory_space<semaphore_mem>>)
      tpu.wait_dma2 semaphore(%run_scoped3A_169 : memref<!tpu.dma_semaphore, #tpu.memory_space<semaphore_mem>>) src(%arg6 : memref<64xf32, #tpu.memory_space<hbm>>) dst(%arg14 : memref<64xf32, #tpu.memory_space<vmem>>)
      tpu.yield
    }) : () -> ()
    "tpu.region"() ({
      %run_scoped3A_169 = tpu.sem_alloc : memref<!tpu.dma_semaphore, #tpu.memory_space<semaphore_mem>>
      tpu.enqueue_dma source(%arg7 : memref<64xf32, #tpu.memory_space<hbm>>) target(%arg15 : memref<64xf32, #tpu.memory_space<vmem>>) target_semaphore(%run_scoped3A_169 : memref<!tpu.dma_semaphore, #tpu.memory_space<semaphore_mem>>)
      tpu.wait_dma2 semaphore(%run_scoped3A_169 : memref<!tpu.dma_semaphore, #tpu.memory_space<semaphore_mem>>) src(%arg7 : memref<64xf32, #tpu.memory_space<hbm>>) dst(%arg15 : memref<64xf32, #tpu.memory_space<vmem>>)
      tpu.yield
    }) : () -> ()
    %get3A = arith.constant 0 : index
    %get3A_3 = tpu.vector_load %arg14[%get3A] {strides = array<i32>} : memref<64xf32, #tpu.memory_space<vmem>>, vector<16xf32>,
    %get3A_4 = arith.constant 0 : index
    %get3A_5 = tpu.vector_load %arg15[%get3A_4] {strides = array<i32>} : memref<64xf32, #tpu.memory_space<vmem>>, vector<16xf32>,
    %get3A_6 = arith.constant 16 : index
    %get3A_7 = tpu.vector_load %arg14[%get3A_6] {strides = array<i32>} : memref<64xf32, #tpu.memory_space<vmem>>, vector<16xf32>,
    %get3A_8 = arith.constant 16 : index
    %get3A_9 = tpu.vector_load %arg15[%get3A_8] {strides = array<i32>} : memref<64xf32, #tpu.memory_space<vmem>>, vector<16xf32>,
    %get3A_10 = arith.constant 32 : index
    %get3A_11 = tpu.vector_load %arg14[%get3A_10] {strides = array<i32>} : memref<64xf32, #tpu.memory_space<vmem>>, vector<16xf32>,
    %get3A_12 = arith.constant 32 : index
    %get3A_13 = tpu.vector_load %arg15[%get3A_12] {strides = array<i32>} : memref<64xf32, #tpu.memory_space<vmem>>, vector<16xf32>,
    %get3A_14 = arith.constant 48 : index
    %get3A_15 = tpu.vector_load %arg14[%get3A_14] {strides = array<i32>} : memref<64xf32, #tpu.memory_space<vmem>>, vector<16xf32>,
    %get3A_16 = arith.constant 48 : index
    %get3A_17 = tpu.vector_load %arg15[%get3A_16] {strides = array<i32>} : memref<64xf32, #tpu.memory_space<vmem>>, vector<16xf32>,
    %iota3A = tpu.iota {dimensions = array<i32: 0>} : vector<16xi32>
    %xor3A = arith.constant 1 : i32
    %xor3A_18 = vector.broadcast %xor3A : i32 to vector<16xi32>
    %xor3A_19 = arith.xori %iota3A, %xor3A_18 : vector<16xi32>
    %xor3A_20 = arith.constant 2 : i32
    %xor3A_21 = vector.broadcast %xor3A_20 : i32 to vector<16xi32>
    %xor3A_22 = arith.xori %iota3A, %xor3A_21 : vector<16xi32>
    %xor3A_23 = arith.constant 4 : i32
    %xor3A_24 = vector.broadcast %xor3A_23 : i32 to vector<16xi32>
    %xor3A_25 = arith.xori %iota3A, %xor3A_24 : vector<16xi32>
    %xor3A_26 = arith.constant 8 : i32
    %xor3A_27 = vector.broadcast %xor3A_26 : i32 to vector<16xi32>
    %xor3A_28 = arith.xori %iota3A, %xor3A_27 : vector<16xi32>
    %and3A = arith.constant 1 : i32
    %and3A_29 = vector.broadcast %and3A : i32 to vector<16xi32>
    %and3A_30 = arith.andi %iota3A, %and3A_29 : vector<16xi32>
    %eq3A = arith.constant 0 : i32
    %eq3A_31 = vector.broadcast %eq3A : i32 to vector<16xi32>
    %eq3A_32 = arith.cmpi eq, %and3A_30, %eq3A_31 : vector<16xi32>
    %and3A_33 = arith.constant 2 : i32
    %and3A_34 = vector.broadcast %and3A_33 : i32 to vector<16xi32>
    %and3A_35 = arith.andi %iota3A, %and3A_34 : vector<16xi32>
    %eq3A_36 = arith.constant 0 : i32
    %eq3A_37 = vector.broadcast %eq3A_36 : i32 to vector<16xi32>
    %eq3A_38 = arith.cmpi eq, %and3A_35, %eq3A_37 : vector<16xi32>
    %and3A_39 = arith.constant 4 : i32
    %and3A_40 = vector.broadcast %and3A_39 : i32 to vector<16xi32>
    %and3A_41 = arith.andi %iota3A, %and3A_40 : vector<16xi32>
    %eq3A_42 = arith.constant 0 : i32
    %eq3A_43 = vector.broadcast %eq3A_42 : i32 to vector<16xi32>
    %eq3A_44 = arith.cmpi eq, %and3A_41, %eq3A_43 : vector<16xi32>
    %and3A_45 = arith.constant 8 : i32
    %and3A_46 = vector.broadcast %and3A_45 : i32 to vector<16xi32>
    %and3A_47 = arith.andi %iota3A, %and3A_46 : vector<16xi32>
    %eq3A_48 = arith.constant 0 : i32
    %eq3A_49 = vector.broadcast %eq3A_48 : i32 to vector<16xi32>
    %eq3A_50 = arith.cmpi eq, %and3A_47, %eq3A_49 : vector<16xi32>
    %add3A_51 = arith.constant 0 : i32
    %add3A_52 = arith.addi %mul3A_2, %add3A_51 : i32
    %run_scoped3A = arith.constant 0 : i32
    "tpu.region"() ({
      %run_scoped3A_169 = tpu.sem_alloc : memref<!tpu.dma_semaphore, #tpu.memory_space<semaphore_mem>>
      %dma_start3A_170 = arith.constant 0 : i32
      %dma_start3A_171 = arith.constant 0 : i32
      %dma_start3A_172 = tpu.memref_slice %arg9[%run_scoped3A, %dma_start3A_170, %dma_start3A_171] : memref<2x1x200xi32, #tpu.memory_space<vmem>> -> memref<1x1x200xi32, #tpu.memory_space<vmem>>
      %dma_start3A_173 = tpu.memref_squeeze %dma_start3A_172 : memref<1x1x200xi32, #tpu.memory_space<vmem>> -> memref<1x200xi32, #tpu.memory_space<vmem>>
      %dma_start3A_174 = arith.constant 0 : i32
      %dma_start3A_175 = tpu.memref_slice %arg2[%add3A_52, %dma_start3A_174] : memref<16384x200xi32, #tpu.memory_space<hbm>> -> memref<1x200xi32, #tpu.memory_space<hbm>>
      %dma_start3A_176 = arith.constant 0 : i32
      %dma_start3A_177 = arith.constant 0 : i32
      %dma_start3A_178 = tpu.memref_slice %arg9[%run_scoped3A, %dma_start3A_176, %dma_start3A_177] : memref<2x1x200xi32, #tpu.memory_space<vmem>> -> memref<1x1x200xi32, #tpu.memory_space<vmem>>
      %dma_start3A_179 = tpu.memref_squeeze %dma_start3A_178 : memref<1x1x200xi32, #tpu.memory_space<vmem>> -> memref<1x200xi32, #tpu.memory_space<vmem>>
      %dma_start3A_180 = arith.constant 0 : i32
      %dma_start3A_181 = tpu.memref_slice %arg2[%add3A_52, %dma_start3A_180] : memref<16384x200xi32, #tpu.memory_space<hbm>> -> memref<1x200xi32, #tpu.memory_space<hbm>>
      tpu.enqueue_dma source(%dma_start3A_181 : memref<1x200xi32, #tpu.memory_space<hbm>>) target(%dma_start3A_179 : memref<1x200xi32, #tpu.memory_space<vmem>>) target_semaphore(%run_scoped3A_169 : memref<!tpu.dma_semaphore, #tpu.memory_space<semaphore_mem>>)
      %dma_wait3A_182 = arith.constant 0 : i32
      %dma_wait3A_183 = arith.constant 0 : i32
      %dma_wait3A_184 = tpu.memref_slice %arg9[%run_scoped3A, %dma_wait3A_182, %dma_wait3A_183] : memref<2x1x200xi32, #tpu.memory_space<vmem>> -> memref<1x1x200xi32, #tpu.memory_space<vmem>>
      %dma_wait3A_185 = tpu.memref_squeeze %dma_wait3A_184 : memref<1x1x200xi32, #tpu.memory_space<vmem>> -> memref<1x200xi32, #tpu.memory_space<vmem>>
      %dma_wait3A_186 = arith.constant 0 : i32
      %dma_wait3A_187 = tpu.memref_slice %arg2[%add3A_52, %dma_wait3A_186] : memref<16384x200xi32, #tpu.memory_space<hbm>> -> memref<1x200xi32, #tpu.memory_space<hbm>>
      %dma_wait3A_188 = arith.constant 0 : i32
      %dma_wait3A_189 = arith.constant 0 : i32
      %dma_wait3A_190 = tpu.memref_slice %arg9[%run_scoped3A, %dma_wait3A_188, %dma_wait3A_189] : memref<2x1x200xi32, #tpu.memory_space<vmem>> -> memref<1x1x200xi32, #tpu.memory_space<vmem>>
      %dma_wait3A_191 = tpu.memref_squeeze %dma_wait3A_190 : memref<1x1x200xi32, #tpu.memory_space<vmem>> -> memref<1x200xi32, #tpu.memory_space<vmem>>
      %dma_wait3A_192 = arith.constant 0 : i32
      %dma_wait3A_193 = tpu.memref_slice %arg2[%add3A_52, %dma_wait3A_192] : memref<16384x200xi32, #tpu.memory_space<hbm>> -> memref<1x200xi32, #tpu.memory_space<hbm>>
      tpu.wait_dma2 semaphore(%run_scoped3A_169 : memref<!tpu.dma_semaphore, #tpu.memory_space<semaphore_mem>>) src(%dma_wait3A_193 : memref<1x200xi32, #tpu.memory_space<hbm>>) dst(%dma_wait3A_191 : memref<1x200xi32, #tpu.memory_space<vmem>>)
      tpu.yield
    }) : () -> ()
    %run_scoped3A_53 = arith.constant 0 : i32
    "tpu.region"() ({
      %run_scoped3A_169 = tpu.sem_alloc : memref<!tpu.dma_semaphore, #tpu.memory_space<semaphore_mem>>
      %dma_start3A_170 = arith.constant 0 : i32
      %dma_start3A_171 = arith.constant 0 : i32
      %dma_start3A_172 = tpu.memref_slice %arg10[%run_scoped3A_53, %dma_start3A_170, %dma_start3A_171] : memref<2x1x200xi32, #tpu.memory_space<vmem>> -> memref<1x1x200xi32, #tpu.memory_space<vmem>>
      %dma_start3A_173 = tpu.memref_squeeze %dma_start3A_172 : memref<1x1x200xi32, #tpu.memory_space<vmem>> -> memref<1x200xi32, #tpu.memory_space<vmem>>
      %dma_start3A_174 = arith.constant 0 : i32
      %dma_start3A_175 = tpu.memref_slice %arg3[%add3A_52, %dma_start3A_174] : memref<16384x200xi32, #tpu.memory_space<hbm>> -> memref<1x200xi32, #tpu.memory_space<hbm>>
      %dma_start3A_176 = arith.constant 0 : i32
      %dma_start3A_177 = arith.constant 0 : i32
      %dma_start3A_178 = tpu.memref_slice %arg10[%run_scoped3A_53, %dma_start3A_176, %dma_start3A_177] : memref<2x1x200xi32, #tpu.memory_space<vmem>> -> memref<1x1x200xi32, #tpu.memory_space<vmem>>
      %dma_start3A_179 = tpu.memref_squeeze %dma_start3A_178 : memref<1x1x200xi32, #tpu.memory_space<vmem>> -> memref<1x200xi32, #tpu.memory_space<vmem>>
      %dma_start3A_180 = arith.constant 0 : i32
      %dma_start3A_181 = tpu.memref_slice %arg3[%add3A_52, %dma_start3A_180] : memref<16384x200xi32, #tpu.memory_space<hbm>> -> memref<1x200xi32, #tpu.memory_space<hbm>>
      tpu.enqueue_dma source(%dma_start3A_181 : memref<1x200xi32, #tpu.memory_space<hbm>>) target(%dma_start3A_179 : memref<1x200xi32, #tpu.memory_space<vmem>>) target_semaphore(%run_scoped3A_169 : memref<!tpu.dma_semaphore, #tpu.memory_space<semaphore_mem>>)
      %dma_wait3A_182 = arith.constant 0 : i32
      %dma_wait3A_183 = arith.constant 0 : i32
      %dma_wait3A_184 = tpu.memref_slice %arg10[%run_scoped3A_53, %dma_wait3A_182, %dma_wait3A_183] : memref<2x1x200xi32, #tpu.memory_space<vmem>> -> memref<1x1x200xi32, #tpu.memory_space<vmem>>
      %dma_wait3A_185 = tpu.memref_squeeze %dma_wait3A_184 : memref<1x1x200xi32, #tpu.memory_space<vmem>> -> memref<1x200xi32, #tpu.memory_space<vmem>>
      %dma_wait3A_186 = arith.constant 0 : i32
      %dma_wait3A_187 = tpu.memref_slice %arg3[%add3A_52, %dma_wait3A_186] : memref<16384x200xi32, #tpu.memory_space<hbm>> -> memref<1x200xi32, #tpu.memory_space<hbm>>
      %dma_wait3A_188 = arith.constant 0 : i32
      %dma_wait3A_189 = arith.constant 0 : i32
      %dma_wait3A_190 = tpu.memref_slice %arg10[%run_scoped3A_53, %dma_wait3A_188, %dma_wait3A_189] : memref<2x1x200xi32, #tpu.memory_space<vmem>> -> memref<1x1x200xi32, #tpu.memory_space<vmem>>
      %dma_wait3A_191 = tpu.memref_squeeze %dma_wait3A_190 : memref<1x1x200xi32, #tpu.memory_space<vmem>> -> memref<1x200xi32, #tpu.memory_space<vmem>>
      %dma_wait3A_192 = arith.constant 0 : i32
      %dma_wait3A_193 = tpu.memref_slice %arg3[%add3A_52, %dma_wait3A_192] : memref<16384x200xi32, #tpu.memory_space<hbm>> -> memref<1x200xi32, #tpu.memory_space<hbm>>
      tpu.wait_dma2 semaphore(%run_scoped3A_169 : memref<!tpu.dma_semaphore, #tpu.memory_space<semaphore_mem>>) src(%dma_wait3A_193 : memref<1x200xi32, #tpu.memory_space<hbm>>) dst(%dma_wait3A_191 : memref<1x200xi32, #tpu.memory_space<vmem>>)
      tpu.yield
    }) : () -> ()
    %dma_start3A = arith.constant 0 : i32
    %dma_start3A_54 = arith.constant 0 : i32
    %dma_start3A_55 = arith.constant 0 : i32
    %dma_start3A_56 = arith.constant 0 : i32
    %dma_start3A_57 = arith.constant 0 : i32
    %dma_start3A_58 = arith.constant 0 : i32
    %dma_start3A_59 = tpu.memref_slice %arg11[%dma_start3A_55, %dma_start3A_57, %dma_start3A_58] : memref<2x200x64xf32, #tpu.memory_space<vmem>> -> memref<1x128x64xf32, #tpu.memory_space<vmem>>
    %dma_start3A_60 = tpu.memref_squeeze %dma_start3A_59 : memref<1x128x64xf32, #tpu.memory_space<vmem>> -> memref<128x64xf32, #tpu.memory_space<vmem>>
    %dma_start3A_61 = arith.constant 0 : i32
    %dma_start3A_62 = tpu.memref_slice %arg9[%dma_start3A, %dma_start3A_54, %dma_start3A_61] : memref<2x1x200xi32, #tpu.memory_space<vmem>> -> memref<1x1x128xi32, #tpu.memory_space<vmem>>
    %dma_start3A_63 = tpu.memref_squeeze %dma_start3A_62 : memref<1x1x128xi32, #tpu.memory_space<vmem>> -> memref<128xi32, #tpu.memory_space<vmem>>
    %dma_start3A_64 = arith.constant 0 : i32
    %dma_start3A_65 = arith.constant 0 : i32
    %dma_start3A_66 = tpu.memref_slice %arg4[%dma_start3A_64, %dma_start3A_65] : memref<1000000x64xf32, #tpu.memory_space<hbm>> -> memref<1000000x64xf32, #tpu.memory_space<hbm>>
    %dma_start3A_67 = tpu.memref_slice %arg16[%dma_start3A_56] : memref<2x!tpu.dma_semaphore, #tpu.memory_space<semaphore_mem>> -> memref<1x!tpu.dma_semaphore, #tpu.memory_space<semaphore_mem>>
    %dma_start3A_68 = tpu.memref_squeeze %dma_start3A_67 : memref<1x!tpu.dma_semaphore, #tpu.memory_space<semaphore_mem>> -> memref<!tpu.dma_semaphore, #tpu.memory_space<semaphore_mem>>
    tpu.enqueue_indirect_dma source(%dma_start3A_66 : memref<1000000x64xf32, #tpu.memory_space<hbm>>) target(%dma_start3A_60 : memref<128x64xf32, #tpu.memory_space<vmem>>) offsets(%dma_start3A_63 : memref<128xi32, #tpu.memory_space<vmem>>) semaphore(%dma_start3A_68 : memref<!tpu.dma_semaphore, #tpu.memory_space<semaphore_mem>>)
    %dma_start3A_69 = arith.constant 0 : i32
    %dma_start3A_70 = arith.constant 0 : i32
    %dma_start3A_71 = arith.constant 0 : i32
    %dma_start3A_72 = arith.constant 0 : i32
    %dma_start3A_73 = arith.constant 128 : i32
    %dma_start3A_74 = arith.constant 0 : i32
    %dma_start3A_75 = tpu.memref_slice %arg11[%dma_start3A_71, %dma_start3A_73, %dma_start3A_74] : memref<2x200x64xf32, #tpu.memory_space<vmem>> -> memref<1x72x64xf32, #tpu.memory_space<vmem>>
    %dma_start3A_76 = tpu.memref_squeeze %dma_start3A_75 : memref<1x72x64xf32, #tpu.memory_space<vmem>> -> memref<72x64xf32, #tpu.memory_space<vmem>>
    %dma_start3A_77 = arith.constant 128 : i32
    %dma_start3A_78 = tpu.memref_slice %arg9[%dma_start3A_69, %dma_start3A_70, %dma_start3A_77] : memref<2x1x200xi32, #tpu.memory_space<vmem>> -> memref<1x1x72xi32, #tpu.memory_space<vmem>>
    %dma_start3A_79 = tpu.memref_squeeze %dma_start3A_78 : memref<1x1x72xi32, #tpu.memory_space<vmem>> -> memref<72xi32, #tpu.memory_space<vmem>>
    %dma_start3A_80 = arith.constant 0 : i32
    %dma_start3A_81 = arith.constant 0 : i32
    %dma_start3A_82 = tpu.memref_slice %arg4[%dma_start3A_80, %dma_start3A_81] : memref<1000000x64xf32, #tpu.memory_space<hbm>> -> memref<1000000x64xf32, #tpu.memory_space<hbm>>
    %dma_start3A_83 = tpu.memref_slice %arg16[%dma_start3A_72] : memref<2x!tpu.dma_semaphore, #tpu.memory_space<semaphore_mem>> -> memref<1x!tpu.dma_semaphore, #tpu.memory_space<semaphore_mem>>
    %dma_start3A_84 = tpu.memref_squeeze %dma_start3A_83 : memref<1x!tpu.dma_semaphore, #tpu.memory_space<semaphore_mem>> -> memref<!tpu.dma_semaphore, #tpu.memory_space<semaphore_mem>>
    tpu.enqueue_indirect_dma source(%dma_start3A_82 : memref<1000000x64xf32, #tpu.memory_space<hbm>>) target(%dma_start3A_76 : memref<72x64xf32, #tpu.memory_space<vmem>>) offsets(%dma_start3A_79 : memref<72xi32, #tpu.memory_space<vmem>>) semaphore(%dma_start3A_84 : memref<!tpu.dma_semaphore, #tpu.memory_space<semaphore_mem>>)
    %add3A_85 = arith.constant 1 : i32
    %add3A_86 = arith.addi %mul3A_2, %add3A_85 : i32
    %run_scoped3A_87 = arith.constant 1 : i32
    "tpu.region"() ({
      %run_scoped3A_169 = tpu.sem_alloc : memref<!tpu.dma_semaphore, #tpu.memory_space<semaphore_mem>>
      %dma_start3A_170 = arith.constant 0 : i32
      %dma_start3A_171 = arith.constant 0 : i32
      %dma_start3A_172 = tpu.memref_slice %arg9[%run_scoped3A_87, %dma_start3A_170, %dma_start3A_171] : memref<2x1x200xi32, #tpu.memory_space<vmem>> -> memref<1x1x200xi32, #tpu.memory_space<vmem>>
      %dma_start3A_173 = tpu.memref_squeeze %dma_start3A_172 : memref<1x1x200xi32, #tpu.memory_space<vmem>> -> memref<1x200xi32, #tpu.memory_space<vmem>>
      %dma_start3A_174 = arith.constant 0 : i32
      %dma_start3A_175 = tpu.memref_slice %arg2[%add3A_86, %dma_start3A_174] : memref<16384x200xi32, #tpu.memory_space<hbm>> -> memref<1x200xi32, #tpu.memory_space<hbm>>
      %dma_start3A_176 = arith.constant 0 : i32
      %dma_start3A_177 = arith.constant 0 : i32
      %dma_start3A_178 = tpu.memref_slice %arg9[%run_scoped3A_87, %dma_start3A_176, %dma_start3A_177] : memref<2x1x200xi32, #tpu.memory_space<vmem>> -> memref<1x1x200xi32, #tpu.memory_space<vmem>>
      %dma_start3A_179 = tpu.memref_squeeze %dma_start3A_178 : memref<1x1x200xi32, #tpu.memory_space<vmem>> -> memref<1x200xi32, #tpu.memory_space<vmem>>
      %dma_start3A_180 = arith.constant 0 : i32
      %dma_start3A_181 = tpu.memref_slice %arg2[%add3A_86, %dma_start3A_180] : memref<16384x200xi32, #tpu.memory_space<hbm>> -> memref<1x200xi32, #tpu.memory_space<hbm>>
      tpu.enqueue_dma source(%dma_start3A_181 : memref<1x200xi32, #tpu.memory_space<hbm>>) target(%dma_start3A_179 : memref<1x200xi32, #tpu.memory_space<vmem>>) target_semaphore(%run_scoped3A_169 : memref<!tpu.dma_semaphore, #tpu.memory_space<semaphore_mem>>)
      %dma_wait3A_182 = arith.constant 0 : i32
      %dma_wait3A_183 = arith.constant 0 : i32
      %dma_wait3A_184 = tpu.memref_slice %arg9[%run_scoped3A_87, %dma_wait3A_182, %dma_wait3A_183] : memref<2x1x200xi32, #tpu.memory_space<vmem>> -> memref<1x1x200xi32, #tpu.memory_space<vmem>>
      %dma_wait3A_185 = tpu.memref_squeeze %dma_wait3A_184 : memref<1x1x200xi32, #tpu.memory_space<vmem>> -> memref<1x200xi32, #tpu.memory_space<vmem>>
      %dma_wait3A_186 = arith.constant 0 : i32
      %dma_wait3A_187 = tpu.memref_slice %arg2[%add3A_86, %dma_wait3A_186] : memref<16384x200xi32, #tpu.memory_space<hbm>> -> memref<1x200xi32, #tpu.memory_space<hbm>>
      %dma_wait3A_188 = arith.constant 0 : i32
      %dma_wait3A_189 = arith.constant 0 : i32
      %dma_wait3A_190 = tpu.memref_slice %arg9[%run_scoped3A_87, %dma_wait3A_188, %dma_wait3A_189] : memref<2x1x200xi32, #tpu.memory_space<vmem>> -> memref<1x1x200xi32, #tpu.memory_space<vmem>>
      %dma_wait3A_191 = tpu.memref_squeeze %dma_wait3A_190 : memref<1x1x200xi32, #tpu.memory_space<vmem>> -> memref<1x200xi32, #tpu.memory_space<vmem>>
      %dma_wait3A_192 = arith.constant 0 : i32
      %dma_wait3A_193 = tpu.memref_slice %arg2[%add3A_86, %dma_wait3A_192] : memref<16384x200xi32, #tpu.memory_space<hbm>> -> memref<1x200xi32, #tpu.memory_space<hbm>>
      tpu.wait_dma2 semaphore(%run_scoped3A_169 : memref<!tpu.dma_semaphore, #tpu.memory_space<semaphore_mem>>) src(%dma_wait3A_193 : memref<1x200xi32, #tpu.memory_space<hbm>>) dst(%dma_wait3A_191 : memref<1x200xi32, #tpu.memory_space<vmem>>)
      tpu.yield
    }) : () -> ()
    %run_scoped3A_88 = arith.constant 1 : i32
    "tpu.region"() ({
      %run_scoped3A_169 = tpu.sem_alloc : memref<!tpu.dma_semaphore, #tpu.memory_space<semaphore_mem>>
      %dma_start3A_170 = arith.constant 0 : i32
      %dma_start3A_171 = arith.constant 0 : i32
      %dma_start3A_172 = tpu.memref_slice %arg10[%run_scoped3A_88, %dma_start3A_170, %dma_start3A_171] : memref<2x1x200xi32, #tpu.memory_space<vmem>> -> memref<1x1x200xi32, #tpu.memory_space<vmem>>
      %dma_start3A_173 = tpu.memref_squeeze %dma_start3A_172 : memref<1x1x200xi32, #tpu.memory_space<vmem>> -> memref<1x200xi32, #tpu.memory_space<vmem>>
      %dma_start3A_174 = arith.constant 0 : i32
      %dma_start3A_175 = tpu.memref_slice %arg3[%add3A_86, %dma_start3A_174] : memref<16384x200xi32, #tpu.memory_space<hbm>> -> memref<1x200xi32, #tpu.memory_space<hbm>>
      %dma_start3A_176 = arith.constant 0 : i32
      %dma_start3A_177 = arith.constant 0 : i32
      %dma_start3A_178 = tpu.memref_slice %arg10[%run_scoped3A_88, %dma_start3A_176, %dma_start3A_177] : memref<2x1x200xi32, #tpu.memory_space<vmem>> -> memref<1x1x200xi32, #tpu.memory_space<vmem>>
      %dma_start3A_179 = tpu.memref_squeeze %dma_start3A_178 : memref<1x1x200xi32, #tpu.memory_space<vmem>> -> memref<1x200xi32, #tpu.memory_space<vmem>>
      %dma_start3A_180 = arith.constant 0 : i32
      %dma_start3A_181 = tpu.memref_slice %arg3[%add3A_86, %dma_start3A_180] : memref<16384x200xi32, #tpu.memory_space<hbm>> -> memref<1x200xi32, #tpu.memory_space<hbm>>
      tpu.enqueue_dma source(%dma_start3A_181 : memref<1x200xi32, #tpu.memory_space<hbm>>) target(%dma_start3A_179 : memref<1x200xi32, #tpu.memory_space<vmem>>) target_semaphore(%run_scoped3A_169 : memref<!tpu.dma_semaphore, #tpu.memory_space<semaphore_mem>>)
      %dma_wait3A_182 = arith.constant 0 : i32
      %dma_wait3A_183 = arith.constant 0 : i32
      %dma_wait3A_184 = tpu.memref_slice %arg10[%run_scoped3A_88, %dma_wait3A_182, %dma_wait3A_183] : memref<2x1x200xi32, #tpu.memory_space<vmem>> -> memref<1x1x200xi32, #tpu.memory_space<vmem>>
      %dma_wait3A_185 = tpu.memref_squeeze %dma_wait3A_184 : memref<1x1x200xi32, #tpu.memory_space<vmem>> -> memref<1x200xi32, #tpu.memory_space<vmem>>
      %dma_wait3A_186 = arith.constant 0 : i32
      %dma_wait3A_187 = tpu.memref_slice %arg3[%add3A_86, %dma_wait3A_186] : memref<16384x200xi32, #tpu.memory_space<hbm>> -> memref<1x200xi32, #tpu.memory_space<hbm>>
      %dma_wait3A_188 = arith.constant 0 : i32
      %dma_wait3A_189 = arith.constant 0 : i32
      %dma_wait3A_190 = tpu.memref_slice %arg10[%run_scoped3A_88, %dma_wait3A_188, %dma_wait3A_189] : memref<2x1x200xi32, #tpu.memory_space<vmem>> -> memref<1x1x200xi32, #tpu.memory_space<vmem>>
      %dma_wait3A_191 = tpu.memref_squeeze %dma_wait3A_190 : memref<1x1x200xi32, #tpu.memory_space<vmem>> -> memref<1x200xi32, #tpu.memory_space<vmem>>
      %dma_wait3A_192 = arith.constant 0 : i32
      %dma_wait3A_193 = tpu.memref_slice %arg3[%add3A_86, %dma_wait3A_192] : memref<16384x200xi32, #tpu.memory_space<hbm>> -> memref<1x200xi32, #tpu.memory_space<hbm>>
      tpu.wait_dma2 semaphore(%run_scoped3A_169 : memref<!tpu.dma_semaphore, #tpu.memory_space<semaphore_mem>>) src(%dma_wait3A_193 : memref<1x200xi32, #tpu.memory_space<hbm>>) dst(%dma_wait3A_191 : memref<1x200xi32, #tpu.memory_space<vmem>>)
      tpu.yield
    }) : () -> ()
    %dma_start3A_89 = arith.constant 1 : i32
    %dma_start3A_90 = arith.constant 0 : i32
    %dma_start3A_91 = arith.constant 1 : i32
    %dma_start3A_92 = arith.constant 1 : i32
    %dma_start3A_93 = arith.constant 0 : i32
    %dma_start3A_94 = arith.constant 0 : i32
    %dma_start3A_95 = tpu.memref_slice %arg11[%dma_start3A_91, %dma_start3A_93, %dma_start3A_94] : memref<2x200x64xf32, #tpu.memory_space<vmem>> -> memref<1x128x64xf32, #tpu.memory_space<vmem>>
    %dma_start3A_96 = tpu.memref_squeeze %dma_start3A_95 : memref<1x128x64xf32, #tpu.memory_space<vmem>> -> memref<128x64xf32, #tpu.memory_space<vmem>>
    %dma_start3A_97 = arith.constant 0 : i32
    %dma_start3A_98 = tpu.memref_slice %arg9[%dma_start3A_89, %dma_start3A_90, %dma_start3A_97] : memref<2x1x200xi32, #tpu.memory_space<vmem>> -> memref<1x1x128xi32, #tpu.memory_space<vmem>>
    %dma_start3A_99 = tpu.memref_squeeze %dma_start3A_98 : memref<1x1x128xi32, #tpu.memory_space<vmem>> -> memref<128xi32, #tpu.memory_space<vmem>>
    %dma_start3A_100 = arith.constant 0 : i32
    %dma_start3A_101 = arith.constant 0 : i32
    %dma_start3A_102 = tpu.memref_slice %arg4[%dma_start3A_100, %dma_start3A_101] : memref<1000000x64xf32, #tpu.memory_space<hbm>> -> memref<1000000x64xf32, #tpu.memory_space<hbm>>
    %dma_start3A_103 = tpu.memref_slice %arg16[%dma_start3A_92] : memref<2x!tpu.dma_semaphore, #tpu.memory_space<semaphore_mem>> -> memref<1x!tpu.dma_semaphore, #tpu.memory_space<semaphore_mem>>
    %dma_start3A_104 = tpu.memref_squeeze %dma_start3A_103 : memref<1x!tpu.dma_semaphore, #tpu.memory_space<semaphore_mem>> -> memref<!tpu.dma_semaphore, #tpu.memory_space<semaphore_mem>>
    tpu.enqueue_indirect_dma source(%dma_start3A_102 : memref<1000000x64xf32, #tpu.memory_space<hbm>>) target(%dma_start3A_96 : memref<128x64xf32, #tpu.memory_space<vmem>>) offsets(%dma_start3A_99 : memref<128xi32, #tpu.memory_space<vmem>>) semaphore(%dma_start3A_104 : memref<!tpu.dma_semaphore, #tpu.memory_space<semaphore_mem>>)
    %dma_start3A_105 = arith.constant 1 : i32
    %dma_start3A_106 = arith.constant 0 : i32
    %dma_start3A_107 = arith.constant 1 : i32
    %dma_start3A_108 = arith.constant 1 : i32
    %dma_start3A_109 = arith.constant 128 : i32
    %dma_start3A_110 = arith.constant 0 : i32
    %dma_start3A_111 = tpu.memref_slice %arg11[%dma_start3A_107, %dma_start3A_109, %dma_start3A_110] : memref<2x200x64xf32, #tpu.memory_space<vmem>> -> memref<1x72x64xf32, #tpu.memory_space<vmem>>
    %dma_start3A_112 = tpu.memref_squeeze %dma_start3A_111 : memref<1x72x64xf32, #tpu.memory_space<vmem>> -> memref<72x64xf32, #tpu.memory_space<vmem>>
    %dma_start3A_113 = arith.constant 128 : i32
    %dma_start3A_114 = tpu.memref_slice %arg9[%dma_start3A_105, %dma_start3A_106, %dma_start3A_113] : memref<2x1x200xi32, #tpu.memory_space<vmem>> -> memref<1x1x72xi32, #tpu.memory_space<vmem>>
    %dma_start3A_115 = tpu.memref_squeeze %dma_start3A_114 : memref<1x1x72xi32, #tpu.memory_space<vmem>> -> memref<72xi32, #tpu.memory_space<vmem>>
    %dma_start3A_116 = arith.constant 0 : i32
    %dma_start3A_117 = arith.constant 0 : i32
    %dma_start3A_118 = tpu.memref_slice %arg4[%dma_start3A_116, %dma_start3A_117] : memref<1000000x64xf32, #tpu.memory_space<hbm>> -> memref<1000000x64xf32, #tpu.memory_space<hbm>>
    %dma_start3A_119 = tpu.memref_slice %arg16[%dma_start3A_108] : memref<2x!tpu.dma_semaphore, #tpu.memory_space<semaphore_mem>> -> memref<1x!tpu.dma_semaphore, #tpu.memory_space<semaphore_mem>>
    %dma_start3A_120 = tpu.memref_squeeze %dma_start3A_119 : memref<1x!tpu.dma_semaphore, #tpu.memory_space<semaphore_mem>> -> memref<!tpu.dma_semaphore, #tpu.memory_space<semaphore_mem>>
    tpu.enqueue_indirect_dma source(%dma_start3A_118 : memref<1000000x64xf32, #tpu.memory_space<hbm>>) target(%dma_start3A_112 : memref<72x64xf32, #tpu.memory_space<vmem>>) offsets(%dma_start3A_115 : memref<72xi32, #tpu.memory_space<vmem>>) semaphore(%dma_start3A_120 : memref<!tpu.dma_semaphore, #tpu.memory_space<semaphore_mem>>)
    %scan3A = arith.constant 0 : i32
    %scan3A_121 = arith.constant 0 : i32
    %scan3A_122 = arith.constant 512 : i32
    %scan3A_123 = arith.addi %scan3A_121, %scan3A_122 : i32
    %scan3A_124 = arith.constant 1 : i32
    scf.for %scan3A_169 = %scan3A_121 to %scan3A_123 step %scan3A_124  : i32 {
      %rem3A = arith.constant 2 : i32
      %rem3A_170 = arith.remsi %scan3A_169, %rem3A : i32
      %add3A_171 = arith.addi %mul3A_2, %scan3A_169 : i32
      %dma_wait3A_172 = arith.constant 0 : i32
      %dma_wait3A_173 = arith.constant 0 : i32
      %dma_wait3A_174 = arith.constant 0 : i32
      %dma_wait3A_175 = tpu.memref_slice %arg11[%rem3A_170, %dma_wait3A_173, %dma_wait3A_174] : memref<2x200x64xf32, #tpu.memory_space<vmem>> -> memref<1x128x64xf32, #tpu.memory_space<vmem>>
      %dma_wait3A_176 = tpu.memref_squeeze %dma_wait3A_175 : memref<1x128x64xf32, #tpu.memory_space<vmem>> -> memref<128x64xf32, #tpu.memory_space<vmem>>
      %dma_wait3A_177 = arith.constant 0 : i32
      %dma_wait3A_178 = tpu.memref_slice %arg9[%rem3A_170, %dma_wait3A_172, %dma_wait3A_177] : memref<2x1x200xi32, #tpu.memory_space<vmem>> -> memref<1x1x128xi32, #tpu.memory_space<vmem>>
      %dma_wait3A_179 = tpu.memref_squeeze %dma_wait3A_178 : memref<1x1x128xi32, #tpu.memory_space<vmem>> -> memref<128xi32, #tpu.memory_space<vmem>>
      %dma_wait3A_180 = arith.constant 0 : i32
      %dma_wait3A_181 = arith.constant 0 : i32
      %dma_wait3A_182 = tpu.memref_slice %arg4[%dma_wait3A_180, %dma_wait3A_181] : memref<1000000x64xf32, #tpu.memory_space<hbm>> -> memref<1000000x64xf32, #tpu.memory_space<hbm>>
      %dma_wait3A_183 = tpu.memref_slice %arg16[%rem3A_170] : memref<2x!tpu.dma_semaphore, #tpu.memory_space<semaphore_mem>> -> memref<1x!tpu.dma_semaphore, #tpu.memory_space<semaphore_mem>>
      %dma_wait3A_184 = tpu.memref_squeeze %dma_wait3A_183 : memref<1x!tpu.dma_semaphore, #tpu.memory_space<semaphore_mem>> -> memref<!tpu.dma_semaphore, #tpu.memory_space<semaphore_mem>>
      tpu.wait_indirect_dma semaphore(%dma_wait3A_184 : memref<!tpu.dma_semaphore, #tpu.memory_space<semaphore_mem>>) src(%dma_wait3A_182 : memref<1000000x64xf32, #tpu.memory_space<hbm>>) dst(%dma_wait3A_176 : memref<128x64xf32, #tpu.memory_space<vmem>>)
      %dma_wait3A_185 = arith.constant 0 : i32
      %dma_wait3A_186 = arith.constant 128 : i32
      %dma_wait3A_187 = arith.constant 0 : i32
      %dma_wait3A_188 = tpu.memref_slice %arg11[%rem3A_170, %dma_wait3A_186, %dma_wait3A_187] : memref<2x200x64xf32, #tpu.memory_space<vmem>> -> memref<1x72x64xf32, #tpu.memory_space<vmem>>
      %dma_wait3A_189 = tpu.memref_squeeze %dma_wait3A_188 : memref<1x72x64xf32, #tpu.memory_space<vmem>> -> memref<72x64xf32, #tpu.memory_space<vmem>>
      %dma_wait3A_190 = arith.constant 128 : i32
      %dma_wait3A_191 = tpu.memref_slice %arg9[%rem3A_170, %dma_wait3A_185, %dma_wait3A_190] : memref<2x1x200xi32, #tpu.memory_space<vmem>> -> memref<1x1x72xi32, #tpu.memory_space<vmem>>
      %dma_wait3A_192 = tpu.memref_squeeze %dma_wait3A_191 : memref<1x1x72xi32, #tpu.memory_space<vmem>> -> memref<72xi32, #tpu.memory_space<vmem>>
      %dma_wait3A_193 = arith.constant 0 : i32
      %dma_wait3A_194 = arith.constant 0 : i32
      %dma_wait3A_195 = tpu.memref_slice %arg4[%dma_wait3A_193, %dma_wait3A_194] : memref<1000000x64xf32, #tpu.memory_space<hbm>> -> memref<1000000x64xf32, #tpu.memory_space<hbm>>
      %dma_wait3A_196 = tpu.memref_slice %arg16[%rem3A_170] : memref<2x!tpu.dma_semaphore, #tpu.memory_space<semaphore_mem>> -> memref<1x!tpu.dma_semaphore, #tpu.memory_space<semaphore_mem>>
      %dma_wait3A_197 = tpu.memref_squeeze %dma_wait3A_196 : memref<1x!tpu.dma_semaphore, #tpu.memory_space<semaphore_mem>> -> memref<!tpu.dma_semaphore, #tpu.memory_space<semaphore_mem>>
      tpu.wait_indirect_dma semaphore(%dma_wait3A_197 : memref<!tpu.dma_semaphore, #tpu.memory_space<semaphore_mem>>) src(%dma_wait3A_195 : memref<1000000x64xf32, #tpu.memory_space<hbm>>) dst(%dma_wait3A_189 : memref<72x64xf32, #tpu.memory_space<vmem>>)
      %ge3A = arith.constant 2 : i32
      %ge3A_198 = arith.cmpi sge, %scan3A_169, %ge3A : i32
      %convert_element_type3A = arith.extui %ge3A_198 : i1 to i32
      %cond3A = arith.constant 0 : i32
      %cond3A_199 = arith.cmpi ne, %convert_element_type3A, %cond3A : i32
      scf.if %cond3A_199 {
        %sub3A = arith.constant 2 : i32
        %sub3A_230 = arith.subi %add3A_171, %sub3A : i32
        %dma_wait3A_231 = arith.constant 0 : i32
        %dma_wait3A_232 = arith.constant 0 : i32
        %dma_wait3A_233 = arith.constant 0 : i32
        %dma_wait3A_234 = tpu.memref_slice %arg12[%rem3A_170, %dma_wait3A_231, %dma_wait3A_232, %dma_wait3A_233] : memref<2x1x200x64xf32, #tpu.memory_space<vmem>> -> memref<1x1x200x64xf32, #tpu.memory_space<vmem>>
        %dma_wait3A_235 = tpu.memref_squeeze %dma_wait3A_234 : memref<1x1x200x64xf32, #tpu.memory_space<vmem>> -> memref<1x200x64xf32, #tpu.memory_space<vmem>>
        %dma_wait3A_236 = arith.constant 0 : i32
        %dma_wait3A_237 = arith.constant 0 : i32
        %dma_wait3A_238 = tpu.memref_slice %arg8[%sub3A_230, %dma_wait3A_236, %dma_wait3A_237] : memref<16384x200x64xf32, #tpu.memory_space<hbm>> -> memref<1x200x64xf32, #tpu.memory_space<hbm>>
        %dma_wait3A_239 = tpu.memref_slice %arg17[%rem3A_170] : memref<2x!tpu.dma_semaphore, #tpu.memory_space<semaphore_mem>> -> memref<1x!tpu.dma_semaphore, #tpu.memory_space<semaphore_mem>>
        %dma_wait3A_240 = tpu.memref_squeeze %dma_wait3A_239 : memref<1x!tpu.dma_semaphore, #tpu.memory_space<semaphore_mem>> -> memref<!tpu.dma_semaphore, #tpu.memory_space<semaphore_mem>>
        %dma_wait3A_241 = arith.constant 0 : i32
        %dma_wait3A_242 = arith.constant 0 : i32
        %dma_wait3A_243 = tpu.memref_slice %arg8[%sub3A_230, %dma_wait3A_241, %dma_wait3A_242] : memref<16384x200x64xf32, #tpu.memory_space<hbm>> -> memref<1x200x64xf32, #tpu.memory_space<hbm>>
        %dma_wait3A_244 = arith.constant 0 : i32
        %dma_wait3A_245 = arith.constant 0 : i32
        %dma_wait3A_246 = arith.constant 0 : i32
        %dma_wait3A_247 = tpu.memref_slice %arg12[%rem3A_170, %dma_wait3A_244, %dma_wait3A_245, %dma_wait3A_246] : memref<2x1x200x64xf32, #tpu.memory_space<vmem>> -> memref<1x1x200x64xf32, #tpu.memory_space<vmem>>
        %dma_wait3A_248 = tpu.memref_squeeze %dma_wait3A_247 : memref<1x1x200x64xf32, #tpu.memory_space<vmem>> -> memref<1x200x64xf32, #tpu.memory_space<vmem>>
        tpu.wait_dma2 semaphore(%dma_wait3A_240 : memref<!tpu.dma_semaphore, #tpu.memory_space<semaphore_mem>>) src(%dma_wait3A_248 : memref<1x200x64xf32, #tpu.memory_space<vmem>>) dst(%dma_wait3A_243 : memref<1x200x64xf32, #tpu.memory_space<hbm>>)
      } else {
      }
      %scan3A_200 = arith.constant 0 : i32
      %scan3A_201 = arith.constant 0 : i32
      %scan3A_202 = arith.constant 13 : i32
      %scan3A_203 = arith.addi %scan3A_201, %scan3A_202 : i32
      %scan3A_204 = arith.constant 1 : i32
      scf.for %scan3A_230 = %scan3A_201 to %scan3A_203 step %scan3A_204  : i32 {
        %mul3A_231 = arith.constant 16 : i32
        %mul3A_232 = arith.muli %scan3A_230, %mul3A_231 : i32
        %min3A = arith.constant 184 : i32
        %min3A_233 = arith.minsi %mul3A_232, %min3A : i32
        %get3A_234 = arith.constant 0 : i32
        %get3A_235 = arith.index_cast %rem3A_170 : i32 to index
        %get3A_236 = arith.index_cast %get3A_234 : i32 to index
        %get3A_237 = arith.index_cast %min3A_233 : i32 to index
        %get3A_238 = tpu.vector_load %arg10[%get3A_235, %get3A_236, %get3A_237] {strides = array<i32>} : memref<2x1x200xi32, #tpu.memory_space<vmem>>, vector<16xi32>,
        %add3A_239 = arith.constant 0 : i32
        %add3A_240 = arith.addi %min3A_233, %add3A_239 : i32
        %add3A_241 = arith.constant 0 : i32
        %add3A_242 = arith.addi %add3A_240, %add3A_241 : i32
        %slice3A = vector.extract_strided_slice %get3A_238 {offsets = [0], sizes = [1], strides = [1]} : vector<16xi32> to vector<1xi32>
        %squeeze3A = vector.extract %slice3A[0] : i32 from vector<1xi32>
        %mul3A_243 = arith.constant 64 : i32
        %mul3A_244 = arith.muli %squeeze3A, %mul3A_243 : i32
        %get3A_245 = arith.index_cast %rem3A_170 : i32 to index
        %get3A_246 = arith.index_cast %add3A_242 : i32 to index
        %get3A_247 = arith.constant 0 : index
        %get3A_248 = tpu.vector_load %arg11[%get3A_245, %get3A_246, %get3A_247] {strides = array<i32>} : memref<2x200x64xf32, #tpu.memory_space<vmem>>, vector<16xf32>,
        %add3A_249 = arith.constant 0 : i32
        %add3A_250 = arith.addi %mul3A_244, %add3A_249 : i32
        %get3A_251 = arith.index_cast %add3A_250 : i32 to index
        %get3A_252 = tpu.vector_load %arg13[%get3A_251] {strides = array<i32>} : memref<6400xf32, #tpu.memory_space<vmem>>, vector<16xf32>,
        %add3A_253 = arith.addf %get3A_248, %get3A_252 : vector<16xf32>
        %get3A_254 = arith.index_cast %rem3A_170 : i32 to index
        %get3A_255 = arith.index_cast %add3A_242 : i32 to index
        %get3A_256 = arith.constant 16 : index
        %get3A_257 = tpu.vector_load %arg11[%get3A_254, %get3A_255, %get3A_256] {strides = array<i32>} : memref<2x200x64xf32, #tpu.memory_space<vmem>>, vector<16xf32>,
        %add3A_258 = arith.constant 16 : i32
        %add3A_259 = arith.addi %mul3A_244, %add3A_258 : i32
        %get3A_260 = arith.index_cast %add3A_259 : i32 to index
        %get3A_261 = tpu.vector_load %arg13[%get3A_260] {strides = array<i32>} : memref<6400xf32, #tpu.memory_space<vmem>>, vector<16xf32>,
        %add3A_262 = arith.addf %get3A_257, %get3A_261 : vector<16xf32>
        %get3A_263 = arith.index_cast %rem3A_170 : i32 to index
        %get3A_264 = arith.index_cast %add3A_242 : i32 to index
        %get3A_265 = arith.constant 32 : index
        %get3A_266 = tpu.vector_load %arg11[%get3A_263, %get3A_264, %get3A_265] {strides = array<i32>} : memref<2x200x64xf32, #tpu.memory_space<vmem>>, vector<16xf32>,
        %add3A_267 = arith.constant 32 : i32
        %add3A_268 = arith.addi %mul3A_244, %add3A_267 : i32
        %get3A_269 = arith.index_cast %add3A_268 : i32 to index
        %get3A_270 = tpu.vector_load %arg13[%get3A_269] {strides = array<i32>} : memref<6400xf32, #tpu.memory_space<vmem>>, vector<16xf32>,
        %add3A_271 = arith.addf %get3A_266, %get3A_270 : vector<16xf32>
        %get3A_272 = arith.index_cast %rem3A_170 : i32 to index
        %get3A_273 = arith.index_cast %add3A_242 : i32 to index
        %get3A_274 = arith.constant 48 : index
        %get3A_275 = tpu.vector_load %arg11[%get3A_272, %get3A_273, %get3A_274] {strides = array<i32>} : memref<2x200x64xf32, #tpu.memory_space<vmem>>, vector<16xf32>,
        %add3A_276 = arith.constant 48 : i32
        %add3A_277 = arith.addi %mul3A_244, %add3A_276 : i32
        %get3A_278 = arith.index_cast %add3A_277 : i32 to index
        %get3A_279 = tpu.vector_load %arg13[%get3A_278] {strides = array<i32>} : memref<6400xf32, #tpu.memory_space<vmem>>, vector<16xf32>,
        %add3A_280 = arith.addf %get3A_275, %get3A_279 : vector<16xf32>
        %add3A_281 = arith.addf %add3A_253, %add3A_262 : vector<16xf32>
        %add3A_282 = arith.addf %add3A_271, %add3A_280 : vector<16xf32>
        %add3A_283 = arith.addf %add3A_281, %add3A_282 : vector<16xf32>
        %mul3A_284 = arith.mulf %add3A_253, %add3A_253 : vector<16xf32>
        %mul3A_285 = arith.mulf %add3A_262, %add3A_262 : vector<16xf32>
        %add3A_286 = arith.addf %mul3A_284, %mul3A_285 : vector<16xf32>
        %mul3A_287 = arith.mulf %add3A_271, %add3A_271 : vector<16xf32>
        %mul3A_288 = arith.mulf %add3A_280, %add3A_280 : vector<16xf32>
        %add3A_289 = arith.addf %mul3A_287, %mul3A_288 : vector<16xf32>
        %add3A_290 = arith.addf %add3A_286, %add3A_289 : vector<16xf32>
        %add3A_291 = arith.constant 0 : i32
        %add3A_292 = arith.addi %min3A_233, %add3A_291 : i32
        %add3A_293 = arith.constant 1 : i32
        %add3A_294 = arith.addi %add3A_292, %add3A_293 : i32
        %slice3A_295 = vector.extract_strided_slice %get3A_238 {offsets = [1], sizes = [1], strides = [1]} : vector<16xi32> to vector<1xi32>
        %squeeze3A_296 = vector.extract %slice3A_295[0] : i32 from vector<1xi32>
        %mul3A_297 = arith.constant 64 : i32
        %mul3A_298 = arith.muli %squeeze3A_296, %mul3A_297 : i32
        %get3A_299 = arith.index_cast %rem3A_170 : i32 to index
        %get3A_300 = arith.index_cast %add3A_294 : i32 to index
        %get3A_301 = arith.constant 0 : index
        %get3A_302 = tpu.vector_load %arg11[%get3A_299, %get3A_300, %get3A_301] {strides = array<i32>} : memref<2x200x64xf32, #tpu.memory_space<vmem>>, vector<16xf32>,
        %add3A_303 = arith.constant 0 : i32
        %add3A_304 = arith.addi %mul3A_298, %add3A_303 : i32
        %get3A_305 = arith.index_cast %add3A_304 : i32 to index
        %get3A_306 = tpu.vector_load %arg13[%get3A_305] {strides = array<i32>} : memref<6400xf32, #tpu.memory_space<vmem>>, vector<16xf32>,
        %add3A_307 = arith.addf %get3A_302, %get3A_306 : vector<16xf32>
        %get3A_308 = arith.index_cast %rem3A_170 : i32 to index
        %get3A_309 = arith.index_cast %add3A_294 : i32 to index
        %get3A_310 = arith.constant 16 : index
        %get3A_311 = tpu.vector_load %arg11[%get3A_308, %get3A_309, %get3A_310] {strides = array<i32>} : memref<2x200x64xf32, #tpu.memory_space<vmem>>, vector<16xf32>,
        %add3A_312 = arith.constant 16 : i32
        %add3A_313 = arith.addi %mul3A_298, %add3A_312 : i32
        %get3A_314 = arith.index_cast %add3A_313 : i32 to index
        %get3A_315 = tpu.vector_load %arg13[%get3A_314] {strides = array<i32>} : memref<6400xf32, #tpu.memory_space<vmem>>, vector<16xf32>,
        %add3A_316 = arith.addf %get3A_311, %get3A_315 : vector<16xf32>
        %get3A_317 = arith.index_cast %rem3A_170 : i32 to index
        %get3A_318 = arith.index_cast %add3A_294 : i32 to index
        %get3A_319 = arith.constant 32 : index
        %get3A_320 = tpu.vector_load %arg11[%get3A_317, %get3A_318, %get3A_319] {strides = array<i32>} : memref<2x200x64xf32, #tpu.memory_space<vmem>>, vector<16xf32>,
        %add3A_321 = arith.constant 32 : i32
        %add3A_322 = arith.addi %mul3A_298, %add3A_321 : i32
        %get3A_323 = arith.index_cast %add3A_322 : i32 to index
        %get3A_324 = tpu.vector_load %arg13[%get3A_323] {strides = array<i32>} : memref<6400xf32, #tpu.memory_space<vmem>>, vector<16xf32>,
        %add3A_325 = arith.addf %get3A_320, %get3A_324 : vector<16xf32>
        %get3A_326 = arith.index_cast %rem3A_170 : i32 to index
        %get3A_327 = arith.index_cast %add3A_294 : i32 to index
        %get3A_328 = arith.constant 48 : index
        %get3A_329 = tpu.vector_load %arg11[%get3A_326, %get3A_327, %get3A_328] {strides = array<i32>} : memref<2x200x64xf32, #tpu.memory_space<vmem>>, vector<16xf32>,
        %add3A_330 = arith.constant 48 : i32
        %add3A_331 = arith.addi %mul3A_298, %add3A_330 : i32
        %get3A_332 = arith.index_cast %add3A_331 : i32 to index
        %get3A_333 = tpu.vector_load %arg13[%get3A_332] {strides = array<i32>} : memref<6400xf32, #tpu.memory_space<vmem>>, vector<16xf32>,
        %add3A_334 = arith.addf %get3A_329, %get3A_333 : vector<16xf32>
        %add3A_335 = arith.addf %add3A_307, %add3A_316 : vector<16xf32>
        %add3A_336 = arith.addf %add3A_325, %add3A_334 : vector<16xf32>
        %add3A_337 = arith.addf %add3A_335, %add3A_336 : vector<16xf32>
        %mul3A_338 = arith.mulf %add3A_307, %add3A_307 : vector<16xf32>
        %mul3A_339 = arith.mulf %add3A_316, %add3A_316 : vector<16xf32>
        %add3A_340 = arith.addf %mul3A_338, %mul3A_339 : vector<16xf32>
        %mul3A_341 = arith.mulf %add3A_325, %add3A_325 : vector<16xf32>
        %mul3A_342 = arith.mulf %add3A_334, %add3A_334 : vector<16xf32>
        %add3A_343 = arith.addf %mul3A_341, %mul3A_342 : vector<16xf32>
        %add3A_344 = arith.addf %add3A_340, %add3A_343 : vector<16xf32>
        %add3A_345 = arith.constant 0 : i32
        %add3A_346 = arith.addi %min3A_233, %add3A_345 : i32
        %add3A_347 = arith.constant 2 : i32
        %add3A_348 = arith.addi %add3A_346, %add3A_347 : i32
        %slice3A_349 = vector.extract_strided_slice %get3A_238 {offsets = [2], sizes = [1], strides = [1]} : vector<16xi32> to vector<1xi32>
        %squeeze3A_350 = vector.extract %slice3A_349[0] : i32 from vector<1xi32>
        %mul3A_351 = arith.constant 64 : i32
        %mul3A_352 = arith.muli %squeeze3A_350, %mul3A_351 : i32
        %get3A_353 = arith.index_cast %rem3A_170 : i32 to index
        %get3A_354 = arith.index_cast %add3A_348 : i32 to index
        %get3A_355 = arith.constant 0 : index
        %get3A_356 = tpu.vector_load %arg11[%get3A_353, %get3A_354, %get3A_355] {strides = array<i32>} : memref<2x200x64xf32, #tpu.memory_space<vmem>>, vector<16xf32>,
        %add3A_357 = arith.constant 0 : i32
        %add3A_358 = arith.addi %mul3A_352, %add3A_357 : i32
        %get3A_359 = arith.index_cast %add3A_358 : i32 to index
        %get3A_360 = tpu.vector_load %arg13[%get3A_359] {strides = array<i32>} : memref<6400xf32, #tpu.memory_space<vmem>>, vector<16xf32>,
        %add3A_361 = arith.addf %get3A_356, %get3A_360 : vector<16xf32>
        %get3A_362 = arith.index_cast %rem3A_170 : i32 to index
        %get3A_363 = arith.index_cast %add3A_348 : i32 to index
        %get3A_364 = arith.constant 16 : index
        %get3A_365 = tpu.vector_load %arg11[%get3A_362, %get3A_363, %get3A_364] {strides = array<i32>} : memref<2x200x64xf32, #tpu.memory_space<vmem>>, vector<16xf32>,
        %add3A_366 = arith.constant 16 : i32
        %add3A_367 = arith.addi %mul3A_352, %add3A_366 : i32
        %get3A_368 = arith.index_cast %add3A_367 : i32 to index
        %get3A_369 = tpu.vector_load %arg13[%get3A_368] {strides = array<i32>} : memref<6400xf32, #tpu.memory_space<vmem>>, vector<16xf32>,
        %add3A_370 = arith.addf %get3A_365, %get3A_369 : vector<16xf32>
        %get3A_371 = arith.index_cast %rem3A_170 : i32 to index
        %get3A_372 = arith.index_cast %add3A_348 : i32 to index
        %get3A_373 = arith.constant 32 : index
        %get3A_374 = tpu.vector_load %arg11[%get3A_371, %get3A_372, %get3A_373] {strides = array<i32>} : memref<2x200x64xf32, #tpu.memory_space<vmem>>, vector<16xf32>,
        %add3A_375 = arith.constant 32 : i32
        %add3A_376 = arith.addi %mul3A_352, %add3A_375 : i32
        %get3A_377 = arith.index_cast %add3A_376 : i32 to index
        %get3A_378 = tpu.vector_load %arg13[%get3A_377] {strides = array<i32>} : memref<6400xf32, #tpu.memory_space<vmem>>, vector<16xf32>,
        %add3A_379 = arith.addf %get3A_374, %get3A_378 : vector<16xf32>
        %get3A_380 = arith.index_cast %rem3A_170 : i32 to index
        %get3A_381 = arith.index_cast %add3A_348 : i32 to index
        %get3A_382 = arith.constant 48 : index
        %get3A_383 = tpu.vector_load %arg11[%get3A_380, %get3A_381, %get3A_382] {strides = array<i32>} : memref<2x200x64xf32, #tpu.memory_space<vmem>>, vector<16xf32>,
        %add3A_384 = arith.constant 48 : i32
        %add3A_385 = arith.addi %mul3A_352, %add3A_384 : i32
        %get3A_386 = arith.index_cast %add3A_385 : i32 to index
        %get3A_387 = tpu.vector_load %arg13[%get3A_386] {strides = array<i32>} : memref<6400xf32, #tpu.memory_space<vmem>>, vector<16xf32>,
        %add3A_388 = arith.addf %get3A_383, %get3A_387 : vector<16xf32>
        %add3A_389 = arith.addf %add3A_361, %add3A_370 : vector<16xf32>
        %add3A_390 = arith.addf %add3A_379, %add3A_388 : vector<16xf32>
        %add3A_391 = arith.addf %add3A_389, %add3A_390 : vector<16xf32>
        %mul3A_392 = arith.mulf %add3A_361, %add3A_361 : vector<16xf32>
        %mul3A_393 = arith.mulf %add3A_370, %add3A_370 : vector<16xf32>
        %add3A_394 = arith.addf %mul3A_392, %mul3A_393 : vector<16xf32>
        %mul3A_395 = arith.mulf %add3A_379, %add3A_379 : vector<16xf32>
        %mul3A_396 = arith.mulf %add3A_388, %add3A_388 : vector<16xf32>
        %add3A_397 = arith.addf %mul3A_395, %mul3A_396 : vector<16xf32>
        %add3A_398 = arith.addf %add3A_394, %add3A_397 : vector<16xf32>
        %add3A_399 = arith.constant 0 : i32
        %add3A_400 = arith.addi %min3A_233, %add3A_399 : i32
        %add3A_401 = arith.constant 3 : i32
        %add3A_402 = arith.addi %add3A_400, %add3A_401 : i32
        %slice3A_403 = vector.extract_strided_slice %get3A_238 {offsets = [3], sizes = [1], strides = [1]} : vector<16xi32> to vector<1xi32>
        %squeeze3A_404 = vector.extract %slice3A_403[0] : i32 from vector<1xi32>
        %mul3A_405 = arith.constant 64 : i32
        %mul3A_406 = arith.muli %squeeze3A_404, %mul3A_405 : i32
        %get3A_407 = arith.index_cast %rem3A_170 : i32 to index
        %get3A_408 = arith.index_cast %add3A_402 : i32 to index
        %get3A_409 = arith.constant 0 : index
        %get3A_410 = tpu.vector_load %arg11[%get3A_407, %get3A_408, %get3A_409] {strides = array<i32>} : memref<2x200x64xf32, #tpu.memory_space<vmem>>, vector<16xf32>,
        %add3A_411 = arith.constant 0 : i32
        %add3A_412 = arith.addi %mul3A_406, %add3A_411 : i32
        %get3A_413 = arith.index_cast %add3A_412 : i32 to index
        %get3A_414 = tpu.vector_load %arg13[%get3A_413] {strides = array<i32>} : memref<6400xf32, #tpu.memory_space<vmem>>, vector<16xf32>,
        %add3A_415 = arith.addf %get3A_410, %get3A_414 : vector<16xf32>
        %get3A_416 = arith.index_cast %rem3A_170 : i32 to index
        %get3A_417 = arith.index_cast %add3A_402 : i32 to index
        %get3A_418 = arith.constant 16 : index
        %get3A_419 = tpu.vector_load %arg11[%get3A_416, %get3A_417, %get3A_418] {strides = array<i32>} : memref<2x200x64xf32, #tpu.memory_space<vmem>>, vector<16xf32>,
        %add3A_420 = arith.constant 16 : i32
        %add3A_421 = arith.addi %mul3A_406, %add3A_420 : i32
        %get3A_422 = arith.index_cast %add3A_421 : i32 to index
        %get3A_423 = tpu.vector_load %arg13[%get3A_422] {strides = array<i32>} : memref<6400xf32, #tpu.memory_space<vmem>>, vector<16xf32>,
        %add3A_424 = arith.addf %get3A_419, %get3A_423 : vector<16xf32>
        %get3A_425 = arith.index_cast %rem3A_170 : i32 to index
        %get3A_426 = arith.index_cast %add3A_402 : i32 to index
        %get3A_427 = arith.constant 32 : index
        %get3A_428 = tpu.vector_load %arg11[%get3A_425, %get3A_426, %get3A_427] {strides = array<i32>} : memref<2x200x64xf32, #tpu.memory_space<vmem>>, vector<16xf32>,
        %add3A_429 = arith.constant 32 : i32
        %add3A_430 = arith.addi %mul3A_406, %add3A_429 : i32
        %get3A_431 = arith.index_cast %add3A_430 : i32 to index
        %get3A_432 = tpu.vector_load %arg13[%get3A_431] {strides = array<i32>} : memref<6400xf32, #tpu.memory_space<vmem>>, vector<16xf32>,
        %add3A_433 = arith.addf %get3A_428, %get3A_432 : vector<16xf32>
        %get3A_434 = arith.index_cast %rem3A_170 : i32 to index
        %get3A_435 = arith.index_cast %add3A_402 : i32 to index
        %get3A_436 = arith.constant 48 : index
        %get3A_437 = tpu.vector_load %arg11[%get3A_434, %get3A_435, %get3A_436] {strides = array<i32>} : memref<2x200x64xf32, #tpu.memory_space<vmem>>, vector<16xf32>,
        %add3A_438 = arith.constant 48 : i32
        %add3A_439 = arith.addi %mul3A_406, %add3A_438 : i32
        %get3A_440 = arith.index_cast %add3A_439 : i32 to index
        %get3A_441 = tpu.vector_load %arg13[%get3A_440] {strides = array<i32>} : memref<6400xf32, #tpu.memory_space<vmem>>, vector<16xf32>,
        %add3A_442 = arith.addf %get3A_437, %get3A_441 : vector<16xf32>
        %add3A_443 = arith.addf %add3A_415, %add3A_424 : vector<16xf32>
        %add3A_444 = arith.addf %add3A_433, %add3A_442 : vector<16xf32>
        %add3A_445 = arith.addf %add3A_443, %add3A_444 : vector<16xf32>
        %mul3A_446 = arith.mulf %add3A_415, %add3A_415 : vector<16xf32>
        %mul3A_447 = arith.mulf %add3A_424, %add3A_424 : vector<16xf32>
        %add3A_448 = arith.addf %mul3A_446, %mul3A_447 : vector<16xf32>
        %mul3A_449 = arith.mulf %add3A_433, %add3A_433 : vector<16xf32>
        %mul3A_450 = arith.mulf %add3A_442, %add3A_442 : vector<16xf32>
        %add3A_451 = arith.addf %mul3A_449, %mul3A_450 : vector<16xf32>
        %add3A_452 = arith.addf %add3A_448, %add3A_451 : vector<16xf32>
        %broadcast_in_dim3A = vector.shape_cast %xor3A_19 : vector<16xi32> to vector<16x1xi32>
        %gather3A = vector.shape_cast %broadcast_in_dim3A : vector<16x1xi32> to vector<16xi32>
        %gather3A_453 = tpu.dynamic_gather %add3A_337[%gather3A] in [0] : vector<16xf32>, vector<16xi32> -> vector<16xf32>
        %select_n3A = arith.select %eq3A_32, %add3A_283, %gather3A_453 : vector<16xi1>, vector<16xf32>
        %broadcast_in_dim3A_454 = vector.shape_cast %xor3A_19 : vector<16xi32> to vector<16x1xi32>
        %gather3A_455 = vector.shape_cast %broadcast_in_dim3A_454 : vector<16x1xi32> to vector<16xi32>
        %gather3A_456 = tpu.dynamic_gather %add3A_283[%gather3A_455] in [0] : vector<16xf32>, vector<16xi32> -> vector<16xf32>
        %select_n3A_457 = arith.select %eq3A_32, %gather3A_456, %add3A_337 : vector<16xi1>, vector<16xf32>
        %add3A_458 = arith.addf %select_n3A, %select_n3A_457 : vector<16xf32>
        %broadcast_in_dim3A_459 = vector.shape_cast %xor3A_19 : vector<16xi32> to vector<16x1xi32>
        %gather3A_460 = vector.shape_cast %broadcast_in_dim3A_459 : vector<16x1xi32> to vector<16xi32>
        %gather3A_461 = tpu.dynamic_gather %add3A_445[%gather3A_460] in [0] : vector<16xf32>, vector<16xi32> -> vector<16xf32>
        %select_n3A_462 = arith.select %eq3A_32, %add3A_391, %gather3A_461 : vector<16xi1>, vector<16xf32>
        %broadcast_in_dim3A_463 = vector.shape_cast %xor3A_19 : vector<16xi32> to vector<16x1xi32>
        %gather3A_464 = vector.shape_cast %broadcast_in_dim3A_463 : vector<16x1xi32> to vector<16xi32>
        %gather3A_465 = tpu.dynamic_gather %add3A_391[%gather3A_464] in [0] : vector<16xf32>, vector<16xi32> -> vector<16xf32>
        %select_n3A_466 = arith.select %eq3A_32, %gather3A_465, %add3A_445 : vector<16xi1>, vector<16xf32>
        %add3A_467 = arith.addf %select_n3A_462, %select_n3A_466 : vector<16xf32>
        %broadcast_in_dim3A_468 = vector.shape_cast %xor3A_22 : vector<16xi32> to vector<16x1xi32>
        %gather3A_469 = vector.shape_cast %broadcast_in_dim3A_468 : vector<16x1xi32> to vector<16xi32>
        %gather3A_470 = tpu.dynamic_gather %add3A_467[%gather3A_469] in [0] : vector<16xf32>, vector<16xi32> -> vector<16xf32>
        %select_n3A_471 = arith.select %eq3A_38, %add3A_458, %gather3A_470 : vector<16xi1>, vector<16xf32>
        %broadcast_in_dim3A_472 = vector.shape_cast %xor3A_22 : vector<16xi32> to vector<16x1xi32>
        %gather3A_473 = vector.shape_cast %broadcast_in_dim3A_472 : vector<16x1xi32> to vector<16xi32>
        %gather3A_474 = tpu.dynamic_gather %add3A_458[%gather3A_473] in [0] : vector<16xf32>, vector<16xi32> -> vector<16xf32>
        %select_n3A_475 = arith.select %eq3A_38, %gather3A_474, %add3A_467 : vector<16xi1>, vector<16xf32>
        %add3A_476 = arith.addf %select_n3A_471, %select_n3A_475 : vector<16xf32>
        %broadcast_in_dim3A_477 = vector.shape_cast %xor3A_19 : vector<16xi32> to vector<16x1xi32>
        %gather3A_478 = vector.shape_cast %broadcast_in_dim3A_477 : vector<16x1xi32> to vector<16xi32>
        %gather3A_479 = tpu.dynamic_gather %add3A_344[%gather3A_478] in [0] : vector<16xf32>, vector<16xi32> -> vector<16xf32>
        %select_n3A_480 = arith.select %eq3A_32, %add3A_290, %gather3A_479 : vector<16xi1>, vector<16xf32>
        %broadcast_in_dim3A_481 = vector.shape_cast %xor3A_19 : vector<16xi32> to vector<16x1xi32>
        %gather3A_482 = vector.shape_cast %broadcast_in_dim3A_481 : vector<16x1xi32> to vector<16xi32>
        %gather3A_483 = tpu.dynamic_gather %add3A_290[%gather3A_482] in [0] : vector<16xf32>, vector<16xi32> -> vector<16xf32>
        %select_n3A_484 = arith.select %eq3A_32, %gather3A_483, %add3A_344 : vector<16xi1>, vector<16xf32>
        %add3A_485 = arith.addf %select_n3A_480, %select_n3A_484 : vector<16xf32>
        %broadcast_in_dim3A_486 = vector.shape_cast %xor3A_19 : vector<16xi32> to vector<16x1xi32>
        %gather3A_487 = vector.shape_cast %broadcast_in_dim3A_486 : vector<16x1xi32> to vector<16xi32>
        %gather3A_488 = tpu.dynamic_gather %add3A_452[%gather3A_487] in [0] : vector<16xf32>, vector<16xi32> -> vector<16xf32>
        %select_n3A_489 = arith.select %eq3A_32, %add3A_398, %gather3A_488 : vector<16xi1>, vector<16xf32>
        %broadcast_in_dim3A_490 = vector.shape_cast %xor3A_19 : vector<16xi32> to vector<16x1xi32>
        %gather3A_491 = vector.shape_cast %broadcast_in_dim3A_490 : vector<16x1xi32> to vector<16xi32>
        %gather3A_492 = tpu.dynamic_gather %add3A_398[%gather3A_491] in [0] : vector<16xf32>, vector<16xi32> -> vector<16xf32>
        %select_n3A_493 = arith.select %eq3A_32, %gather3A_492, %add3A_452 : vector<16xi1>, vector<16xf32>
        %add3A_494 = arith.addf %select_n3A_489, %select_n3A_493 : vector<16xf32>
        %broadcast_in_dim3A_495 = vector.shape_cast %xor3A_22 : vector<16xi32> to vector<16x1xi32>
        %gather3A_496 = vector.shape_cast %broadcast_in_dim3A_495 : vector<16x1xi32> to vector<16xi32>
        %gather3A_497 = tpu.dynamic_gather %add3A_494[%gather3A_496] in [0] : vector<16xf32>, vector<16xi32> -> vector<16xf32>
        %select_n3A_498 = arith.select %eq3A_38, %add3A_485, %gather3A_497 : vector<16xi1>, vector<16xf32>
        %broadcast_in_dim3A_499 = vector.shape_cast %xor3A_22 : vector<16xi32> to vector<16x1xi32>
        %gather3A_500 = vector.shape_cast %broadcast_in_dim3A_499 : vector<16x1xi32> to vector<16xi32>
        %gather3A_501 = tpu.dynamic_gather %add3A_485[%gather3A_500] in [0] : vector<16xf32>, vector<16xi32> -> vector<16xf32>
        %select_n3A_502 = arith.select %eq3A_38, %gather3A_501, %add3A_494 : vector<16xi1>, vector<16xf32>
        %add3A_503 = arith.addf %select_n3A_498, %select_n3A_502 : vector<16xf32>
        %broadcast_in_dim3A_504 = vector.shape_cast %xor3A_25 : vector<16xi32> to vector<16x1xi32>
        %gather3A_505 = vector.shape_cast %broadcast_in_dim3A_504 : vector<16x1xi32> to vector<16xi32>
        %gather3A_506 = tpu.dynamic_gather %add3A_476[%gather3A_505] in [0] : vector<16xf32>, vector<16xi32> -> vector<16xf32>
        %add3A_507 = arith.addf %add3A_476, %gather3A_506 : vector<16xf32>
        %broadcast_in_dim3A_508 = vector.shape_cast %xor3A_28 : vector<16xi32> to vector<16x1xi32>
        %gather3A_509 = vector.shape_cast %broadcast_in_dim3A_508 : vector<16x1xi32> to vector<16xi32>
        %gather3A_510 = tpu.dynamic_gather %add3A_507[%gather3A_509] in [0] : vector<16xf32>, vector<16xi32> -> vector<16xf32>
        %add3A_511 = arith.addf %add3A_507, %gather3A_510 : vector<16xf32>
        %broadcast_in_dim3A_512 = vector.shape_cast %xor3A_25 : vector<16xi32> to vector<16x1xi32>
        %gather3A_513 = vector.shape_cast %broadcast_in_dim3A_512 : vector<16x1xi32> to vector<16xi32>
        %gather3A_514 = tpu.dynamic_gather %add3A_503[%gather3A_513] in [0] : vector<16xf32>, vector<16xi32> -> vector<16xf32>
        %add3A_515 = arith.addf %add3A_503, %gather3A_514 : vector<16xf32>
        %broadcast_in_dim3A_516 = vector.shape_cast %xor3A_28 : vector<16xi32> to vector<16x1xi32>
        %gather3A_517 = vector.shape_cast %broadcast_in_dim3A_516 : vector<16x1xi32> to vector<16xi32>
        %gather3A_518 = tpu.dynamic_gather %add3A_515[%gather3A_517] in [0] : vector<16xf32>, vector<16xi32> -> vector<16xf32>
        %add3A_519 = arith.addf %add3A_515, %gather3A_518 : vector<16xf32>
        %mul3A_520 = arith.constant 1.562500e-02 : f32
        %mul3A_521 = vector.broadcast %mul3A_520 : f32 to vector<16xf32>
        %mul3A_522 = arith.mulf %add3A_511, %mul3A_521 : vector<16xf32>
        %mul3A_523 = arith.constant 1.562500e-02 : f32
        %mul3A_524 = vector.broadcast %mul3A_523 : f32 to vector<16xf32>
        %mul3A_525 = arith.mulf %add3A_519, %mul3A_524 : vector<16xf32>
        %mul3A_526 = arith.mulf %mul3A_522, %mul3A_522 : vector<16xf32>
        %sub3A = arith.subf %mul3A_525, %mul3A_526 : vector<16xf32>
        %add3A_527 = arith.constant 9.99999974E-6 : f32
        %add3A_528 = vector.broadcast %add3A_527 : f32 to vector<16xf32>
        %add3A_529 = arith.addf %sub3A, %add3A_528 : vector<16xf32>
        %bitcast3A = vector.bitcast %add3A_529 : vector<16xf32> to vector<16xi32>
        %shift_right_arithmetic3A = arith.constant 1 : i32
        %shift_right_arithmetic3A_530 = vector.broadcast %shift_right_arithmetic3A : i32 to vector<16xi32>
        %shift_right_arithmetic3A_531 = arith.shrsi %bitcast3A, %shift_right_arithmetic3A_530 : vector<16xi32>
        %sub3A_532 = arith.constant 1597463007 : i32
        %sub3A_533 = vector.broadcast %sub3A_532 : i32 to vector<16xi32>
        %sub3A_534 = arith.subi %sub3A_533, %shift_right_arithmetic3A_531 : vector<16xi32>
        %bitcast3A_535 = vector.bitcast %sub3A_534 : vector<16xi32> to vector<16xf32>
        %mul3A_536 = arith.constant 5.000000e-01 : f32
        %mul3A_537 = vector.broadcast %mul3A_536 : f32 to vector<16xf32>
        %mul3A_538 = arith.mulf %mul3A_537, %add3A_529 : vector<16xf32>
        %mul3A_539 = arith.mulf %mul3A_538, %bitcast3A_535 : vector<16xf32>
        %mul3A_540 = arith.mulf %mul3A_539, %bitcast3A_535 : vector<16xf32>
        %sub3A_541 = arith.constant 1.500000e+00 : f32
        %sub3A_542 = vector.broadcast %sub3A_541 : f32 to vector<16xf32>
        %sub3A_543 = arith.subf %sub3A_542, %mul3A_540 : vector<16xf32>
        %mul3A_544 = arith.mulf %bitcast3A_535, %sub3A_543 : vector<16xf32>
        %mul3A_545 = arith.constant 5.000000e-01 : f32
        %mul3A_546 = vector.broadcast %mul3A_545 : f32 to vector<16xf32>
        %mul3A_547 = arith.mulf %mul3A_546, %add3A_529 : vector<16xf32>
        %mul3A_548 = arith.mulf %mul3A_547, %mul3A_544 : vector<16xf32>
        %mul3A_549 = arith.mulf %mul3A_548, %mul3A_544 : vector<16xf32>
        %sub3A_550 = arith.constant 1.500000e+00 : f32
        %sub3A_551 = vector.broadcast %sub3A_550 : f32 to vector<16xf32>
        %sub3A_552 = arith.subf %sub3A_551, %mul3A_549 : vector<16xf32>
        %mul3A_553 = arith.mulf %mul3A_544, %sub3A_552 : vector<16xf32>
        %mul3A_554 = arith.mulf %mul3A_522, %mul3A_553 : vector<16xf32>
        %add3A_555 = arith.constant 0 : i32
        %add3A_556 = arith.addi %min3A_233, %add3A_555 : i32
        %add3A_557 = arith.constant 0 : i32
        %add3A_558 = arith.addi %add3A_556, %add3A_557 : i32
        %broadcast_in_dim3A_559 = arith.constant 0 : i32
        %broadcast_in_dim3A_560 = vector.broadcast %broadcast_in_dim3A_559 : i32 to vector<16xi32>
        %broadcast_in_dim3A_561 = vector.shape_cast %broadcast_in_dim3A_560 : vector<16xi32> to vector<16x1xi32>
        %gather3A_562 = vector.shape_cast %broadcast_in_dim3A_561 : vector<16x1xi32> to vector<16xi32>
        %gather3A_563 = tpu.dynamic_gather %mul3A_553[%gather3A_562] in [0] : vector<16xf32>, vector<16xi32> -> vector<16xf32>
        %broadcast_in_dim3A_564 = vector.shape_cast %broadcast_in_dim3A_560 : vector<16xi32> to vector<16x1xi32>
        %gather3A_565 = vector.shape_cast %broadcast_in_dim3A_564 : vector<16x1xi32> to vector<16xi32>
        %gather3A_566 = tpu.dynamic_gather %mul3A_554[%gather3A_565] in [0] : vector<16xf32>, vector<16xi32> -> vector<16xf32>
        %mul3A_567 = arith.mulf %add3A_253, %gather3A_563 : vector<16xf32>
        %sub3A_568 = arith.subf %mul3A_567, %gather3A_566 : vector<16xf32>
        %mul3A_569 = arith.mulf %sub3A_568, %get3A_3 : vector<16xf32>
        %add3A_570 = arith.addf %mul3A_569, %get3A_5 : vector<16xf32>
        %swap3A = arith.constant 0 : i32
        %swap3A_571 = arith.index_cast %rem3A_170 : i32 to index
        %swap3A_572 = arith.index_cast %swap3A : i32 to index
        %swap3A_573 = arith.index_cast %add3A_558 : i32 to index
        %swap3A_574 = arith.constant 0 : index
        %swap3A_575 = tpu.vector_load %arg12[%swap3A_571, %swap3A_572, %swap3A_573, %swap3A_574] {strides = array<i32>} : memref<2x1x200x64xf32, #tpu.memory_space<vmem>>, vector<16xf32>,
        tpu.vector_store %arg12[%swap3A_571, %swap3A_572, %swap3A_573, %swap3A_574], %add3A_570 {strides = array<i32>} : memref<2x1x200x64xf32, #tpu.memory_space<vmem>>, vector<16xf32>,
        %mul3A_576 = arith.mulf %add3A_262, %gather3A_563 : vector<16xf32>
        %sub3A_577 = arith.subf %mul3A_576, %gather3A_566 : vector<16xf32>
        %mul3A_578 = arith.mulf %sub3A_577, %get3A_7 : vector<16xf32>
        %add3A_579 = arith.addf %mul3A_578, %get3A_9 : vector<16xf32>
        %swap3A_580 = arith.constant 0 : i32
        %swap3A_581 = arith.index_cast %rem3A_170 : i32 to index
        %swap3A_582 = arith.index_cast %swap3A_580 : i32 to index
        %swap3A_583 = arith.index_cast %add3A_558 : i32 to index
        %swap3A_584 = arith.constant 16 : index
        %swap3A_585 = tpu.vector_load %arg12[%swap3A_581, %swap3A_582, %swap3A_583, %swap3A_584] {strides = array<i32>} : memref<2x1x200x64xf32, #tpu.memory_space<vmem>>, vector<16xf32>,
        tpu.vector_store %arg12[%swap3A_581, %swap3A_582, %swap3A_583, %swap3A_584], %add3A_579 {strides = array<i32>} : memref<2x1x200x64xf32, #tpu.memory_space<vmem>>, vector<16xf32>,
        %mul3A_586 = arith.mulf %add3A_271, %gather3A_563 : vector<16xf32>
        %sub3A_587 = arith.subf %mul3A_586, %gather3A_566 : vector<16xf32>
        %mul3A_588 = arith.mulf %sub3A_587, %get3A_11 : vector<16xf32>
        %add3A_589 = arith.addf %mul3A_588, %get3A_13 : vector<16xf32>
        %swap3A_590 = arith.constant 0 : i32
        %swap3A_591 = arith.index_cast %rem3A_170 : i32 to index
        %swap3A_592 = arith.index_cast %swap3A_590 : i32 to index
        %swap3A_593 = arith.index_cast %add3A_558 : i32 to index
        %swap3A_594 = arith.constant 32 : index
        %swap3A_595 = tpu.vector_load %arg12[%swap3A_591, %swap3A_592, %swap3A_593, %swap3A_594] {strides = array<i32>} : memref<2x1x200x64xf32, #tpu.memory_space<vmem>>, vector<16xf32>,
        tpu.vector_store %arg12[%swap3A_591, %swap3A_592, %swap3A_593, %swap3A_594], %add3A_589 {strides = array<i32>} : memref<2x1x200x64xf32, #tpu.memory_space<vmem>>, vector<16xf32>,
        %mul3A_596 = arith.mulf %add3A_280, %gather3A_563 : vector<16xf32>
        %sub3A_597 = arith.subf %mul3A_596, %gather3A_566 : vector<16xf32>
        %mul3A_598 = arith.mulf %sub3A_597, %get3A_15 : vector<16xf32>
        %add3A_599 = arith.addf %mul3A_598, %get3A_17 : vector<16xf32>
        %swap3A_600 = arith.constant 0 : i32
        %swap3A_601 = arith.index_cast %rem3A_170 : i32 to index
        %swap3A_602 = arith.index_cast %swap3A_600 : i32 to index
        %swap3A_603 = arith.index_cast %add3A_558 : i32 to index
        %swap3A_604 = arith.constant 48 : index
        %swap3A_605 = tpu.vector_load %arg12[%swap3A_601, %swap3A_602, %swap3A_603, %swap3A_604] {strides = array<i32>} : memref<2x1x200x64xf32, #tpu.memory_space<vmem>>, vector<16xf32>,
        tpu.vector_store %arg12[%swap3A_601, %swap3A_602, %swap3A_603, %swap3A_604], %add3A_599 {strides = array<i32>} : memref<2x1x200x64xf32, #tpu.memory_space<vmem>>, vector<16xf32>,
        %add3A_606 = arith.constant 0 : i32
        %add3A_607 = arith.addi %min3A_233, %add3A_606 : i32
        %add3A_608 = arith.constant 1 : i32
        %add3A_609 = arith.addi %add3A_607, %add3A_608 : i32
        %broadcast_in_dim3A_610 = arith.constant 1 : i32
        %broadcast_in_dim3A_611 = vector.broadcast %broadcast_in_dim3A_610 : i32 to vector<16xi32>
        %broadcast_in_dim3A_612 = vector.shape_cast %broadcast_in_dim3A_611 : vector<16xi32> to vector<16x1xi32>
        %gather3A_613 = vector.shape_cast %broadcast_in_dim3A_612 : vector<16x1xi32> to vector<16xi32>
        %gather3A_614 = tpu.dynamic_gather %mul3A_553[%gather3A_613] in [0] : vector<16xf32>, vector<16xi32> -> vector<16xf32>
        %broadcast_in_dim3A_615 = vector.shape_cast %broadcast_in_dim3A_611 : vector<16xi32> to vector<16x1xi32>
        %gather3A_616 = vector.shape_cast %broadcast_in_dim3A_615 : vector<16x1xi32> to vector<16xi32>
        %gather3A_617 = tpu.dynamic_gather %mul3A_554[%gather3A_616] in [0] : vector<16xf32>, vector<16xi32> -> vector<16xf32>
        %mul3A_618 = arith.mulf %add3A_307, %gather3A_614 : vector<16xf32>
        %sub3A_619 = arith.subf %mul3A_618, %gather3A_617 : vector<16xf32>
        %mul3A_620 = arith.mulf %sub3A_619, %get3A_3 : vector<16xf32>
        %add3A_621 = arith.addf %mul3A_620, %get3A_5 : vector<16xf32>
        %swap3A_622 = arith.constant 0 : i32
        %swap3A_623 = arith.index_cast %rem3A_170 : i32 to index
        %swap3A_624 = arith.index_cast %swap3A_622 : i32 to index
        %swap3A_625 = arith.index_cast %add3A_609 : i32 to index
        %swap3A_626 = arith.constant 0 : index
        %swap3A_627 = tpu.vector_load %arg12[%swap3A_623, %swap3A_624, %swap3A_625, %swap3A_626] {strides = array<i32>} : memref<2x1x200x64xf32, #tpu.memory_space<vmem>>, vector<16xf32>,
        tpu.vector_store %arg12[%swap3A_623, %swap3A_624, %swap3A_625, %swap3A_626], %add3A_621 {strides = array<i32>} : memref<2x1x200x64xf32, #tpu.memory_space<vmem>>, vector<16xf32>,
        %mul3A_628 = arith.mulf %add3A_316, %gather3A_614 : vector<16xf32>
        %sub3A_629 = arith.subf %mul3A_628, %gather3A_617 : vector<16xf32>
        %mul3A_630 = arith.mulf %sub3A_629, %get3A_7 : vector<16xf32>
        %add3A_631 = arith.addf %mul3A_630, %get3A_9 : vector<16xf32>
        %swap3A_632 = arith.constant 0 : i32
        %swap3A_633 = arith.index_cast %rem3A_170 : i32 to index
        %swap3A_634 = arith.index_cast %swap3A_632 : i32 to index
        %swap3A_635 = arith.index_cast %add3A_609 : i32 to index
        %swap3A_636 = arith.constant 16 : index
        %swap3A_637 = tpu.vector_load %arg12[%swap3A_633, %swap3A_634, %swap3A_635, %swap3A_636] {strides = array<i32>} : memref<2x1x200x64xf32, #tpu.memory_space<vmem>>, vector<16xf32>,
        tpu.vector_store %arg12[%swap3A_633, %swap3A_634, %swap3A_635, %swap3A_636], %add3A_631 {strides = array<i32>} : memref<2x1x200x64xf32, #tpu.memory_space<vmem>>, vector<16xf32>,
        %mul3A_638 = arith.mulf %add3A_325, %gather3A_614 : vector<16xf32>
        %sub3A_639 = arith.subf %mul3A_638, %gather3A_617 : vector<16xf32>
        %mul3A_640 = arith.mulf %sub3A_639, %get3A_11 : vector<16xf32>
        %add3A_641 = arith.addf %mul3A_640, %get3A_13 : vector<16xf32>
        %swap3A_642 = arith.constant 0 : i32
        %swap3A_643 = arith.index_cast %rem3A_170 : i32 to index
        %swap3A_644 = arith.index_cast %swap3A_642 : i32 to index
        %swap3A_645 = arith.index_cast %add3A_609 : i32 to index
        %swap3A_646 = arith.constant 32 : index
        %swap3A_647 = tpu.vector_load %arg12[%swap3A_643, %swap3A_644, %swap3A_645, %swap3A_646] {strides = array<i32>} : memref<2x1x200x64xf32, #tpu.memory_space<vmem>>, vector<16xf32>,
        tpu.vector_store %arg12[%swap3A_643, %swap3A_644, %swap3A_645, %swap3A_646], %add3A_641 {strides = array<i32>} : memref<2x1x200x64xf32, #tpu.memory_space<vmem>>, vector<16xf32>,
        %mul3A_648 = arith.mulf %add3A_334, %gather3A_614 : vector<16xf32>
        %sub3A_649 = arith.subf %mul3A_648, %gather3A_617 : vector<16xf32>
        %mul3A_650 = arith.mulf %sub3A_649, %get3A_15 : vector<16xf32>
        %add3A_651 = arith.addf %mul3A_650, %get3A_17 : vector<16xf32>
        %swap3A_652 = arith.constant 0 : i32
        %swap3A_653 = arith.index_cast %rem3A_170 : i32 to index
        %swap3A_654 = arith.index_cast %swap3A_652 : i32 to index
        %swap3A_655 = arith.index_cast %add3A_609 : i32 to index
        %swap3A_656 = arith.constant 48 : index
        %swap3A_657 = tpu.vector_load %arg12[%swap3A_653, %swap3A_654, %swap3A_655, %swap3A_656] {strides = array<i32>} : memref<2x1x200x64xf32, #tpu.memory_space<vmem>>, vector<16xf32>,
        tpu.vector_store %arg12[%swap3A_653, %swap3A_654, %swap3A_655, %swap3A_656], %add3A_651 {strides = array<i32>} : memref<2x1x200x64xf32, #tpu.memory_space<vmem>>, vector<16xf32>,
        %add3A_658 = arith.constant 0 : i32
        %add3A_659 = arith.addi %min3A_233, %add3A_658 : i32
        %add3A_660 = arith.constant 2 : i32
        %add3A_661 = arith.addi %add3A_659, %add3A_660 : i32
        %broadcast_in_dim3A_662 = arith.constant 2 : i32
        %broadcast_in_dim3A_663 = vector.broadcast %broadcast_in_dim3A_662 : i32 to vector<16xi32>
        %broadcast_in_dim3A_664 = vector.shape_cast %broadcast_in_dim3A_663 : vector<16xi32> to vector<16x1xi32>
        %gather3A_665 = vector.shape_cast %broadcast_in_dim3A_664 : vector<16x1xi32> to vector<16xi32>
        %gather3A_666 = tpu.dynamic_gather %mul3A_553[%gather3A_665] in [0] : vector<16xf32>, vector<16xi32> -> vector<16xf32>
        %broadcast_in_dim3A_667 = vector.shape_cast %broadcast_in_dim3A_663 : vector<16xi32> to vector<16x1xi32>
        %gather3A_668 = vector.shape_cast %broadcast_in_dim3A_667 : vector<16x1xi32> to vector<16xi32>
        %gather3A_669 = tpu.dynamic_gather %mul3A_554[%gather3A_668] in [0] : vector<16xf32>, vector<16xi32> -> vector<16xf32>
        %mul3A_670 = arith.mulf %add3A_361, %gather3A_666 : vector<16xf32>
        %sub3A_671 = arith.subf %mul3A_670, %gather3A_669 : vector<16xf32>
        %mul3A_672 = arith.mulf %sub3A_671, %get3A_3 : vector<16xf32>
        %add3A_673 = arith.addf %mul3A_672, %get3A_5 : vector<16xf32>
        %swap3A_674 = arith.constant 0 : i32
        %swap3A_675 = arith.index_cast %rem3A_170 : i32 to index
        %swap3A_676 = arith.index_cast %swap3A_674 : i32 to index
        %swap3A_677 = arith.index_cast %add3A_661 : i32 to index
        %swap3A_678 = arith.constant 0 : index
        %swap3A_679 = tpu.vector_load %arg12[%swap3A_675, %swap3A_676, %swap3A_677, %swap3A_678] {strides = array<i32>} : memref<2x1x200x64xf32, #tpu.memory_space<vmem>>, vector<16xf32>,
        tpu.vector_store %arg12[%swap3A_675, %swap3A_676, %swap3A_677, %swap3A_678], %add3A_673 {strides = array<i32>} : memref<2x1x200x64xf32, #tpu.memory_space<vmem>>, vector<16xf32>,
        %mul3A_680 = arith.mulf %add3A_370, %gather3A_666 : vector<16xf32>
        %sub3A_681 = arith.subf %mul3A_680, %gather3A_669 : vector<16xf32>
        %mul3A_682 = arith.mulf %sub3A_681, %get3A_7 : vector<16xf32>
        %add3A_683 = arith.addf %mul3A_682, %get3A_9 : vector<16xf32>
        %swap3A_684 = arith.constant 0 : i32
        %swap3A_685 = arith.index_cast %rem3A_170 : i32 to index
        %swap3A_686 = arith.index_cast %swap3A_684 : i32 to index
        %swap3A_687 = arith.index_cast %add3A_661 : i32 to index
        %swap3A_688 = arith.constant 16 : index
        %swap3A_689 = tpu.vector_load %arg12[%swap3A_685, %swap3A_686, %swap3A_687, %swap3A_688] {strides = array<i32>} : memref<2x1x200x64xf32, #tpu.memory_space<vmem>>, vector<16xf32>,
        tpu.vector_store %arg12[%swap3A_685, %swap3A_686, %swap3A_687, %swap3A_688], %add3A_683 {strides = array<i32>} : memref<2x1x200x64xf32, #tpu.memory_space<vmem>>, vector<16xf32>,
        %mul3A_690 = arith.mulf %add3A_379, %gather3A_666 : vector<16xf32>
        %sub3A_691 = arith.subf %mul3A_690, %gather3A_669 : vector<16xf32>
        %mul3A_692 = arith.mulf %sub3A_691, %get3A_11 : vector<16xf32>
        %add3A_693 = arith.addf %mul3A_692, %get3A_13 : vector<16xf32>
        %swap3A_694 = arith.constant 0 : i32
        %swap3A_695 = arith.index_cast %rem3A_170 : i32 to index
        %swap3A_696 = arith.index_cast %swap3A_694 : i32 to index
        %swap3A_697 = arith.index_cast %add3A_661 : i32 to index
        %swap3A_698 = arith.constant 32 : index
        %swap3A_699 = tpu.vector_load %arg12[%swap3A_695, %swap3A_696, %swap3A_697, %swap3A_698] {strides = array<i32>} : memref<2x1x200x64xf32, #tpu.memory_space<vmem>>, vector<16xf32>,
        tpu.vector_store %arg12[%swap3A_695, %swap3A_696, %swap3A_697, %swap3A_698], %add3A_693 {strides = array<i32>} : memref<2x1x200x64xf32, #tpu.memory_space<vmem>>, vector<16xf32>,
        %mul3A_700 = arith.mulf %add3A_388, %gather3A_666 : vector<16xf32>
        %sub3A_701 = arith.subf %mul3A_700, %gather3A_669 : vector<16xf32>
        %mul3A_702 = arith.mulf %sub3A_701, %get3A_15 : vector<16xf32>
        %add3A_703 = arith.addf %mul3A_702, %get3A_17 : vector<16xf32>
        %swap3A_704 = arith.constant 0 : i32
        %swap3A_705 = arith.index_cast %rem3A_170 : i32 to index
        %swap3A_706 = arith.index_cast %swap3A_704 : i32 to index
        %swap3A_707 = arith.index_cast %add3A_661 : i32 to index
        %swap3A_708 = arith.constant 48 : index
        %swap3A_709 = tpu.vector_load %arg12[%swap3A_705, %swap3A_706, %swap3A_707, %swap3A_708] {strides = array<i32>} : memref<2x1x200x64xf32, #tpu.memory_space<vmem>>, vector<16xf32>,
        tpu.vector_store %arg12[%swap3A_705, %swap3A_706, %swap3A_707, %swap3A_708], %add3A_703 {strides = array<i32>} : memref<2x1x200x64xf32, #tpu.memory_space<vmem>>, vector<16xf32>,
        %add3A_710 = arith.constant 0 : i32
        %add3A_711 = arith.addi %min3A_233, %add3A_710 : i32
        %add3A_712 = arith.constant 3 : i32
        %add3A_713 = arith.addi %add3A_711, %add3A_712 : i32
        %broadcast_in_dim3A_714 = arith.constant 3 : i32
        %broadcast_in_dim3A_715 = vector.broadcast %broadcast_in_dim3A_714 : i32 to vector<16xi32>
        %broadcast_in_dim3A_716 = vector.shape_cast %broadcast_in_dim3A_715 : vector<16xi32> to vector<16x1xi32>
        %gather3A_717 = vector.shape_cast %broadcast_in_dim3A_716 : vector<16x1xi32> to vector<16xi32>
        %gather3A_718 = tpu.dynamic_gather %mul3A_553[%gather3A_717] in [0] : vector<16xf32>, vector<16xi32> -> vector<16xf32>
        %broadcast_in_dim3A_719 = vector.shape_cast %broadcast_in_dim3A_715 : vector<16xi32> to vector<16x1xi32>
        %gather3A_720 = vector.shape_cast %broadcast_in_dim3A_719 : vector<16x1xi32> to vector<16xi32>
        %gather3A_721 = tpu.dynamic_gather %mul3A_554[%gather3A_720] in [0] : vector<16xf32>, vector<16xi32> -> vector<16xf32>
        %mul3A_722 = arith.mulf %add3A_415, %gather3A_718 : vector<16xf32>
        %sub3A_723 = arith.subf %mul3A_722, %gather3A_721 : vector<16xf32>
        %mul3A_724 = arith.mulf %sub3A_723, %get3A_3 : vector<16xf32>
        %add3A_725 = arith.addf %mul3A_724, %get3A_5 : vector<16xf32>
        %swap3A_726 = arith.constant 0 : i32
        %swap3A_727 = arith.index_cast %rem3A_170 : i32 to index
        %swap3A_728 = arith.index_cast %swap3A_726 : i32 to index
        %swap3A_729 = arith.index_cast %add3A_713 : i32 to index
        %swap3A_730 = arith.constant 0 : index
        %swap3A_731 = tpu.vector_load %arg12[%swap3A_727, %swap3A_728, %swap3A_729, %swap3A_730] {strides = array<i32>} : memref<2x1x200x64xf32, #tpu.memory_space<vmem>>, vector<16xf32>,
        tpu.vector_store %arg12[%swap3A_727, %swap3A_728, %swap3A_729, %swap3A_730], %add3A_725 {strides = array<i32>} : memref<2x1x200x64xf32, #tpu.memory_space<vmem>>, vector<16xf32>,
        %mul3A_732 = arith.mulf %add3A_424, %gather3A_718 : vector<16xf32>
        %sub3A_733 = arith.subf %mul3A_732, %gather3A_721 : vector<16xf32>
        %mul3A_734 = arith.mulf %sub3A_733, %get3A_7 : vector<16xf32>
        %add3A_735 = arith.addf %mul3A_734, %get3A_9 : vector<16xf32>
        %swap3A_736 = arith.constant 0 : i32
        %swap3A_737 = arith.index_cast %rem3A_170 : i32 to index
        %swap3A_738 = arith.index_cast %swap3A_736 : i32 to index
        %swap3A_739 = arith.index_cast %add3A_713 : i32 to index
        %swap3A_740 = arith.constant 16 : index
        %swap3A_741 = tpu.vector_load %arg12[%swap3A_737, %swap3A_738, %swap3A_739, %swap3A_740] {strides = array<i32>} : memref<2x1x200x64xf32, #tpu.memory_space<vmem>>, vector<16xf32>,
        tpu.vector_store %arg12[%swap3A_737, %swap3A_738, %swap3A_739, %swap3A_740], %add3A_735 {strides = array<i32>} : memref<2x1x200x64xf32, #tpu.memory_space<vmem>>, vector<16xf32>,
        %mul3A_742 = arith.mulf %add3A_433, %gather3A_718 : vector<16xf32>
        %sub3A_743 = arith.subf %mul3A_742, %gather3A_721 : vector<16xf32>
        %mul3A_744 = arith.mulf %sub3A_743, %get3A_11 : vector<16xf32>
        %add3A_745 = arith.addf %mul3A_744, %get3A_13 : vector<16xf32>
        %swap3A_746 = arith.constant 0 : i32
        %swap3A_747 = arith.index_cast %rem3A_170 : i32 to index
        %swap3A_748 = arith.index_cast %swap3A_746 : i32 to index
        %swap3A_749 = arith.index_cast %add3A_713 : i32 to index
        %swap3A_750 = arith.constant 32 : index
        %swap3A_751 = tpu.vector_load %arg12[%swap3A_747, %swap3A_748, %swap3A_749, %swap3A_750] {strides = array<i32>} : memref<2x1x200x64xf32, #tpu.memory_space<vmem>>, vector<16xf32>,
        tpu.vector_store %arg12[%swap3A_747, %swap3A_748, %swap3A_749, %swap3A_750], %add3A_745 {strides = array<i32>} : memref<2x1x200x64xf32, #tpu.memory_space<vmem>>, vector<16xf32>,
        %mul3A_752 = arith.mulf %add3A_442, %gather3A_718 : vector<16xf32>
        %sub3A_753 = arith.subf %mul3A_752, %gather3A_721 : vector<16xf32>
        %mul3A_754 = arith.mulf %sub3A_753, %get3A_15 : vector<16xf32>
        %add3A_755 = arith.addf %mul3A_754, %get3A_17 : vector<16xf32>
        %swap3A_756 = arith.constant 0 : i32
        %swap3A_757 = arith.index_cast %rem3A_170 : i32 to index
        %swap3A_758 = arith.index_cast %swap3A_756 : i32 to index
        %swap3A_759 = arith.index_cast %add3A_713 : i32 to index
        %swap3A_760 = arith.constant 48 : index
        %swap3A_761 = tpu.vector_load %arg12[%swap3A_757, %swap3A_758, %swap3A_759, %swap3A_760] {strides = array<i32>} : memref<2x1x200x64xf32, #tpu.memory_space<vmem>>, vector<16xf32>,
        tpu.vector_store %arg12[%swap3A_757, %swap3A_758, %swap3A_759, %swap3A_760], %add3A_755 {strides = array<i32>} : memref<2x1x200x64xf32, #tpu.memory_space<vmem>>, vector<16xf32>,
        %add3A_762 = arith.constant 4 : i32
        %add3A_763 = arith.addi %min3A_233, %add3A_762 : i32
        %add3A_764 = arith.constant 0 : i32
        %add3A_765 = arith.addi %add3A_763, %add3A_764 : i32
        %slice3A_766 = vector.extract_strided_slice %get3A_238 {offsets = [4], sizes = [1], strides = [1]} : vector<16xi32> to vector<1xi32>
        %squeeze3A_767 = vector.extract %slice3A_766[0] : i32 from vector<1xi32>
        %mul3A_768 = arith.constant 64 : i32
        %mul3A_769 = arith.muli %squeeze3A_767, %mul3A_768 : i32
        %get3A_770 = arith.index_cast %rem3A_170 : i32 to index
        %get3A_771 = arith.index_cast %add3A_765 : i32 to index
        %get3A_772 = arith.constant 0 : index
        %get3A_773 = tpu.vector_load %arg11[%get3A_770, %get3A_771, %get3A_772] {strides = array<i32>} : memref<2x200x64xf32, #tpu.memory_space<vmem>>, vector<16xf32>,
        %add3A_774 = arith.constant 0 : i32
        %add3A_775 = arith.addi %mul3A_769, %add3A_774 : i32
        %get3A_776 = arith.index_cast %add3A_775 : i32 to index
        %get3A_777 = tpu.vector_load %arg13[%get3A_776] {strides = array<i32>} : memref<6400xf32, #tpu.memory_space<vmem>>, vector<16xf32>,
        %add3A_778 = arith.addf %get3A_773, %get3A_777 : vector<16xf32>
        %get3A_779 = arith.index_cast %rem3A_170 : i32 to index
        %get3A_780 = arith.index_cast %add3A_765 : i32 to index
        %get3A_781 = arith.constant 16 : index
        %get3A_782 = tpu.vector_load %arg11[%get3A_779, %get3A_780, %get3A_781] {strides = array<i32>} : memref<2x200x64xf32, #tpu.memory_space<vmem>>, vector<16xf32>,
        %add3A_783 = arith.constant 16 : i32
        %add3A_784 = arith.addi %mul3A_769, %add3A_783 : i32
        %get3A_785 = arith.index_cast %add3A_784 : i32 to index
        %get3A_786 = tpu.vector_load %arg13[%get3A_785] {strides = array<i32>} : memref<6400xf32, #tpu.memory_space<vmem>>, vector<16xf32>,
        %add3A_787 = arith.addf %get3A_782, %get3A_786 : vector<16xf32>
        %get3A_788 = arith.index_cast %rem3A_170 : i32 to index
        %get3A_789 = arith.index_cast %add3A_765 : i32 to index
        %get3A_790 = arith.constant 32 : index
        %get3A_791 = tpu.vector_load %arg11[%get3A_788, %get3A_789, %get3A_790] {strides = array<i32>} : memref<2x200x64xf32, #tpu.memory_space<vmem>>, vector<16xf32>,
        %add3A_792 = arith.constant 32 : i32
        %add3A_793 = arith.addi %mul3A_769, %add3A_792 : i32
        %get3A_794 = arith.index_cast %add3A_793 : i32 to index
        %get3A_795 = tpu.vector_load %arg13[%get3A_794] {strides = array<i32>} : memref<6400xf32, #tpu.memory_space<vmem>>, vector<16xf32>,
        %add3A_796 = arith.addf %get3A_791, %get3A_795 : vector<16xf32>
        %get3A_797 = arith.index_cast %rem3A_170 : i32 to index
        %get3A_798 = arith.index_cast %add3A_765 : i32 to index
        %get3A_799 = arith.constant 48 : index
        %get3A_800 = tpu.vector_load %arg11[%get3A_797, %get3A_798, %get3A_799] {strides = array<i32>} : memref<2x200x64xf32, #tpu.memory_space<vmem>>, vector<16xf32>,
        %add3A_801 = arith.constant 48 : i32
        %add3A_802 = arith.addi %mul3A_769, %add3A_801 : i32
        %get3A_803 = arith.index_cast %add3A_802 : i32 to index
        %get3A_804 = tpu.vector_load %arg13[%get3A_803] {strides = array<i32>} : memref<6400xf32, #tpu.memory_space<vmem>>, vector<16xf32>,
        %add3A_805 = arith.addf %get3A_800, %get3A_804 : vector<16xf32>
        %add3A_806 = arith.addf %add3A_778, %add3A_787 : vector<16xf32>
        %add3A_807 = arith.addf %add3A_796, %add3A_805 : vector<16xf32>
        %add3A_808 = arith.addf %add3A_806, %add3A_807 : vector<16xf32>
        %mul3A_809 = arith.mulf %add3A_778, %add3A_778 : vector<16xf32>
        %mul3A_810 = arith.mulf %add3A_787, %add3A_787 : vector<16xf32>
        %add3A_811 = arith.addf %mul3A_809, %mul3A_810 : vector<16xf32>
        %mul3A_812 = arith.mulf %add3A_796, %add3A_796 : vector<16xf32>
        %mul3A_813 = arith.mulf %add3A_805, %add3A_805 : vector<16xf32>
        %add3A_814 = arith.addf %mul3A_812, %mul3A_813 : vector<16xf32>
        %add3A_815 = arith.addf %add3A_811, %add3A_814 : vector<16xf32>
        %add3A_816 = arith.constant 4 : i32
        %add3A_817 = arith.addi %min3A_233, %add3A_816 : i32
        %add3A_818 = arith.constant 1 : i32
        %add3A_819 = arith.addi %add3A_817, %add3A_818 : i32
        %slice3A_820 = vector.extract_strided_slice %get3A_238 {offsets = [5], sizes = [1], strides = [1]} : vector<16xi32> to vector<1xi32>
        %squeeze3A_821 = vector.extract %slice3A_820[0] : i32 from vector<1xi32>
        %mul3A_822 = arith.constant 64 : i32
        %mul3A_823 = arith.muli %squeeze3A_821, %mul3A_822 : i32
        %get3A_824 = arith.index_cast %rem3A_170 : i32 to index
        %get3A_825 = arith.index_cast %add3A_819 : i32 to index
        %get3A_826 = arith.constant 0 : index
        %get3A_827 = tpu.vector_load %arg11[%get3A_824, %get3A_825, %get3A_826] {strides = array<i32>} : memref<2x200x64xf32, #tpu.memory_space<vmem>>, vector<16xf32>,
        %add3A_828 = arith.constant 0 : i32
        %add3A_829 = arith.addi %mul3A_823, %add3A_828 : i32
        %get3A_830 = arith.index_cast %add3A_829 : i32 to index
        %get3A_831 = tpu.vector_load %arg13[%get3A_830] {strides = array<i32>} : memref<6400xf32, #tpu.memory_space<vmem>>, vector<16xf32>,
        %add3A_832 = arith.addf %get3A_827, %get3A_831 : vector<16xf32>
        %get3A_833 = arith.index_cast %rem3A_170 : i32 to index
        %get3A_834 = arith.index_cast %add3A_819 : i32 to index
        %get3A_835 = arith.constant 16 : index
        %get3A_836 = tpu.vector_load %arg11[%get3A_833, %get3A_834, %get3A_835] {strides = array<i32>} : memref<2x200x64xf32, #tpu.memory_space<vmem>>, vector<16xf32>,
        %add3A_837 = arith.constant 16 : i32
        %add3A_838 = arith.addi %mul3A_823, %add3A_837 : i32
        %get3A_839 = arith.index_cast %add3A_838 : i32 to index
        %get3A_840 = tpu.vector_load %arg13[%get3A_839] {strides = array<i32>} : memref<6400xf32, #tpu.memory_space<vmem>>, vector<16xf32>,
        %add3A_841 = arith.addf %get3A_836, %get3A_840 : vector<16xf32>
        %get3A_842 = arith.index_cast %rem3A_170 : i32 to index
        %get3A_843 = arith.index_cast %add3A_819 : i32 to index
        %get3A_844 = arith.constant 32 : index
        %get3A_845 = tpu.vector_load %arg11[%get3A_842, %get3A_843, %get3A_844] {strides = array<i32>} : memref<2x200x64xf32, #tpu.memory_space<vmem>>, vector<16xf32>,
        %add3A_846 = arith.constant 32 : i32
        %add3A_847 = arith.addi %mul3A_823, %add3A_846 : i32
        %get3A_848 = arith.index_cast %add3A_847 : i32 to index
        %get3A_849 = tpu.vector_load %arg13[%get3A_848] {strides = array<i32>} : memref<6400xf32, #tpu.memory_space<vmem>>, vector<16xf32>,
        %add3A_850 = arith.addf %get3A_845, %get3A_849 : vector<16xf32>
        %get3A_851 = arith.index_cast %rem3A_170 : i32 to index
        %get3A_852 = arith.index_cast %add3A_819 : i32 to index
        %get3A_853 = arith.constant 48 : index
        %get3A_854 = tpu.vector_load %arg11[%get3A_851, %get3A_852, %get3A_853] {strides = array<i32>} : memref<2x200x64xf32, #tpu.memory_space<vmem>>, vector<16xf32>,
        %add3A_855 = arith.constant 48 : i32
        %add3A_856 = arith.addi %mul3A_823, %add3A_855 : i32
        %get3A_857 = arith.index_cast %add3A_856 : i32 to index
        %get3A_858 = tpu.vector_load %arg13[%get3A_857] {strides = array<i32>} : memref<6400xf32, #tpu.memory_space<vmem>>, vector<16xf32>,
        %add3A_859 = arith.addf %get3A_854, %get3A_858 : vector<16xf32>
        %add3A_860 = arith.addf %add3A_832, %add3A_841 : vector<16xf32>
        %add3A_861 = arith.addf %add3A_850, %add3A_859 : vector<16xf32>
        %add3A_862 = arith.addf %add3A_860, %add3A_861 : vector<16xf32>
        %mul3A_863 = arith.mulf %add3A_832, %add3A_832 : vector<16xf32>
        %mul3A_864 = arith.mulf %add3A_841, %add3A_841 : vector<16xf32>
        %add3A_865 = arith.addf %mul3A_863, %mul3A_864 : vector<16xf32>
        %mul3A_866 = arith.mulf %add3A_850, %add3A_850 : vector<16xf32>
        %mul3A_867 = arith.mulf %add3A_859, %add3A_859 : vector<16xf32>
        %add3A_868 = arith.addf %mul3A_866, %mul3A_867 : vector<16xf32>
        %add3A_869 = arith.addf %add3A_865, %add3A_868 : vector<16xf32>
        %add3A_870 = arith.constant 4 : i32
        %add3A_871 = arith.addi %min3A_233, %add3A_870 : i32
        %add3A_872 = arith.constant 2 : i32
        %add3A_873 = arith.addi %add3A_871, %add3A_872 : i32
        %slice3A_874 = vector.extract_strided_slice %get3A_238 {offsets = [6], sizes = [1], strides = [1]} : vector<16xi32> to vector<1xi32>
        %squeeze3A_875 = vector.extract %slice3A_874[0] : i32 from vector<1xi32>
        %mul3A_876 = arith.constant 64 : i32
        %mul3A_877 = arith.muli %squeeze3A_875, %mul3A_876 : i32
        %get3A_878 = arith.index_cast %rem3A_170 : i32 to index
        %get3A_879 = arith.index_cast %add3A_873 : i32 to index
        %get3A_880 = arith.constant 0 : index
        %get3A_881 = tpu.vector_load %arg11[%get3A_878, %get3A_879, %get3A_880] {strides = array<i32>} : memref<2x200x64xf32, #tpu.memory_space<vmem>>, vector<16xf32>,
        %add3A_882 = arith.constant 0 : i32
        %add3A_883 = arith.addi %mul3A_877, %add3A_882 : i32
        %get3A_884 = arith.index_cast %add3A_883 : i32 to index
        %get3A_885 = tpu.vector_load %arg13[%get3A_884] {strides = array<i32>} : memref<6400xf32, #tpu.memory_space<vmem>>, vector<16xf32>,
        %add3A_886 = arith.addf %get3A_881, %get3A_885 : vector<16xf32>
        %get3A_887 = arith.index_cast %rem3A_170 : i32 to index
        %get3A_888 = arith.index_cast %add3A_873 : i32 to index
        %get3A_889 = arith.constant 16 : index
        %get3A_890 = tpu.vector_load %arg11[%get3A_887, %get3A_888, %get3A_889] {strides = array<i32>} : memref<2x200x64xf32, #tpu.memory_space<vmem>>, vector<16xf32>,
        %add3A_891 = arith.constant 16 : i32
        %add3A_892 = arith.addi %mul3A_877, %add3A_891 : i32
        %get3A_893 = arith.index_cast %add3A_892 : i32 to index
        %get3A_894 = tpu.vector_load %arg13[%get3A_893] {strides = array<i32>} : memref<6400xf32, #tpu.memory_space<vmem>>, vector<16xf32>,
        %add3A_895 = arith.addf %get3A_890, %get3A_894 : vector<16xf32>
        %get3A_896 = arith.index_cast %rem3A_170 : i32 to index
        %get3A_897 = arith.index_cast %add3A_873 : i32 to index
        %get3A_898 = arith.constant 32 : index
        %get3A_899 = tpu.vector_load %arg11[%get3A_896, %get3A_897, %get3A_898] {strides = array<i32>} : memref<2x200x64xf32, #tpu.memory_space<vmem>>, vector<16xf32>,
        %add3A_900 = arith.constant 32 : i32
        %add3A_901 = arith.addi %mul3A_877, %add3A_900 : i32
        %get3A_902 = arith.index_cast %add3A_901 : i32 to index
        %get3A_903 = tpu.vector_load %arg13[%get3A_902] {strides = array<i32>} : memref<6400xf32, #tpu.memory_space<vmem>>, vector<16xf32>,
        %add3A_904 = arith.addf %get3A_899, %get3A_903 : vector<16xf32>
        %get3A_905 = arith.index_cast %rem3A_170 : i32 to index
        %get3A_906 = arith.index_cast %add3A_873 : i32 to index
        %get3A_907 = arith.constant 48 : index
        %get3A_908 = tpu.vector_load %arg11[%get3A_905, %get3A_906, %get3A_907] {strides = array<i32>} : memref<2x200x64xf32, #tpu.memory_space<vmem>>, vector<16xf32>,
        %add3A_909 = arith.constant 48 : i32
        %add3A_910 = arith.addi %mul3A_877, %add3A_909 : i32
        %get3A_911 = arith.index_cast %add3A_910 : i32 to index
        %get3A_912 = tpu.vector_load %arg13[%get3A_911] {strides = array<i32>} : memref<6400xf32, #tpu.memory_space<vmem>>, vector<16xf32>,
        %add3A_913 = arith.addf %get3A_908, %get3A_912 : vector<16xf32>
        %add3A_914 = arith.addf %add3A_886, %add3A_895 : vector<16xf32>
        %add3A_915 = arith.addf %add3A_904, %add3A_913 : vector<16xf32>
        %add3A_916 = arith.addf %add3A_914, %add3A_915 : vector<16xf32>
        %mul3A_917 = arith.mulf %add3A_886, %add3A_886 : vector<16xf32>
        %mul3A_918 = arith.mulf %add3A_895, %add3A_895 : vector<16xf32>
        %add3A_919 = arith.addf %mul3A_917, %mul3A_918 : vector<16xf32>
        %mul3A_920 = arith.mulf %add3A_904, %add3A_904 : vector<16xf32>
        %mul3A_921 = arith.mulf %add3A_913, %add3A_913 : vector<16xf32>
        %add3A_922 = arith.addf %mul3A_920, %mul3A_921 : vector<16xf32>
        %add3A_923 = arith.addf %add3A_919, %add3A_922 : vector<16xf32>
        %add3A_924 = arith.constant 4 : i32
        %add3A_925 = arith.addi %min3A_233, %add3A_924 : i32
        %add3A_926 = arith.constant 3 : i32
        %add3A_927 = arith.addi %add3A_925, %add3A_926 : i32
        %slice3A_928 = vector.extract_strided_slice %get3A_238 {offsets = [7], sizes = [1], strides = [1]} : vector<16xi32> to vector<1xi32>
        %squeeze3A_929 = vector.extract %slice3A_928[0] : i32 from vector<1xi32>
        %mul3A_930 = arith.constant 64 : i32
        %mul3A_931 = arith.muli %squeeze3A_929, %mul3A_930 : i32
        %get3A_932 = arith.index_cast %rem3A_170 : i32 to index
        %get3A_933 = arith.index_cast %add3A_927 : i32 to index
        %get3A_934 = arith.constant 0 : index
        %get3A_935 = tpu.vector_load %arg11[%get3A_932, %get3A_933, %get3A_934] {strides = array<i32>} : memref<2x200x64xf32, #tpu.memory_space<vmem>>, vector<16xf32>,
        %add3A_936 = arith.constant 0 : i32
        %add3A_937 = arith.addi %mul3A_931, %add3A_936 : i32
        %get3A_938 = arith.index_cast %add3A_937 : i32 to index
        %get3A_939 = tpu.vector_load %arg13[%get3A_938] {strides = array<i32>} : memref<6400xf32, #tpu.memory_space<vmem>>, vector<16xf32>,
        %add3A_940 = arith.addf %get3A_935, %get3A_939 : vector<16xf32>
        %get3A_941 = arith.index_cast %rem3A_170 : i32 to index
        %get3A_942 = arith.index_cast %add3A_927 : i32 to index
        %get3A_943 = arith.constant 16 : index
        %get3A_944 = tpu.vector_load %arg11[%get3A_941, %get3A_942, %get3A_943] {strides = array<i32>} : memref<2x200x64xf32, #tpu.memory_space<vmem>>, vector<16xf32>,
        %add3A_945 = arith.constant 16 : i32
        %add3A_946 = arith.addi %mul3A_931, %add3A_945 : i32
        %get3A_947 = arith.index_cast %add3A_946 : i32 to index
        %get3A_948 = tpu.vector_load %arg13[%get3A_947] {strides = array<i32>} : memref<6400xf32, #tpu.memory_space<vmem>>, vector<16xf32>,
        %add3A_949 = arith.addf %get3A_944, %get3A_948 : vector<16xf32>
        %get3A_950 = arith.index_cast %rem3A_170 : i32 to index
        %get3A_951 = arith.index_cast %add3A_927 : i32 to index
        %get3A_952 = arith.constant 32 : index
        %get3A_953 = tpu.vector_load %arg11[%get3A_950, %get3A_951, %get3A_952] {strides = array<i32>} : memref<2x200x64xf32, #tpu.memory_space<vmem>>, vector<16xf32>,
        %add3A_954 = arith.constant 32 : i32
        %add3A_955 = arith.addi %mul3A_931, %add3A_954 : i32
        %get3A_956 = arith.index_cast %add3A_955 : i32 to index
        %get3A_957 = tpu.vector_load %arg13[%get3A_956] {strides = array<i32>} : memref<6400xf32, #tpu.memory_space<vmem>>, vector<16xf32>,
        %add3A_958 = arith.addf %get3A_953, %get3A_957 : vector<16xf32>
        %get3A_959 = arith.index_cast %rem3A_170 : i32 to index
        %get3A_960 = arith.index_cast %add3A_927 : i32 to index
        %get3A_961 = arith.constant 48 : index
        %get3A_962 = tpu.vector_load %arg11[%get3A_959, %get3A_960, %get3A_961] {strides = array<i32>} : memref<2x200x64xf32, #tpu.memory_space<vmem>>, vector<16xf32>,
        %add3A_963 = arith.constant 48 : i32
        %add3A_964 = arith.addi %mul3A_931, %add3A_963 : i32
        %get3A_965 = arith.index_cast %add3A_964 : i32 to index
        %get3A_966 = tpu.vector_load %arg13[%get3A_965] {strides = array<i32>} : memref<6400xf32, #tpu.memory_space<vmem>>, vector<16xf32>,
        %add3A_967 = arith.addf %get3A_962, %get3A_966 : vector<16xf32>
        %add3A_968 = arith.addf %add3A_940, %add3A_949 : vector<16xf32>
        %add3A_969 = arith.addf %add3A_958, %add3A_967 : vector<16xf32>
        %add3A_970 = arith.addf %add3A_968, %add3A_969 : vector<16xf32>
        %mul3A_971 = arith.mulf %add3A_940, %add3A_940 : vector<16xf32>
        %mul3A_972 = arith.mulf %add3A_949, %add3A_949 : vector<16xf32>
        %add3A_973 = arith.addf %mul3A_971, %mul3A_972 : vector<16xf32>
        %mul3A_974 = arith.mulf %add3A_958, %add3A_958 : vector<16xf32>
        %mul3A_975 = arith.mulf %add3A_967, %add3A_967 : vector<16xf32>
        %add3A_976 = arith.addf %mul3A_974, %mul3A_975 : vector<16xf32>
        %add3A_977 = arith.addf %add3A_973, %add3A_976 : vector<16xf32>
        %broadcast_in_dim3A_978 = vector.shape_cast %xor3A_19 : vector<16xi32> to vector<16x1xi32>
        %gather3A_979 = vector.shape_cast %broadcast_in_dim3A_978 : vector<16x1xi32> to vector<16xi32>
        %gather3A_980 = tpu.dynamic_gather %add3A_862[%gather3A_979] in [0] : vector<16xf32>, vector<16xi32> -> vector<16xf32>
        %select_n3A_981 = arith.select %eq3A_32, %add3A_808, %gather3A_980 : vector<16xi1>, vector<16xf32>
        %broadcast_in_dim3A_982 = vector.shape_cast %xor3A_19 : vector<16xi32> to vector<16x1xi32>
        %gather3A_983 = vector.shape_cast %broadcast_in_dim3A_982 : vector<16x1xi32> to vector<16xi32>
        %gather3A_984 = tpu.dynamic_gather %add3A_808[%gather3A_983] in [0] : vector<16xf32>, vector<16xi32> -> vector<16xf32>
        %select_n3A_985 = arith.select %eq3A_32, %gather3A_984, %add3A_862 : vector<16xi1>, vector<16xf32>
        %add3A_986 = arith.addf %select_n3A_981, %select_n3A_985 : vector<16xf32>
        %broadcast_in_dim3A_987 = vector.shape_cast %xor3A_19 : vector<16xi32> to vector<16x1xi32>
        %gather3A_988 = vector.shape_cast %broadcast_in_dim3A_987 : vector<16x1xi32> to vector<16xi32>
        %gather3A_989 = tpu.dynamic_gather %add3A_970[%gather3A_988] in [0] : vector<16xf32>, vector<16xi32> -> vector<16xf32>
        %select_n3A_990 = arith.select %eq3A_32, %add3A_916, %gather3A_989 : vector<16xi1>, vector<16xf32>
        %broadcast_in_dim3A_991 = vector.shape_cast %xor3A_19 : vector<16xi32> to vector<16x1xi32>
        %gather3A_992 = vector.shape_cast %broadcast_in_dim3A_991 : vector<16x1xi32> to vector<16xi32>
        %gather3A_993 = tpu.dynamic_gather %add3A_916[%gather3A_992] in [0] : vector<16xf32>, vector<16xi32> -> vector<16xf32>
        %select_n3A_994 = arith.select %eq3A_32, %gather3A_993, %add3A_970 : vector<16xi1>, vector<16xf32>
        %add3A_995 = arith.addf %select_n3A_990, %select_n3A_994 : vector<16xf32>
        %broadcast_in_dim3A_996 = vector.shape_cast %xor3A_22 : vector<16xi32> to vector<16x1xi32>
        %gather3A_997 = vector.shape_cast %broadcast_in_dim3A_996 : vector<16x1xi32> to vector<16xi32>
        %gather3A_998 = tpu.dynamic_gather %add3A_995[%gather3A_997] in [0] : vector<16xf32>, vector<16xi32> -> vector<16xf32>
        %select_n3A_999 = arith.select %eq3A_38, %add3A_986, %gather3A_998 : vector<16xi1>, vector<16xf32>
        %broadcast_in_dim3A_1000 = vector.shape_cast %xor3A_22 : vector<16xi32> to vector<16x1xi32>
        %gather3A_1001 = vector.shape_cast %broadcast_in_dim3A_1000 : vector<16x1xi32> to vector<16xi32>
        %gather3A_1002 = tpu.dynamic_gather %add3A_986[%gather3A_1001] in [0] : vector<16xf32>, vector<16xi32> -> vector<16xf32>
        %select_n3A_1003 = arith.select %eq3A_38, %gather3A_1002, %add3A_995 : vector<16xi1>, vector<16xf32>
        %add3A_1004 = arith.addf %select_n3A_999, %select_n3A_1003 : vector<16xf32>
        %broadcast_in_dim3A_1005 = vector.shape_cast %xor3A_19 : vector<16xi32> to vector<16x1xi32>
        %gather3A_1006 = vector.shape_cast %broadcast_in_dim3A_1005 : vector<16x1xi32> to vector<16xi32>
        %gather3A_1007 = tpu.dynamic_gather %add3A_869[%gather3A_1006] in [0] : vector<16xf32>, vector<16xi32> -> vector<16xf32>
        %select_n3A_1008 = arith.select %eq3A_32, %add3A_815, %gather3A_1007 : vector<16xi1>, vector<16xf32>
        %broadcast_in_dim3A_1009 = vector.shape_cast %xor3A_19 : vector<16xi32> to vector<16x1xi32>
        %gather3A_1010 = vector.shape_cast %broadcast_in_dim3A_1009 : vector<16x1xi32> to vector<16xi32>
        %gather3A_1011 = tpu.dynamic_gather %add3A_815[%gather3A_1010] in [0] : vector<16xf32>, vector<16xi32> -> vector<16xf32>
        %select_n3A_1012 = arith.select %eq3A_32, %gather3A_1011, %add3A_869 : vector<16xi1>, vector<16xf32>
        %add3A_1013 = arith.addf %select_n3A_1008, %select_n3A_1012 : vector<16xf32>
        %broadcast_in_dim3A_1014 = vector.shape_cast %xor3A_19 : vector<16xi32> to vector<16x1xi32>
        %gather3A_1015 = vector.shape_cast %broadcast_in_dim3A_1014 : vector<16x1xi32> to vector<16xi32>
        %gather3A_1016 = tpu.dynamic_gather %add3A_977[%gather3A_1015] in [0] : vector<16xf32>, vector<16xi32> -> vector<16xf32>
        %select_n3A_1017 = arith.select %eq3A_32, %add3A_923, %gather3A_1016 : vector<16xi1>, vector<16xf32>
        %broadcast_in_dim3A_1018 = vector.shape_cast %xor3A_19 : vector<16xi32> to vector<16x1xi32>
        %gather3A_1019 = vector.shape_cast %broadcast_in_dim3A_1018 : vector<16x1xi32> to vector<16xi32>
        %gather3A_1020 = tpu.dynamic_gather %add3A_923[%gather3A_1019] in [0] : vector<16xf32>, vector<16xi32> -> vector<16xf32>
        %select_n3A_1021 = arith.select %eq3A_32, %gather3A_1020, %add3A_977 : vector<16xi1>, vector<16xf32>
        %add3A_1022 = arith.addf %select_n3A_1017, %select_n3A_1021 : vector<16xf32>
        %broadcast_in_dim3A_1023 = vector.shape_cast %xor3A_22 : vector<16xi32> to vector<16x1xi32>
        %gather3A_1024 = vector.shape_cast %broadcast_in_dim3A_1023 : vector<16x1xi32> to vector<16xi32>
        %gather3A_1025 = tpu.dynamic_gather %add3A_1022[%gather3A_1024] in [0] : vector<16xf32>, vector<16xi32> -> vector<16xf32>
        %select_n3A_1026 = arith.select %eq3A_38, %add3A_1013, %gather3A_1025 : vector<16xi1>, vector<16xf32>
        %broadcast_in_dim3A_1027 = vector.shape_cast %xor3A_22 : vector<16xi32> to vector<16x1xi32>
        %gather3A_1028 = vector.shape_cast %broadcast_in_dim3A_1027 : vector<16x1xi32> to vector<16xi32>
        %gather3A_1029 = tpu.dynamic_gather %add3A_1013[%gather3A_1028] in [0] : vector<16xf32>, vector<16xi32> -> vector<16xf32>
        %select_n3A_1030 = arith.select %eq3A_38, %gather3A_1029, %add3A_1022 : vector<16xi1>, vector<16xf32>
        %add3A_1031 = arith.addf %select_n3A_1026, %select_n3A_1030 : vector<16xf32>
        %broadcast_in_dim3A_1032 = vector.shape_cast %xor3A_25 : vector<16xi32> to vector<16x1xi32>
        %gather3A_1033 = vector.shape_cast %broadcast_in_dim3A_1032 : vector<16x1xi32> to vector<16xi32>
        %gather3A_1034 = tpu.dynamic_gather %add3A_1004[%gather3A_1033] in [0] : vector<16xf32>, vector<16xi32> -> vector<16xf32>
        %add3A_1035 = arith.addf %add3A_1004, %gather3A_1034 : vector<16xf32>
        %broadcast_in_dim3A_1036 = vector.shape_cast %xor3A_28 : vector<16xi32> to vector<16x1xi32>
        %gather3A_1037 = vector.shape_cast %broadcast_in_dim3A_1036 : vector<16x1xi32> to vector<16xi32>
        %gather3A_1038 = tpu.dynamic_gather %add3A_1035[%gather3A_1037] in [0] : vector<16xf32>, vector<16xi32> -> vector<16xf32>
        %add3A_1039 = arith.addf %add3A_1035, %gather3A_1038 : vector<16xf32>
        %broadcast_in_dim3A_1040 = vector.shape_cast %xor3A_25 : vector<16xi32> to vector<16x1xi32>
        %gather3A_1041 = vector.shape_cast %broadcast_in_dim3A_1040 : vector<16x1xi32> to vector<16xi32>
        %gather3A_1042 = tpu.dynamic_gather %add3A_1031[%gather3A_1041] in [0] : vector<16xf32>, vector<16xi32> -> vector<16xf32>
        %add3A_1043 = arith.addf %add3A_1031, %gather3A_1042 : vector<16xf32>
        %broadcast_in_dim3A_1044 = vector.shape_cast %xor3A_28 : vector<16xi32> to vector<16x1xi32>
        %gather3A_1045 = vector.shape_cast %broadcast_in_dim3A_1044 : vector<16x1xi32> to vector<16xi32>
        %gather3A_1046 = tpu.dynamic_gather %add3A_1043[%gather3A_1045] in [0] : vector<16xf32>, vector<16xi32> -> vector<16xf32>
        %add3A_1047 = arith.addf %add3A_1043, %gather3A_1046 : vector<16xf32>
        %mul3A_1048 = arith.constant 1.562500e-02 : f32
        %mul3A_1049 = vector.broadcast %mul3A_1048 : f32 to vector<16xf32>
        %mul3A_1050 = arith.mulf %add3A_1039, %mul3A_1049 : vector<16xf32>
        %mul3A_1051 = arith.constant 1.562500e-02 : f32
        %mul3A_1052 = vector.broadcast %mul3A_1051 : f32 to vector<16xf32>
        %mul3A_1053 = arith.mulf %add3A_1047, %mul3A_1052 : vector<16xf32>
        %mul3A_1054 = arith.mulf %mul3A_1050, %mul3A_1050 : vector<16xf32>
        %sub3A_1055 = arith.subf %mul3A_1053, %mul3A_1054 : vector<16xf32>
        %add3A_1056 = arith.constant 9.99999974E-6 : f32
        %add3A_1057 = vector.broadcast %add3A_1056 : f32 to vector<16xf32>
        %add3A_1058 = arith.addf %sub3A_1055, %add3A_1057 : vector<16xf32>
        %bitcast3A_1059 = vector.bitcast %add3A_1058 : vector<16xf32> to vector<16xi32>
        %shift_right_arithmetic3A_1060 = arith.constant 1 : i32
        %shift_right_arithmetic3A_1061 = vector.broadcast %shift_right_arithmetic3A_1060 : i32 to vector<16xi32>
        %shift_right_arithmetic3A_1062 = arith.shrsi %bitcast3A_1059, %shift_right_arithmetic3A_1061 : vector<16xi32>
        %sub3A_1063 = arith.constant 1597463007 : i32
        %sub3A_1064 = vector.broadcast %sub3A_1063 : i32 to vector<16xi32>
        %sub3A_1065 = arith.subi %sub3A_1064, %shift_right_arithmetic3A_1062 : vector<16xi32>
        %bitcast3A_1066 = vector.bitcast %sub3A_1065 : vector<16xi32> to vector<16xf32>
        %mul3A_1067 = arith.constant 5.000000e-01 : f32
        %mul3A_1068 = vector.broadcast %mul3A_1067 : f32 to vector<16xf32>
        %mul3A_1069 = arith.mulf %mul3A_1068, %add3A_1058 : vector<16xf32>
        %mul3A_1070 = arith.mulf %mul3A_1069, %bitcast3A_1066 : vector<16xf32>
        %mul3A_1071 = arith.mulf %mul3A_1070, %bitcast3A_1066 : vector<16xf32>
        %sub3A_1072 = arith.constant 1.500000e+00 : f32
        %sub3A_1073 = vector.broadcast %sub3A_1072 : f32 to vector<16xf32>
        %sub3A_1074 = arith.subf %sub3A_1073, %mul3A_1071 : vector<16xf32>
        %mul3A_1075 = arith.mulf %bitcast3A_1066, %sub3A_1074 : vector<16xf32>
        %mul3A_1076 = arith.constant 5.000000e-01 : f32
        %mul3A_1077 = vector.broadcast %mul3A_1076 : f32 to vector<16xf32>
        %mul3A_1078 = arith.mulf %mul3A_1077, %add3A_1058 : vector<16xf32>
        %mul3A_1079 = arith.mulf %mul3A_1078, %mul3A_1075 : vector<16xf32>
        %mul3A_1080 = arith.mulf %mul3A_1079, %mul3A_1075 : vector<16xf32>
        %sub3A_1081 = arith.constant 1.500000e+00 : f32
        %sub3A_1082 = vector.broadcast %sub3A_1081 : f32 to vector<16xf32>
        %sub3A_1083 = arith.subf %sub3A_1082, %mul3A_1080 : vector<16xf32>
        %mul3A_1084 = arith.mulf %mul3A_1075, %sub3A_1083 : vector<16xf32>
        %mul3A_1085 = arith.mulf %mul3A_1050, %mul3A_1084 : vector<16xf32>
        %add3A_1086 = arith.constant 4 : i32
        %add3A_1087 = arith.addi %min3A_233, %add3A_1086 : i32
        %add3A_1088 = arith.constant 0 : i32
        %add3A_1089 = arith.addi %add3A_1087, %add3A_1088 : i32
        %broadcast_in_dim3A_1090 = arith.constant 0 : i32
        %broadcast_in_dim3A_1091 = vector.broadcast %broadcast_in_dim3A_1090 : i32 to vector<16xi32>
        %broadcast_in_dim3A_1092 = vector.shape_cast %broadcast_in_dim3A_1091 : vector<16xi32> to vector<16x1xi32>
        %gather3A_1093 = vector.shape_cast %broadcast_in_dim3A_1092 : vector<16x1xi32> to vector<16xi32>
        %gather3A_1094 = tpu.dynamic_gather %mul3A_1084[%gather3A_1093] in [0] : vector<16xf32>, vector<16xi32> -> vector<16xf32>
        %broadcast_in_dim3A_1095 = vector.shape_cast %broadcast_in_dim3A_1091 : vector<16xi32> to vector<16x1xi32>
        %gather3A_1096 = vector.shape_cast %broadcast_in_dim3A_1095 : vector<16x1xi32> to vector<16xi32>
        %gather3A_1097 = tpu.dynamic_gather %mul3A_1085[%gather3A_1096] in [0] : vector<16xf32>, vector<16xi32> -> vector<16xf32>
        %mul3A_1098 = arith.mulf %add3A_778, %gather3A_1094 : vector<16xf32>
        %sub3A_1099 = arith.subf %mul3A_1098, %gather3A_1097 : vector<16xf32>
        %mul3A_1100 = arith.mulf %sub3A_1099, %get3A_3 : vector<16xf32>
        %add3A_1101 = arith.addf %mul3A_1100, %get3A_5 : vector<16xf32>
        %swap3A_1102 = arith.constant 0 : i32
        %swap3A_1103 = arith.index_cast %rem3A_170 : i32 to index
        %swap3A_1104 = arith.index_cast %swap3A_1102 : i32 to index
        %swap3A_1105 = arith.index_cast %add3A_1089 : i32 to index
        %swap3A_1106 = arith.constant 0 : index
        %swap3A_1107 = tpu.vector_load %arg12[%swap3A_1103, %swap3A_1104, %swap3A_1105, %swap3A_1106] {strides = array<i32>} : memref<2x1x200x64xf32, #tpu.memory_space<vmem>>, vector<16xf32>,
        tpu.vector_store %arg12[%swap3A_1103, %swap3A_1104, %swap3A_1105, %swap3A_1106], %add3A_1101 {strides = array<i32>} : memref<2x1x200x64xf32, #tpu.memory_space<vmem>>, vector<16xf32>,
        %mul3A_1108 = arith.mulf %add3A_787, %gather3A_1094 : vector<16xf32>
        %sub3A_1109 = arith.subf %mul3A_1108, %gather3A_1097 : vector<16xf32>
        %mul3A_1110 = arith.mulf %sub3A_1109, %get3A_7 : vector<16xf32>
        %add3A_1111 = arith.addf %mul3A_1110, %get3A_9 : vector<16xf32>
        %swap3A_1112 = arith.constant 0 : i32
        %swap3A_1113 = arith.index_cast %rem3A_170 : i32 to index
        %swap3A_1114 = arith.index_cast %swap3A_1112 : i32 to index
        %swap3A_1115 = arith.index_cast %add3A_1089 : i32 to index
        %swap3A_1116 = arith.constant 16 : index
        %swap3A_1117 = tpu.vector_load %arg12[%swap3A_1113, %swap3A_1114, %swap3A_1115, %swap3A_1116] {strides = array<i32>} : memref<2x1x200x64xf32, #tpu.memory_space<vmem>>, vector<16xf32>,
        tpu.vector_store %arg12[%swap3A_1113, %swap3A_1114, %swap3A_1115, %swap3A_1116], %add3A_1111 {strides = array<i32>} : memref<2x1x200x64xf32, #tpu.memory_space<vmem>>, vector<16xf32>,
        %mul3A_1118 = arith.mulf %add3A_796, %gather3A_1094 : vector<16xf32>
        %sub3A_1119 = arith.subf %mul3A_1118, %gather3A_1097 : vector<16xf32>
        %mul3A_1120 = arith.mulf %sub3A_1119, %get3A_11 : vector<16xf32>
        %add3A_1121 = arith.addf %mul3A_1120, %get3A_13 : vector<16xf32>
        %swap3A_1122 = arith.constant 0 : i32
        %swap3A_1123 = arith.index_cast %rem3A_170 : i32 to index
        %swap3A_1124 = arith.index_cast %swap3A_1122 : i32 to index
        %swap3A_1125 = arith.index_cast %add3A_1089 : i32 to index
        %swap3A_1126 = arith.constant 32 : index
        %swap3A_1127 = tpu.vector_load %arg12[%swap3A_1123, %swap3A_1124, %swap3A_1125, %swap3A_1126] {strides = array<i32>} : memref<2x1x200x64xf32, #tpu.memory_space<vmem>>, vector<16xf32>,
        tpu.vector_store %arg12[%swap3A_1123, %swap3A_1124, %swap3A_1125, %swap3A_1126], %add3A_1121 {strides = array<i32>} : memref<2x1x200x64xf32, #tpu.memory_space<vmem>>, vector<16xf32>,
        %mul3A_1128 = arith.mulf %add3A_805, %gather3A_1094 : vector<16xf32>
        %sub3A_1129 = arith.subf %mul3A_1128, %gather3A_1097 : vector<16xf32>
        %mul3A_1130 = arith.mulf %sub3A_1129, %get3A_15 : vector<16xf32>
        %add3A_1131 = arith.addf %mul3A_1130, %get3A_17 : vector<16xf32>
        %swap3A_1132 = arith.constant 0 : i32
        %swap3A_1133 = arith.index_cast %rem3A_170 : i32 to index
        %swap3A_1134 = arith.index_cast %swap3A_1132 : i32 to index
        %swap3A_1135 = arith.index_cast %add3A_1089 : i32 to index
        %swap3A_1136 = arith.constant 48 : index
        %swap3A_1137 = tpu.vector_load %arg12[%swap3A_1133, %swap3A_1134, %swap3A_1135, %swap3A_1136] {strides = array<i32>} : memref<2x1x200x64xf32, #tpu.memory_space<vmem>>, vector<16xf32>,
        tpu.vector_store %arg12[%swap3A_1133, %swap3A_1134, %swap3A_1135, %swap3A_1136], %add3A_1131 {strides = array<i32>} : memref<2x1x200x64xf32, #tpu.memory_space<vmem>>, vector<16xf32>,
        %add3A_1138 = arith.constant 4 : i32
        %add3A_1139 = arith.addi %min3A_233, %add3A_1138 : i32
        %add3A_1140 = arith.constant 1 : i32
        %add3A_1141 = arith.addi %add3A_1139, %add3A_1140 : i32
        %broadcast_in_dim3A_1142 = arith.constant 1 : i32
        %broadcast_in_dim3A_1143 = vector.broadcast %broadcast_in_dim3A_1142 : i32 to vector<16xi32>
        %broadcast_in_dim3A_1144 = vector.shape_cast %broadcast_in_dim3A_1143 : vector<16xi32> to vector<16x1xi32>
        %gather3A_1145 = vector.shape_cast %broadcast_in_dim3A_1144 : vector<16x1xi32> to vector<16xi32>
        %gather3A_1146 = tpu.dynamic_gather %mul3A_1084[%gather3A_1145] in [0] : vector<16xf32>, vector<16xi32> -> vector<16xf32>
        %broadcast_in_dim3A_1147 = vector.shape_cast %broadcast_in_dim3A_1143 : vector<16xi32> to vector<16x1xi32>
        %gather3A_1148 = vector.shape_cast %broadcast_in_dim3A_1147 : vector<16x1xi32> to vector<16xi32>
        %gather3A_1149 = tpu.dynamic_gather %mul3A_1085[%gather3A_1148] in [0] : vector<16xf32>, vector<16xi32> -> vector<16xf32>
        %mul3A_1150 = arith.mulf %add3A_832, %gather3A_1146 : vector<16xf32>
        %sub3A_1151 = arith.subf %mul3A_1150, %gather3A_1149 : vector<16xf32>
        %mul3A_1152 = arith.mulf %sub3A_1151, %get3A_3 : vector<16xf32>
        %add3A_1153 = arith.addf %mul3A_1152, %get3A_5 : vector<16xf32>
        %swap3A_1154 = arith.constant 0 : i32
        %swap3A_1155 = arith.index_cast %rem3A_170 : i32 to index
        %swap3A_1156 = arith.index_cast %swap3A_1154 : i32 to index
        %swap3A_1157 = arith.index_cast %add3A_1141 : i32 to index
        %swap3A_1158 = arith.constant 0 : index
        %swap3A_1159 = tpu.vector_load %arg12[%swap3A_1155, %swap3A_1156, %swap3A_1157, %swap3A_1158] {strides = array<i32>} : memref<2x1x200x64xf32, #tpu.memory_space<vmem>>, vector<16xf32>,
        tpu.vector_store %arg12[%swap3A_1155, %swap3A_1156, %swap3A_1157, %swap3A_1158], %add3A_1153 {strides = array<i32>} : memref<2x1x200x64xf32, #tpu.memory_space<vmem>>, vector<16xf32>,
        %mul3A_1160 = arith.mulf %add3A_841, %gather3A_1146 : vector<16xf32>
        %sub3A_1161 = arith.subf %mul3A_1160, %gather3A_1149 : vector<16xf32>
        %mul3A_1162 = arith.mulf %sub3A_1161, %get3A_7 : vector<16xf32>
        %add3A_1163 = arith.addf %mul3A_1162, %get3A_9 : vector<16xf32>
        %swap3A_1164 = arith.constant 0 : i32
        %swap3A_1165 = arith.index_cast %rem3A_170 : i32 to index
        %swap3A_1166 = arith.index_cast %swap3A_1164 : i32 to index
        %swap3A_1167 = arith.index_cast %add3A_1141 : i32 to index
        %swap3A_1168 = arith.constant 16 : index
        %swap3A_1169 = tpu.vector_load %arg12[%swap3A_1165, %swap3A_1166, %swap3A_1167, %swap3A_1168] {strides = array<i32>} : memref<2x1x200x64xf32, #tpu.memory_space<vmem>>, vector<16xf32>,
        tpu.vector_store %arg12[%swap3A_1165, %swap3A_1166, %swap3A_1167, %swap3A_1168], %add3A_1163 {strides = array<i32>} : memref<2x1x200x64xf32, #tpu.memory_space<vmem>>, vector<16xf32>,
        %mul3A_1170 = arith.mulf %add3A_850, %gather3A_1146 : vector<16xf32>
        %sub3A_1171 = arith.subf %mul3A_1170, %gather3A_1149 : vector<16xf32>
        %mul3A_1172 = arith.mulf %sub3A_1171, %get3A_11 : vector<16xf32>
        %add3A_1173 = arith.addf %mul3A_1172, %get3A_13 : vector<16xf32>
        %swap3A_1174 = arith.constant 0 : i32
        %swap3A_1175 = arith.index_cast %rem3A_170 : i32 to index
        %swap3A_1176 = arith.index_cast %swap3A_1174 : i32 to index
        %swap3A_1177 = arith.index_cast %add3A_1141 : i32 to index
        %swap3A_1178 = arith.constant 32 : index
        %swap3A_1179 = tpu.vector_load %arg12[%swap3A_1175, %swap3A_1176, %swap3A_1177, %swap3A_1178] {strides = array<i32>} : memref<2x1x200x64xf32, #tpu.memory_space<vmem>>, vector<16xf32>,
        tpu.vector_store %arg12[%swap3A_1175, %swap3A_1176, %swap3A_1177, %swap3A_1178], %add3A_1173 {strides = array<i32>} : memref<2x1x200x64xf32, #tpu.memory_space<vmem>>, vector<16xf32>,
        %mul3A_1180 = arith.mulf %add3A_859, %gather3A_1146 : vector<16xf32>
        %sub3A_1181 = arith.subf %mul3A_1180, %gather3A_1149 : vector<16xf32>
        %mul3A_1182 = arith.mulf %sub3A_1181, %get3A_15 : vector<16xf32>
        %add3A_1183 = arith.addf %mul3A_1182, %get3A_17 : vector<16xf32>
        %swap3A_1184 = arith.constant 0 : i32
        %swap3A_1185 = arith.index_cast %rem3A_170 : i32 to index
        %swap3A_1186 = arith.index_cast %swap3A_1184 : i32 to index
        %swap3A_1187 = arith.index_cast %add3A_1141 : i32 to index
        %swap3A_1188 = arith.constant 48 : index
        %swap3A_1189 = tpu.vector_load %arg12[%swap3A_1185, %swap3A_1186, %swap3A_1187, %swap3A_1188] {strides = array<i32>} : memref<2x1x200x64xf32, #tpu.memory_space<vmem>>, vector<16xf32>,
        tpu.vector_store %arg12[%swap3A_1185, %swap3A_1186, %swap3A_1187, %swap3A_1188], %add3A_1183 {strides = array<i32>} : memref<2x1x200x64xf32, #tpu.memory_space<vmem>>, vector<16xf32>,
        %add3A_1190 = arith.constant 4 : i32
        %add3A_1191 = arith.addi %min3A_233, %add3A_1190 : i32
        %add3A_1192 = arith.constant 2 : i32
        %add3A_1193 = arith.addi %add3A_1191, %add3A_1192 : i32
        %broadcast_in_dim3A_1194 = arith.constant 2 : i32
        %broadcast_in_dim3A_1195 = vector.broadcast %broadcast_in_dim3A_1194 : i32 to vector<16xi32>
        %broadcast_in_dim3A_1196 = vector.shape_cast %broadcast_in_dim3A_1195 : vector<16xi32> to vector<16x1xi32>
        %gather3A_1197 = vector.shape_cast %broadcast_in_dim3A_1196 : vector<16x1xi32> to vector<16xi32>
        %gather3A_1198 = tpu.dynamic_gather %mul3A_1084[%gather3A_1197] in [0] : vector<16xf32>, vector<16xi32> -> vector<16xf32>
        %broadcast_in_dim3A_1199 = vector.shape_cast %broadcast_in_dim3A_1195 : vector<16xi32> to vector<16x1xi32>
        %gather3A_1200 = vector.shape_cast %broadcast_in_dim3A_1199 : vector<16x1xi32> to vector<16xi32>
        %gather3A_1201 = tpu.dynamic_gather %mul3A_1085[%gather3A_1200] in [0] : vector<16xf32>, vector<16xi32> -> vector<16xf32>
        %mul3A_1202 = arith.mulf %add3A_886, %gather3A_1198 : vector<16xf32>
        %sub3A_1203 = arith.subf %mul3A_1202, %gather3A_1201 : vector<16xf32>
        %mul3A_1204 = arith.mulf %sub3A_1203, %get3A_3 : vector<16xf32>
        %add3A_1205 = arith.addf %mul3A_1204, %get3A_5 : vector<16xf32>
        %swap3A_1206 = arith.constant 0 : i32
        %swap3A_1207 = arith.index_cast %rem3A_170 : i32 to index
        %swap3A_1208 = arith.index_cast %swap3A_1206 : i32 to index
        %swap3A_1209 = arith.index_cast %add3A_1193 : i32 to index
        %swap3A_1210 = arith.constant 0 : index
        %swap3A_1211 = tpu.vector_load %arg12[%swap3A_1207, %swap3A_1208, %swap3A_1209, %swap3A_1210] {strides = array<i32>} : memref<2x1x200x64xf32, #tpu.memory_space<vmem>>, vector<16xf32>,
        tpu.vector_store %arg12[%swap3A_1207, %swap3A_1208, %swap3A_1209, %swap3A_1210], %add3A_1205 {strides = array<i32>} : memref<2x1x200x64xf32, #tpu.memory_space<vmem>>, vector<16xf32>,
        %mul3A_1212 = arith.mulf %add3A_895, %gather3A_1198 : vector<16xf32>
        %sub3A_1213 = arith.subf %mul3A_1212, %gather3A_1201 : vector<16xf32>
        %mul3A_1214 = arith.mulf %sub3A_1213, %get3A_7 : vector<16xf32>
        %add3A_1215 = arith.addf %mul3A_1214, %get3A_9 : vector<16xf32>
        %swap3A_1216 = arith.constant 0 : i32
        %swap3A_1217 = arith.index_cast %rem3A_170 : i32 to index
        %swap3A_1218 = arith.index_cast %swap3A_1216 : i32 to index
        %swap3A_1219 = arith.index_cast %add3A_1193 : i32 to index
        %swap3A_1220 = arith.constant 16 : index
        %swap3A_1221 = tpu.vector_load %arg12[%swap3A_1217, %swap3A_1218, %swap3A_1219, %swap3A_1220] {strides = array<i32>} : memref<2x1x200x64xf32, #tpu.memory_space<vmem>>, vector<16xf32>,
        tpu.vector_store %arg12[%swap3A_1217, %swap3A_1218, %swap3A_1219, %swap3A_1220], %add3A_1215 {strides = array<i32>} : memref<2x1x200x64xf32, #tpu.memory_space<vmem>>, vector<16xf32>,
        %mul3A_1222 = arith.mulf %add3A_904, %gather3A_1198 : vector<16xf32>
        %sub3A_1223 = arith.subf %mul3A_1222, %gather3A_1201 : vector<16xf32>
        %mul3A_1224 = arith.mulf %sub3A_1223, %get3A_11 : vector<16xf32>
        %add3A_1225 = arith.addf %mul3A_1224, %get3A_13 : vector<16xf32>
        %swap3A_1226 = arith.constant 0 : i32
        %swap3A_1227 = arith.index_cast %rem3A_170 : i32 to index
        %swap3A_1228 = arith.index_cast %swap3A_1226 : i32 to index
        %swap3A_1229 = arith.index_cast %add3A_1193 : i32 to index
        %swap3A_1230 = arith.constant 32 : index
        %swap3A_1231 = tpu.vector_load %arg12[%swap3A_1227, %swap3A_1228, %swap3A_1229, %swap3A_1230] {strides = array<i32>} : memref<2x1x200x64xf32, #tpu.memory_space<vmem>>, vector<16xf32>,
        tpu.vector_store %arg12[%swap3A_1227, %swap3A_1228, %swap3A_1229, %swap3A_1230], %add3A_1225 {strides = array<i32>} : memref<2x1x200x64xf32, #tpu.memory_space<vmem>>, vector<16xf32>,
        %mul3A_1232 = arith.mulf %add3A_913, %gather3A_1198 : vector<16xf32>
        %sub3A_1233 = arith.subf %mul3A_1232, %gather3A_1201 : vector<16xf32>
        %mul3A_1234 = arith.mulf %sub3A_1233, %get3A_15 : vector<16xf32>
        %add3A_1235 = arith.addf %mul3A_1234, %get3A_17 : vector<16xf32>
        %swap3A_1236 = arith.constant 0 : i32
        %swap3A_1237 = arith.index_cast %rem3A_170 : i32 to index
        %swap3A_1238 = arith.index_cast %swap3A_1236 : i32 to index
        %swap3A_1239 = arith.index_cast %add3A_1193 : i32 to index
        %swap3A_1240 = arith.constant 48 : index
        %swap3A_1241 = tpu.vector_load %arg12[%swap3A_1237, %swap3A_1238, %swap3A_1239, %swap3A_1240] {strides = array<i32>} : memref<2x1x200x64xf32, #tpu.memory_space<vmem>>, vector<16xf32>,
        tpu.vector_store %arg12[%swap3A_1237, %swap3A_1238, %swap3A_1239, %swap3A_1240], %add3A_1235 {strides = array<i32>} : memref<2x1x200x64xf32, #tpu.memory_space<vmem>>, vector<16xf32>,
        %add3A_1242 = arith.constant 4 : i32
        %add3A_1243 = arith.addi %min3A_233, %add3A_1242 : i32
        %add3A_1244 = arith.constant 3 : i32
        %add3A_1245 = arith.addi %add3A_1243, %add3A_1244 : i32
        %broadcast_in_dim3A_1246 = arith.constant 3 : i32
        %broadcast_in_dim3A_1247 = vector.broadcast %broadcast_in_dim3A_1246 : i32 to vector<16xi32>
        %broadcast_in_dim3A_1248 = vector.shape_cast %broadcast_in_dim3A_1247 : vector<16xi32> to vector<16x1xi32>
        %gather3A_1249 = vector.shape_cast %broadcast_in_dim3A_1248 : vector<16x1xi32> to vector<16xi32>
        %gather3A_1250 = tpu.dynamic_gather %mul3A_1084[%gather3A_1249] in [0] : vector<16xf32>, vector<16xi32> -> vector<16xf32>
        %broadcast_in_dim3A_1251 = vector.shape_cast %broadcast_in_dim3A_1247 : vector<16xi32> to vector<16x1xi32>
        %gather3A_1252 = vector.shape_cast %broadcast_in_dim3A_1251 : vector<16x1xi32> to vector<16xi32>
        %gather3A_1253 = tpu.dynamic_gather %mul3A_1085[%gather3A_1252] in [0] : vector<16xf32>, vector<16xi32> -> vector<16xf32>
        %mul3A_1254 = arith.mulf %add3A_940, %gather3A_1250 : vector<16xf32>
        %sub3A_1255 = arith.subf %mul3A_1254, %gather3A_1253 : vector<16xf32>
        %mul3A_1256 = arith.mulf %sub3A_1255, %get3A_3 : vector<16xf32>
        %add3A_1257 = arith.addf %mul3A_1256, %get3A_5 : vector<16xf32>
        %swap3A_1258 = arith.constant 0 : i32
        %swap3A_1259 = arith.index_cast %rem3A_170 : i32 to index
        %swap3A_1260 = arith.index_cast %swap3A_1258 : i32 to index
        %swap3A_1261 = arith.index_cast %add3A_1245 : i32 to index
        %swap3A_1262 = arith.constant 0 : index
        %swap3A_1263 = tpu.vector_load %arg12[%swap3A_1259, %swap3A_1260, %swap3A_1261, %swap3A_1262] {strides = array<i32>} : memref<2x1x200x64xf32, #tpu.memory_space<vmem>>, vector<16xf32>,
        tpu.vector_store %arg12[%swap3A_1259, %swap3A_1260, %swap3A_1261, %swap3A_1262], %add3A_1257 {strides = array<i32>} : memref<2x1x200x64xf32, #tpu.memory_space<vmem>>, vector<16xf32>,
        %mul3A_1264 = arith.mulf %add3A_949, %gather3A_1250 : vector<16xf32>
        %sub3A_1265 = arith.subf %mul3A_1264, %gather3A_1253 : vector<16xf32>
        %mul3A_1266 = arith.mulf %sub3A_1265, %get3A_7 : vector<16xf32>
        %add3A_1267 = arith.addf %mul3A_1266, %get3A_9 : vector<16xf32>
        %swap3A_1268 = arith.constant 0 : i32
        %swap3A_1269 = arith.index_cast %rem3A_170 : i32 to index
        %swap3A_1270 = arith.index_cast %swap3A_1268 : i32 to index
        %swap3A_1271 = arith.index_cast %add3A_1245 : i32 to index
        %swap3A_1272 = arith.constant 16 : index
        %swap3A_1273 = tpu.vector_load %arg12[%swap3A_1269, %swap3A_1270, %swap3A_1271, %swap3A_1272] {strides = array<i32>} : memref<2x1x200x64xf32, #tpu.memory_space<vmem>>, vector<16xf32>,
        tpu.vector_store %arg12[%swap3A_1269, %swap3A_1270, %swap3A_1271, %swap3A_1272], %add3A_1267 {strides = array<i32>} : memref<2x1x200x64xf32, #tpu.memory_space<vmem>>, vector<16xf32>,
        %mul3A_1274 = arith.mulf %add3A_958, %gather3A_1250 : vector<16xf32>
        %sub3A_1275 = arith.subf %mul3A_1274, %gather3A_1253 : vector<16xf32>
        %mul3A_1276 = arith.mulf %sub3A_1275, %get3A_11 : vector<16xf32>
        %add3A_1277 = arith.addf %mul3A_1276, %get3A_13 : vector<16xf32>
        %swap3A_1278 = arith.constant 0 : i32
        %swap3A_1279 = arith.index_cast %rem3A_170 : i32 to index
        %swap3A_1280 = arith.index_cast %swap3A_1278 : i32 to index
        %swap3A_1281 = arith.index_cast %add3A_1245 : i32 to index
        %swap3A_1282 = arith.constant 32 : index
        %swap3A_1283 = tpu.vector_load %arg12[%swap3A_1279, %swap3A_1280, %swap3A_1281, %swap3A_1282] {strides = array<i32>} : memref<2x1x200x64xf32, #tpu.memory_space<vmem>>, vector<16xf32>,
        tpu.vector_store %arg12[%swap3A_1279, %swap3A_1280, %swap3A_1281, %swap3A_1282], %add3A_1277 {strides = array<i32>} : memref<2x1x200x64xf32, #tpu.memory_space<vmem>>, vector<16xf32>,
        %mul3A_1284 = arith.mulf %add3A_967, %gather3A_1250 : vector<16xf32>
        %sub3A_1285 = arith.subf %mul3A_1284, %gather3A_1253 : vector<16xf32>
        %mul3A_1286 = arith.mulf %sub3A_1285, %get3A_15 : vector<16xf32>
        %add3A_1287 = arith.addf %mul3A_1286, %get3A_17 : vector<16xf32>
        %swap3A_1288 = arith.constant 0 : i32
        %swap3A_1289 = arith.index_cast %rem3A_170 : i32 to index
        %swap3A_1290 = arith.index_cast %swap3A_1288 : i32 to index
        %swap3A_1291 = arith.index_cast %add3A_1245 : i32 to index
        %swap3A_1292 = arith.constant 48 : index
        %swap3A_1293 = tpu.vector_load %arg12[%swap3A_1289, %swap3A_1290, %swap3A_1291, %swap3A_1292] {strides = array<i32>} : memref<2x1x200x64xf32, #tpu.memory_space<vmem>>, vector<16xf32>,
        tpu.vector_store %arg12[%swap3A_1289, %swap3A_1290, %swap3A_1291, %swap3A_1292], %add3A_1287 {strides = array<i32>} : memref<2x1x200x64xf32, #tpu.memory_space<vmem>>, vector<16xf32>,
        %add3A_1294 = arith.constant 8 : i32
        %add3A_1295 = arith.addi %min3A_233, %add3A_1294 : i32
        %add3A_1296 = arith.constant 0 : i32
        %add3A_1297 = arith.addi %add3A_1295, %add3A_1296 : i32
        %slice3A_1298 = vector.extract_strided_slice %get3A_238 {offsets = [8], sizes = [1], strides = [1]} : vector<16xi32> to vector<1xi32>
        %squeeze3A_1299 = vector.extract %slice3A_1298[0] : i32 from vector<1xi32>
        %mul3A_1300 = arith.constant 64 : i32
        %mul3A_1301 = arith.muli %squeeze3A_1299, %mul3A_1300 : i32
        %get3A_1302 = arith.index_cast %rem3A_170 : i32 to index
        %get3A_1303 = arith.index_cast %add3A_1297 : i32 to index
        %get3A_1304 = arith.constant 0 : index
        %get3A_1305 = tpu.vector_load %arg11[%get3A_1302, %get3A_1303, %get3A_1304] {strides = array<i32>} : memref<2x200x64xf32, #tpu.memory_space<vmem>>, vector<16xf32>,
        %add3A_1306 = arith.constant 0 : i32
        %add3A_1307 = arith.addi %mul3A_1301, %add3A_1306 : i32
        %get3A_1308 = arith.index_cast %add3A_1307 : i32 to index
        %get3A_1309 = tpu.vector_load %arg13[%get3A_1308] {strides = array<i32>} : memref<6400xf32, #tpu.memory_space<vmem>>, vector<16xf32>,
        %add3A_1310 = arith.addf %get3A_1305, %get3A_1309 : vector<16xf32>
        %get3A_1311 = arith.index_cast %rem3A_170 : i32 to index
        %get3A_1312 = arith.index_cast %add3A_1297 : i32 to index
        %get3A_1313 = arith.constant 16 : index
        %get3A_1314 = tpu.vector_load %arg11[%get3A_1311, %get3A_1312, %get3A_1313] {strides = array<i32>} : memref<2x200x64xf32, #tpu.memory_space<vmem>>, vector<16xf32>,
        %add3A_1315 = arith.constant 16 : i32
        %add3A_1316 = arith.addi %mul3A_1301, %add3A_1315 : i32
        %get3A_1317 = arith.index_cast %add3A_1316 : i32 to index
        %get3A_1318 = tpu.vector_load %arg13[%get3A_1317] {strides = array<i32>} : memref<6400xf32, #tpu.memory_space<vmem>>, vector<16xf32>,
        %add3A_1319 = arith.addf %get3A_1314, %get3A_1318 : vector<16xf32>
        %get3A_1320 = arith.index_cast %rem3A_170 : i32 to index
        %get3A_1321 = arith.index_cast %add3A_1297 : i32 to index
        %get3A_1322 = arith.constant 32 : index
        %get3A_1323 = tpu.vector_load %arg11[%get3A_1320, %get3A_1321, %get3A_1322] {strides = array<i32>} : memref<2x200x64xf32, #tpu.memory_space<vmem>>, vector<16xf32>,
        %add3A_1324 = arith.constant 32 : i32
        %add3A_1325 = arith.addi %mul3A_1301, %add3A_1324 : i32
        %get3A_1326 = arith.index_cast %add3A_1325 : i32 to index
        %get3A_1327 = tpu.vector_load %arg13[%get3A_1326] {strides = array<i32>} : memref<6400xf32, #tpu.memory_space<vmem>>, vector<16xf32>,
        %add3A_1328 = arith.addf %get3A_1323, %get3A_1327 : vector<16xf32>
        %get3A_1329 = arith.index_cast %rem3A_170 : i32 to index
        %get3A_1330 = arith.index_cast %add3A_1297 : i32 to index
        %get3A_1331 = arith.constant 48 : index
        %get3A_1332 = tpu.vector_load %arg11[%get3A_1329, %get3A_1330, %get3A_1331] {strides = array<i32>} : memref<2x200x64xf32, #tpu.memory_space<vmem>>, vector<16xf32>,
        %add3A_1333 = arith.constant 48 : i32
        %add3A_1334 = arith.addi %mul3A_1301, %add3A_1333 : i32
        %get3A_1335 = arith.index_cast %add3A_1334 : i32 to index
        %get3A_1336 = tpu.vector_load %arg13[%get3A_1335] {strides = array<i32>} : memref<6400xf32, #tpu.memory_space<vmem>>, vector<16xf32>,
        %add3A_1337 = arith.addf %get3A_1332, %get3A_1336 : vector<16xf32>
        %add3A_1338 = arith.addf %add3A_1310, %add3A_1319 : vector<16xf32>
        %add3A_1339 = arith.addf %add3A_1328, %add3A_1337 : vector<16xf32>
        %add3A_1340 = arith.addf %add3A_1338, %add3A_1339 : vector<16xf32>
        %mul3A_1341 = arith.mulf %add3A_1310, %add3A_1310 : vector<16xf32>
        %mul3A_1342 = arith.mulf %add3A_1319, %add3A_1319 : vector<16xf32>
        %add3A_1343 = arith.addf %mul3A_1341, %mul3A_1342 : vector<16xf32>
        %mul3A_1344 = arith.mulf %add3A_1328, %add3A_1328 : vector<16xf32>
        %mul3A_1345 = arith.mulf %add3A_1337, %add3A_1337 : vector<16xf32>
        %add3A_1346 = arith.addf %mul3A_1344, %mul3A_1345 : vector<16xf32>
        %add3A_1347 = arith.addf %add3A_1343, %add3A_1346 : vector<16xf32>
        %add3A_1348 = arith.constant 8 : i32
        %add3A_1349 = arith.addi %min3A_233, %add3A_1348 : i32
        %add3A_1350 = arith.constant 1 : i32
        %add3A_1351 = arith.addi %add3A_1349, %add3A_1350 : i32
        %slice3A_1352 = vector.extract_strided_slice %get3A_238 {offsets = [9], sizes = [1], strides = [1]} : vector<16xi32> to vector<1xi32>
        %squeeze3A_1353 = vector.extract %slice3A_1352[0] : i32 from vector<1xi32>
        %mul3A_1354 = arith.constant 64 : i32
        %mul3A_1355 = arith.muli %squeeze3A_1353, %mul3A_1354 : i32
        %get3A_1356 = arith.index_cast %rem3A_170 : i32 to index
        %get3A_1357 = arith.index_cast %add3A_1351 : i32 to index
        %get3A_1358 = arith.constant 0 : index
        %get3A_1359 = tpu.vector_load %arg11[%get3A_1356, %get3A_1357, %get3A_1358] {strides = array<i32>} : memref<2x200x64xf32, #tpu.memory_space<vmem>>, vector<16xf32>,
        %add3A_1360 = arith.constant 0 : i32
        %add3A_1361 = arith.addi %mul3A_1355, %add3A_1360 : i32
        %get3A_1362 = arith.index_cast %add3A_1361 : i32 to index
        %get3A_1363 = tpu.vector_load %arg13[%get3A_1362] {strides = array<i32>} : memref<6400xf32, #tpu.memory_space<vmem>>, vector<16xf32>,
        %add3A_1364 = arith.addf %get3A_1359, %get3A_1363 : vector<16xf32>
        %get3A_1365 = arith.index_cast %rem3A_170 : i32 to index
        %get3A_1366 = arith.index_cast %add3A_1351 : i32 to index
        %get3A_1367 = arith.constant 16 : index
        %get3A_1368 = tpu.vector_load %arg11[%get3A_1365, %get3A_1366, %get3A_1367] {strides = array<i32>} : memref<2x200x64xf32, #tpu.memory_space<vmem>>, vector<16xf32>,
        %add3A_1369 = arith.constant 16 : i32
        %add3A_1370 = arith.addi %mul3A_1355, %add3A_1369 : i32
        %get3A_1371 = arith.index_cast %add3A_1370 : i32 to index
        %get3A_1372 = tpu.vector_load %arg13[%get3A_1371] {strides = array<i32>} : memref<6400xf32, #tpu.memory_space<vmem>>, vector<16xf32>,
        %add3A_1373 = arith.addf %get3A_1368, %get3A_1372 : vector<16xf32>
        %get3A_1374 = arith.index_cast %rem3A_170 : i32 to index
        %get3A_1375 = arith.index_cast %add3A_1351 : i32 to index
        %get3A_1376 = arith.constant 32 : index
        %get3A_1377 = tpu.vector_load %arg11[%get3A_1374, %get3A_1375, %get3A_1376] {strides = array<i32>} : memref<2x200x64xf32, #tpu.memory_space<vmem>>, vector<16xf32>,
        %add3A_1378 = arith.constant 32 : i32
        %add3A_1379 = arith.addi %mul3A_1355, %add3A_1378 : i32
        %get3A_1380 = arith.index_cast %add3A_1379 : i32 to index
        %get3A_1381 = tpu.vector_load %arg13[%get3A_1380] {strides = array<i32>} : memref<6400xf32, #tpu.memory_space<vmem>>, vector<16xf32>,
        %add3A_1382 = arith.addf %get3A_1377, %get3A_1381 : vector<16xf32>
        %get3A_1383 = arith.index_cast %rem3A_170 : i32 to index
        %get3A_1384 = arith.index_cast %add3A_1351 : i32 to index
        %get3A_1385 = arith.constant 48 : index
        %get3A_1386 = tpu.vector_load %arg11[%get3A_1383, %get3A_1384, %get3A_1385] {strides = array<i32>} : memref<2x200x64xf32, #tpu.memory_space<vmem>>, vector<16xf32>,
        %add3A_1387 = arith.constant 48 : i32
        %add3A_1388 = arith.addi %mul3A_1355, %add3A_1387 : i32
        %get3A_1389 = arith.index_cast %add3A_1388 : i32 to index
        %get3A_1390 = tpu.vector_load %arg13[%get3A_1389] {strides = array<i32>} : memref<6400xf32, #tpu.memory_space<vmem>>, vector<16xf32>,
        %add3A_1391 = arith.addf %get3A_1386, %get3A_1390 : vector<16xf32>
        %add3A_1392 = arith.addf %add3A_1364, %add3A_1373 : vector<16xf32>
        %add3A_1393 = arith.addf %add3A_1382, %add3A_1391 : vector<16xf32>
        %add3A_1394 = arith.addf %add3A_1392, %add3A_1393 : vector<16xf32>
        %mul3A_1395 = arith.mulf %add3A_1364, %add3A_1364 : vector<16xf32>
        %mul3A_1396 = arith.mulf %add3A_1373, %add3A_1373 : vector<16xf32>
        %add3A_1397 = arith.addf %mul3A_1395, %mul3A_1396 : vector<16xf32>
        %mul3A_1398 = arith.mulf %add3A_1382, %add3A_1382 : vector<16xf32>
        %mul3A_1399 = arith.mulf %add3A_1391, %add3A_1391 : vector<16xf32>
        %add3A_1400 = arith.addf %mul3A_1398, %mul3A_1399 : vector<16xf32>
        %add3A_1401 = arith.addf %add3A_1397, %add3A_1400 : vector<16xf32>
        %add3A_1402 = arith.constant 8 : i32
        %add3A_1403 = arith.addi %min3A_233, %add3A_1402 : i32
        %add3A_1404 = arith.constant 2 : i32
        %add3A_1405 = arith.addi %add3A_1403, %add3A_1404 : i32
        %slice3A_1406 = vector.extract_strided_slice %get3A_238 {offsets = [10], sizes = [1], strides = [1]} : vector<16xi32> to vector<1xi32>
        %squeeze3A_1407 = vector.extract %slice3A_1406[0] : i32 from vector<1xi32>
        %mul3A_1408 = arith.constant 64 : i32
        %mul3A_1409 = arith.muli %squeeze3A_1407, %mul3A_1408 : i32
        %get3A_1410 = arith.index_cast %rem3A_170 : i32 to index
        %get3A_1411 = arith.index_cast %add3A_1405 : i32 to index
        %get3A_1412 = arith.constant 0 : index
        %get3A_1413 = tpu.vector_load %arg11[%get3A_1410, %get3A_1411, %get3A_1412] {strides = array<i32>} : memref<2x200x64xf32, #tpu.memory_space<vmem>>, vector<16xf32>,
        %add3A_1414 = arith.constant 0 : i32
        %add3A_1415 = arith.addi %mul3A_1409, %add3A_1414 : i32
        %get3A_1416 = arith.index_cast %add3A_1415 : i32 to index
        %get3A_1417 = tpu.vector_load %arg13[%get3A_1416] {strides = array<i32>} : memref<6400xf32, #tpu.memory_space<vmem>>, vector<16xf32>,
        %add3A_1418 = arith.addf %get3A_1413, %get3A_1417 : vector<16xf32>
        %get3A_1419 = arith.index_cast %rem3A_170 : i32 to index
        %get3A_1420 = arith.index_cast %add3A_1405 : i32 to index
        %get3A_1421 = arith.constant 16 : index
        %get3A_1422 = tpu.vector_load %arg11[%get3A_1419, %get3A_1420, %get3A_1421] {strides = array<i32>} : memref<2x200x64xf32, #tpu.memory_space<vmem>>, vector<16xf32>,
        %add3A_1423 = arith.constant 16 : i32
        %add3A_1424 = arith.addi %mul3A_1409, %add3A_1423 : i32
        %get3A_1425 = arith.index_cast %add3A_1424 : i32 to index
        %get3A_1426 = tpu.vector_load %arg13[%get3A_1425] {strides = array<i32>} : memref<6400xf32, #tpu.memory_space<vmem>>, vector<16xf32>,
        %add3A_1427 = arith.addf %get3A_1422, %get3A_1426 : vector<16xf32>
        %get3A_1428 = arith.index_cast %rem3A_170 : i32 to index
        %get3A_1429 = arith.index_cast %add3A_1405 : i32 to index
        %get3A_1430 = arith.constant 32 : index
        %get3A_1431 = tpu.vector_load %arg11[%get3A_1428, %get3A_1429, %get3A_1430] {strides = array<i32>} : memref<2x200x64xf32, #tpu.memory_space<vmem>>, vector<16xf32>,
        %add3A_1432 = arith.constant 32 : i32
        %add3A_1433 = arith.addi %mul3A_1409, %add3A_1432 : i32
        %get3A_1434 = arith.index_cast %add3A_1433 : i32 to index
        %get3A_1435 = tpu.vector_load %arg13[%get3A_1434] {strides = array<i32>} : memref<6400xf32, #tpu.memory_space<vmem>>, vector<16xf32>,
        %add3A_1436 = arith.addf %get3A_1431, %get3A_1435 : vector<16xf32>
        %get3A_1437 = arith.index_cast %rem3A_170 : i32 to index
        %get3A_1438 = arith.index_cast %add3A_1405 : i32 to index
        %get3A_1439 = arith.constant 48 : index
        %get3A_1440 = tpu.vector_load %arg11[%get3A_1437, %get3A_1438, %get3A_1439] {strides = array<i32>} : memref<2x200x64xf32, #tpu.memory_space<vmem>>, vector<16xf32>,
        %add3A_1441 = arith.constant 48 : i32
        %add3A_1442 = arith.addi %mul3A_1409, %add3A_1441 : i32
        %get3A_1443 = arith.index_cast %add3A_1442 : i32 to index
        %get3A_1444 = tpu.vector_load %arg13[%get3A_1443] {strides = array<i32>} : memref<6400xf32, #tpu.memory_space<vmem>>, vector<16xf32>,
        %add3A_1445 = arith.addf %get3A_1440, %get3A_1444 : vector<16xf32>
        %add3A_1446 = arith.addf %add3A_1418, %add3A_1427 : vector<16xf32>
        %add3A_1447 = arith.addf %add3A_1436, %add3A_1445 : vector<16xf32>
        %add3A_1448 = arith.addf %add3A_1446, %add3A_1447 : vector<16xf32>
        %mul3A_1449 = arith.mulf %add3A_1418, %add3A_1418 : vector<16xf32>
        %mul3A_1450 = arith.mulf %add3A_1427, %add3A_1427 : vector<16xf32>
        %add3A_1451 = arith.addf %mul3A_1449, %mul3A_1450 : vector<16xf32>
        %mul3A_1452 = arith.mulf %add3A_1436, %add3A_1436 : vector<16xf32>
        %mul3A_1453 = arith.mulf %add3A_1445, %add3A_1445 : vector<16xf32>
        %add3A_1454 = arith.addf %mul3A_1452, %mul3A_1453 : vector<16xf32>
        %add3A_1455 = arith.addf %add3A_1451, %add3A_1454 : vector<16xf32>
        %add3A_1456 = arith.constant 8 : i32
        %add3A_1457 = arith.addi %min3A_233, %add3A_1456 : i32
        %add3A_1458 = arith.constant 3 : i32
        %add3A_1459 = arith.addi %add3A_1457, %add3A_1458 : i32
        %slice3A_1460 = vector.extract_strided_slice %get3A_238 {offsets = [11], sizes = [1], strides = [1]} : vector<16xi32> to vector<1xi32>
        %squeeze3A_1461 = vector.extract %slice3A_1460[0] : i32 from vector<1xi32>
        %mul3A_1462 = arith.constant 64 : i32
        %mul3A_1463 = arith.muli %squeeze3A_1461, %mul3A_1462 : i32
        %get3A_1464 = arith.index_cast %rem3A_170 : i32 to index
        %get3A_1465 = arith.index_cast %add3A_1459 : i32 to index
        %get3A_1466 = arith.constant 0 : index
        %get3A_1467 = tpu.vector_load %arg11[%get3A_1464, %get3A_1465, %get3A_1466] {strides = array<i32>} : memref<2x200x64xf32, #tpu.memory_space<vmem>>, vector<16xf32>,
        %add3A_1468 = arith.constant 0 : i32
        %add3A_1469 = arith.addi %mul3A_1463, %add3A_1468 : i32
        %get3A_1470 = arith.index_cast %add3A_1469 : i32 to index
        %get3A_1471 = tpu.vector_load %arg13[%get3A_1470] {strides = array<i32>} : memref<6400xf32, #tpu.memory_space<vmem>>, vector<16xf32>,
        %add3A_1472 = arith.addf %get3A_1467, %get3A_1471 : vector<16xf32>
        %get3A_1473 = arith.index_cast %rem3A_170 : i32 to index
        %get3A_1474 = arith.index_cast %add3A_1459 : i32 to index
        %get3A_1475 = arith.constant 16 : index
        %get3A_1476 = tpu.vector_load %arg11[%get3A_1473, %get3A_1474, %get3A_1475] {strides = array<i32>} : memref<2x200x64xf32, #tpu.memory_space<vmem>>, vector<16xf32>,
        %add3A_1477 = arith.constant 16 : i32
        %add3A_1478 = arith.addi %mul3A_1463, %add3A_1477 : i32
        %get3A_1479 = arith.index_cast %add3A_1478 : i32 to index
        %get3A_1480 = tpu.vector_load %arg13[%get3A_1479] {strides = array<i32>} : memref<6400xf32, #tpu.memory_space<vmem>>, vector<16xf32>,
        %add3A_1481 = arith.addf %get3A_1476, %get3A_1480 : vector<16xf32>
        %get3A_1482 = arith.index_cast %rem3A_170 : i32 to index
        %get3A_1483 = arith.index_cast %add3A_1459 : i32 to index
        %get3A_1484 = arith.constant 32 : index
        %get3A_1485 = tpu.vector_load %arg11[%get3A_1482, %get3A_1483, %get3A_1484] {strides = array<i32>} : memref<2x200x64xf32, #tpu.memory_space<vmem>>, vector<16xf32>,
        %add3A_1486 = arith.constant 32 : i32
        %add3A_1487 = arith.addi %mul3A_1463, %add3A_1486 : i32
        %get3A_1488 = arith.index_cast %add3A_1487 : i32 to index
        %get3A_1489 = tpu.vector_load %arg13[%get3A_1488] {strides = array<i32>} : memref<6400xf32, #tpu.memory_space<vmem>>, vector<16xf32>,
        %add3A_1490 = arith.addf %get3A_1485, %get3A_1489 : vector<16xf32>
        %get3A_1491 = arith.index_cast %rem3A_170 : i32 to index
        %get3A_1492 = arith.index_cast %add3A_1459 : i32 to index
        %get3A_1493 = arith.constant 48 : index
        %get3A_1494 = tpu.vector_load %arg11[%get3A_1491, %get3A_1492, %get3A_1493] {strides = array<i32>} : memref<2x200x64xf32, #tpu.memory_space<vmem>>, vector<16xf32>,
        %add3A_1495 = arith.constant 48 : i32
        %add3A_1496 = arith.addi %mul3A_1463, %add3A_1495 : i32
        %get3A_1497 = arith.index_cast %add3A_1496 : i32 to index
        %get3A_1498 = tpu.vector_load %arg13[%get3A_1497] {strides = array<i32>} : memref<6400xf32, #tpu.memory_space<vmem>>, vector<16xf32>,
        %add3A_1499 = arith.addf %get3A_1494, %get3A_1498 : vector<16xf32>
        %add3A_1500 = arith.addf %add3A_1472, %add3A_1481 : vector<16xf32>
        %add3A_1501 = arith.addf %add3A_1490, %add3A_1499 : vector<16xf32>
        %add3A_1502 = arith.addf %add3A_1500, %add3A_1501 : vector<16xf32>
        %mul3A_1503 = arith.mulf %add3A_1472, %add3A_1472 : vector<16xf32>
        %mul3A_1504 = arith.mulf %add3A_1481, %add3A_1481 : vector<16xf32>
        %add3A_1505 = arith.addf %mul3A_1503, %mul3A_1504 : vector<16xf32>
        %mul3A_1506 = arith.mulf %add3A_1490, %add3A_1490 : vector<16xf32>
        %mul3A_1507 = arith.mulf %add3A_1499, %add3A_1499 : vector<16xf32>
        %add3A_1508 = arith.addf %mul3A_1506, %mul3A_1507 : vector<16xf32>
        %add3A_1509 = arith.addf %add3A_1505, %add3A_1508 : vector<16xf32>
        %broadcast_in_dim3A_1510 = vector.shape_cast %xor3A_19 : vector<16xi32> to vector<16x1xi32>
        %gather3A_1511 = vector.shape_cast %broadcast_in_dim3A_1510 : vector<16x1xi32> to vector<16xi32>
        %gather3A_1512 = tpu.dynamic_gather %add3A_1394[%gather3A_1511] in [0] : vector<16xf32>, vector<16xi32> -> vector<16xf32>
        %select_n3A_1513 = arith.select %eq3A_32, %add3A_1340, %gather3A_1512 : vector<16xi1>, vector<16xf32>
        %broadcast_in_dim3A_1514 = vector.shape_cast %xor3A_19 : vector<16xi32> to vector<16x1xi32>
        %gather3A_1515 = vector.shape_cast %broadcast_in_dim3A_1514 : vector<16x1xi32> to vector<16xi32>
        %gather3A_1516 = tpu.dynamic_gather %add3A_1340[%gather3A_1515] in [0] : vector<16xf32>, vector<16xi32> -> vector<16xf32>
        %select_n3A_1517 = arith.select %eq3A_32, %gather3A_1516, %add3A_1394 : vector<16xi1>, vector<16xf32>
        %add3A_1518 = arith.addf %select_n3A_1513, %select_n3A_1517 : vector<16xf32>
        %broadcast_in_dim3A_1519 = vector.shape_cast %xor3A_19 : vector<16xi32> to vector<16x1xi32>
        %gather3A_1520 = vector.shape_cast %broadcast_in_dim3A_1519 : vector<16x1xi32> to vector<16xi32>
        %gather3A_1521 = tpu.dynamic_gather %add3A_1502[%gather3A_1520] in [0] : vector<16xf32>, vector<16xi32> -> vector<16xf32>
        %select_n3A_1522 = arith.select %eq3A_32, %add3A_1448, %gather3A_1521 : vector<16xi1>, vector<16xf32>
        %broadcast_in_dim3A_1523 = vector.shape_cast %xor3A_19 : vector<16xi32> to vector<16x1xi32>
        %gather3A_1524 = vector.shape_cast %broadcast_in_dim3A_1523 : vector<16x1xi32> to vector<16xi32>
        %gather3A_1525 = tpu.dynamic_gather %add3A_1448[%gather3A_1524] in [0] : vector<16xf32>, vector<16xi32> -> vector<16xf32>
        %select_n3A_1526 = arith.select %eq3A_32, %gather3A_1525, %add3A_1502 : vector<16xi1>, vector<16xf32>
        %add3A_1527 = arith.addf %select_n3A_1522, %select_n3A_1526 : vector<16xf32>
        %broadcast_in_dim3A_1528 = vector.shape_cast %xor3A_22 : vector<16xi32> to vector<16x1xi32>
        %gather3A_1529 = vector.shape_cast %broadcast_in_dim3A_1528 : vector<16x1xi32> to vector<16xi32>
        %gather3A_1530 = tpu.dynamic_gather %add3A_1527[%gather3A_1529] in [0] : vector<16xf32>, vector<16xi32> -> vector<16xf32>
        %select_n3A_1531 = arith.select %eq3A_38, %add3A_1518, %gather3A_1530 : vector<16xi1>, vector<16xf32>
        %broadcast_in_dim3A_1532 = vector.shape_cast %xor3A_22 : vector<16xi32> to vector<16x1xi32>
        %gather3A_1533 = vector.shape_cast %broadcast_in_dim3A_1532 : vector<16x1xi32> to vector<16xi32>
        %gather3A_1534 = tpu.dynamic_gather %add3A_1518[%gather3A_1533] in [0] : vector<16xf32>, vector<16xi32> -> vector<16xf32>
        %select_n3A_1535 = arith.select %eq3A_38, %gather3A_1534, %add3A_1527 : vector<16xi1>, vector<16xf32>
        %add3A_1536 = arith.addf %select_n3A_1531, %select_n3A_1535 : vector<16xf32>
        %broadcast_in_dim3A_1537 = vector.shape_cast %xor3A_19 : vector<16xi32> to vector<16x1xi32>
        %gather3A_1538 = vector.shape_cast %broadcast_in_dim3A_1537 : vector<16x1xi32> to vector<16xi32>
        %gather3A_1539 = tpu.dynamic_gather %add3A_1401[%gather3A_1538] in [0] : vector<16xf32>, vector<16xi32> -> vector<16xf32>
        %select_n3A_1540 = arith.select %eq3A_32, %add3A_1347, %gather3A_1539 : vector<16xi1>, vector<16xf32>
        %broadcast_in_dim3A_1541 = vector.shape_cast %xor3A_19 : vector<16xi32> to vector<16x1xi32>
        %gather3A_1542 = vector.shape_cast %broadcast_in_dim3A_1541 : vector<16x1xi32> to vector<16xi32>
        %gather3A_1543 = tpu.dynamic_gather %add3A_1347[%gather3A_1542] in [0] : vector<16xf32>, vector<16xi32> -> vector<16xf32>
        %select_n3A_1544 = arith.select %eq3A_32, %gather3A_1543, %add3A_1401 : vector<16xi1>, vector<16xf32>
        %add3A_1545 = arith.addf %select_n3A_1540, %select_n3A_1544 : vector<16xf32>
        %broadcast_in_dim3A_1546 = vector.shape_cast %xor3A_19 : vector<16xi32> to vector<16x1xi32>
        %gather3A_1547 = vector.shape_cast %broadcast_in_dim3A_1546 : vector<16x1xi32> to vector<16xi32>
        %gather3A_1548 = tpu.dynamic_gather %add3A_1509[%gather3A_1547] in [0] : vector<16xf32>, vector<16xi32> -> vector<16xf32>
        %select_n3A_1549 = arith.select %eq3A_32, %add3A_1455, %gather3A_1548 : vector<16xi1>, vector<16xf32>
        %broadcast_in_dim3A_1550 = vector.shape_cast %xor3A_19 : vector<16xi32> to vector<16x1xi32>
        %gather3A_1551 = vector.shape_cast %broadcast_in_dim3A_1550 : vector<16x1xi32> to vector<16xi32>
        %gather3A_1552 = tpu.dynamic_gather %add3A_1455[%gather3A_1551] in [0] : vector<16xf32>, vector<16xi32> -> vector<16xf32>
        %select_n3A_1553 = arith.select %eq3A_32, %gather3A_1552, %add3A_1509 : vector<16xi1>, vector<16xf32>
        %add3A_1554 = arith.addf %select_n3A_1549, %select_n3A_1553 : vector<16xf32>
        %broadcast_in_dim3A_1555 = vector.shape_cast %xor3A_22 : vector<16xi32> to vector<16x1xi32>
        %gather3A_1556 = vector.shape_cast %broadcast_in_dim3A_1555 : vector<16x1xi32> to vector<16xi32>
        %gather3A_1557 = tpu.dynamic_gather %add3A_1554[%gather3A_1556] in [0] : vector<16xf32>, vector<16xi32> -> vector<16xf32>
        %select_n3A_1558 = arith.select %eq3A_38, %add3A_1545, %gather3A_1557 : vector<16xi1>, vector<16xf32>
        %broadcast_in_dim3A_1559 = vector.shape_cast %xor3A_22 : vector<16xi32> to vector<16x1xi32>
        %gather3A_1560 = vector.shape_cast %broadcast_in_dim3A_1559 : vector<16x1xi32> to vector<16xi32>
        %gather3A_1561 = tpu.dynamic_gather %add3A_1545[%gather3A_1560] in [0] : vector<16xf32>, vector<16xi32> -> vector<16xf32>
        %select_n3A_1562 = arith.select %eq3A_38, %gather3A_1561, %add3A_1554 : vector<16xi1>, vector<16xf32>
        %add3A_1563 = arith.addf %select_n3A_1558, %select_n3A_1562 : vector<16xf32>
        %broadcast_in_dim3A_1564 = vector.shape_cast %xor3A_25 : vector<16xi32> to vector<16x1xi32>
        %gather3A_1565 = vector.shape_cast %broadcast_in_dim3A_1564 : vector<16x1xi32> to vector<16xi32>
        %gather3A_1566 = tpu.dynamic_gather %add3A_1536[%gather3A_1565] in [0] : vector<16xf32>, vector<16xi32> -> vector<16xf32>
        %add3A_1567 = arith.addf %add3A_1536, %gather3A_1566 : vector<16xf32>
        %broadcast_in_dim3A_1568 = vector.shape_cast %xor3A_28 : vector<16xi32> to vector<16x1xi32>
        %gather3A_1569 = vector.shape_cast %broadcast_in_dim3A_1568 : vector<16x1xi32> to vector<16xi32>
        %gather3A_1570 = tpu.dynamic_gather %add3A_1567[%gather3A_1569] in [0] : vector<16xf32>, vector<16xi32> -> vector<16xf32>
        %add3A_1571 = arith.addf %add3A_1567, %gather3A_1570 : vector<16xf32>
        %broadcast_in_dim3A_1572 = vector.shape_cast %xor3A_25 : vector<16xi32> to vector<16x1xi32>
        %gather3A_1573 = vector.shape_cast %broadcast_in_dim3A_1572 : vector<16x1xi32> to vector<16xi32>
        %gather3A_1574 = tpu.dynamic_gather %add3A_1563[%gather3A_1573] in [0] : vector<16xf32>, vector<16xi32> -> vector<16xf32>
        %add3A_1575 = arith.addf %add3A_1563, %gather3A_1574 : vector<16xf32>
        %broadcast_in_dim3A_1576 = vector.shape_cast %xor3A_28 : vector<16xi32> to vector<16x1xi32>
        %gather3A_1577 = vector.shape_cast %broadcast_in_dim3A_1576 : vector<16x1xi32> to vector<16xi32>
        %gather3A_1578 = tpu.dynamic_gather %add3A_1575[%gather3A_1577] in [0] : vector<16xf32>, vector<16xi32> -> vector<16xf32>
        %add3A_1579 = arith.addf %add3A_1575, %gather3A_1578 : vector<16xf32>
        %mul3A_1580 = arith.constant 1.562500e-02 : f32
        %mul3A_1581 = vector.broadcast %mul3A_1580 : f32 to vector<16xf32>
        %mul3A_1582 = arith.mulf %add3A_1571, %mul3A_1581 : vector<16xf32>
        %mul3A_1583 = arith.constant 1.562500e-02 : f32
        %mul3A_1584 = vector.broadcast %mul3A_1583 : f32 to vector<16xf32>
        %mul3A_1585 = arith.mulf %add3A_1579, %mul3A_1584 : vector<16xf32>
        %mul3A_1586 = arith.mulf %mul3A_1582, %mul3A_1582 : vector<16xf32>
        %sub3A_1587 = arith.subf %mul3A_1585, %mul3A_1586 : vector<16xf32>
        %add3A_1588 = arith.constant 9.99999974E-6 : f32
        %add3A_1589 = vector.broadcast %add3A_1588 : f32 to vector<16xf32>
        %add3A_1590 = arith.addf %sub3A_1587, %add3A_1589 : vector<16xf32>
        %bitcast3A_1591 = vector.bitcast %add3A_1590 : vector<16xf32> to vector<16xi32>
        %shift_right_arithmetic3A_1592 = arith.constant 1 : i32
        %shift_right_arithmetic3A_1593 = vector.broadcast %shift_right_arithmetic3A_1592 : i32 to vector<16xi32>
        %shift_right_arithmetic3A_1594 = arith.shrsi %bitcast3A_1591, %shift_right_arithmetic3A_1593 : vector<16xi32>
        %sub3A_1595 = arith.constant 1597463007 : i32
        %sub3A_1596 = vector.broadcast %sub3A_1595 : i32 to vector<16xi32>
        %sub3A_1597 = arith.subi %sub3A_1596, %shift_right_arithmetic3A_1594 : vector<16xi32>
        %bitcast3A_1598 = vector.bitcast %sub3A_1597 : vector<16xi32> to vector<16xf32>
        %mul3A_1599 = arith.constant 5.000000e-01 : f32
        %mul3A_1600 = vector.broadcast %mul3A_1599 : f32 to vector<16xf32>
        %mul3A_1601 = arith.mulf %mul3A_1600, %add3A_1590 : vector<16xf32>
        %mul3A_1602 = arith.mulf %mul3A_1601, %bitcast3A_1598 : vector<16xf32>
        %mul3A_1603 = arith.mulf %mul3A_1602, %bitcast3A_1598 : vector<16xf32>
        %sub3A_1604 = arith.constant 1.500000e+00 : f32
        %sub3A_1605 = vector.broadcast %sub3A_1604 : f32 to vector<16xf32>
        %sub3A_1606 = arith.subf %sub3A_1605, %mul3A_1603 : vector<16xf32>
        %mul3A_1607 = arith.mulf %bitcast3A_1598, %sub3A_1606 : vector<16xf32>
        %mul3A_1608 = arith.constant 5.000000e-01 : f32
        %mul3A_1609 = vector.broadcast %mul3A_1608 : f32 to vector<16xf32>
        %mul3A_1610 = arith.mulf %mul3A_1609, %add3A_1590 : vector<16xf32>
        %mul3A_1611 = arith.mulf %mul3A_1610, %mul3A_1607 : vector<16xf32>
        %mul3A_1612 = arith.mulf %mul3A_1611, %mul3A_1607 : vector<16xf32>
        %sub3A_1613 = arith.constant 1.500000e+00 : f32
        %sub3A_1614 = vector.broadcast %sub3A_1613 : f32 to vector<16xf32>
        %sub3A_1615 = arith.subf %sub3A_1614, %mul3A_1612 : vector<16xf32>
        %mul3A_1616 = arith.mulf %mul3A_1607, %sub3A_1615 : vector<16xf32>
        %mul3A_1617 = arith.mulf %mul3A_1582, %mul3A_1616 : vector<16xf32>
        %add3A_1618 = arith.constant 8 : i32
        %add3A_1619 = arith.addi %min3A_233, %add3A_1618 : i32
        %add3A_1620 = arith.constant 0 : i32
        %add3A_1621 = arith.addi %add3A_1619, %add3A_1620 : i32
        %broadcast_in_dim3A_1622 = arith.constant 0 : i32
        %broadcast_in_dim3A_1623 = vector.broadcast %broadcast_in_dim3A_1622 : i32 to vector<16xi32>
        %broadcast_in_dim3A_1624 = vector.shape_cast %broadcast_in_dim3A_1623 : vector<16xi32> to vector<16x1xi32>
        %gather3A_1625 = vector.shape_cast %broadcast_in_dim3A_1624 : vector<16x1xi32> to vector<16xi32>
        %gather3A_1626 = tpu.dynamic_gather %mul3A_1616[%gather3A_1625] in [0] : vector<16xf32>, vector<16xi32> -> vector<16xf32>
        %broadcast_in_dim3A_1627 = vector.shape_cast %broadcast_in_dim3A_1623 : vector<16xi32> to vector<16x1xi32>
        %gather3A_1628 = vector.shape_cast %broadcast_in_dim3A_1627 : vector<16x1xi32> to vector<16xi32>
        %gather3A_1629 = tpu.dynamic_gather %mul3A_1617[%gather3A_1628] in [0] : vector<16xf32>, vector<16xi32> -> vector<16xf32>
        %mul3A_1630 = arith.mulf %add3A_1310, %gather3A_1626 : vector<16xf32>
        %sub3A_1631 = arith.subf %mul3A_1630, %gather3A_1629 : vector<16xf32>
        %mul3A_1632 = arith.mulf %sub3A_1631, %get3A_3 : vector<16xf32>
        %add3A_1633 = arith.addf %mul3A_1632, %get3A_5 : vector<16xf32>
        %swap3A_1634 = arith.constant 0 : i32
        %swap3A_1635 = arith.index_cast %rem3A_170 : i32 to index
        %swap3A_1636 = arith.index_cast %swap3A_1634 : i32 to index
        %swap3A_1637 = arith.index_cast %add3A_1621 : i32 to index
        %swap3A_1638 = arith.constant 0 : index
        %swap3A_1639 = tpu.vector_load %arg12[%swap3A_1635, %swap3A_1636, %swap3A_1637, %swap3A_1638] {strides = array<i32>} : memref<2x1x200x64xf32, #tpu.memory_space<vmem>>, vector<16xf32>,
        tpu.vector_store %arg12[%swap3A_1635, %swap3A_1636, %swap3A_1637, %swap3A_1638], %add3A_1633 {strides = array<i32>} : memref<2x1x200x64xf32, #tpu.memory_space<vmem>>, vector<16xf32>,
        %mul3A_1640 = arith.mulf %add3A_1319, %gather3A_1626 : vector<16xf32>
        %sub3A_1641 = arith.subf %mul3A_1640, %gather3A_1629 : vector<16xf32>
        %mul3A_1642 = arith.mulf %sub3A_1641, %get3A_7 : vector<16xf32>
        %add3A_1643 = arith.addf %mul3A_1642, %get3A_9 : vector<16xf32>
        %swap3A_1644 = arith.constant 0 : i32
        %swap3A_1645 = arith.index_cast %rem3A_170 : i32 to index
        %swap3A_1646 = arith.index_cast %swap3A_1644 : i32 to index
        %swap3A_1647 = arith.index_cast %add3A_1621 : i32 to index
        %swap3A_1648 = arith.constant 16 : index
        %swap3A_1649 = tpu.vector_load %arg12[%swap3A_1645, %swap3A_1646, %swap3A_1647, %swap3A_1648] {strides = array<i32>} : memref<2x1x200x64xf32, #tpu.memory_space<vmem>>, vector<16xf32>,
        tpu.vector_store %arg12[%swap3A_1645, %swap3A_1646, %swap3A_1647, %swap3A_1648], %add3A_1643 {strides = array<i32>} : memref<2x1x200x64xf32, #tpu.memory_space<vmem>>, vector<16xf32>,
        %mul3A_1650 = arith.mulf %add3A_1328, %gather3A_1626 : vector<16xf32>
        %sub3A_1651 = arith.subf %mul3A_1650, %gather3A_1629 : vector<16xf32>
        %mul3A_1652 = arith.mulf %sub3A_1651, %get3A_11 : vector<16xf32>
        %add3A_1653 = arith.addf %mul3A_1652, %get3A_13 : vector<16xf32>
        %swap3A_1654 = arith.constant 0 : i32
        %swap3A_1655 = arith.index_cast %rem3A_170 : i32 to index
        %swap3A_1656 = arith.index_cast %swap3A_1654 : i32 to index
        %swap3A_1657 = arith.index_cast %add3A_1621 : i32 to index
        %swap3A_1658 = arith.constant 32 : index
        %swap3A_1659 = tpu.vector_load %arg12[%swap3A_1655, %swap3A_1656, %swap3A_1657, %swap3A_1658] {strides = array<i32>} : memref<2x1x200x64xf32, #tpu.memory_space<vmem>>, vector<16xf32>,
        tpu.vector_store %arg12[%swap3A_1655, %swap3A_1656, %swap3A_1657, %swap3A_1658], %add3A_1653 {strides = array<i32>} : memref<2x1x200x64xf32, #tpu.memory_space<vmem>>, vector<16xf32>,
        %mul3A_1660 = arith.mulf %add3A_1337, %gather3A_1626 : vector<16xf32>
        %sub3A_1661 = arith.subf %mul3A_1660, %gather3A_1629 : vector<16xf32>
        %mul3A_1662 = arith.mulf %sub3A_1661, %get3A_15 : vector<16xf32>
        %add3A_1663 = arith.addf %mul3A_1662, %get3A_17 : vector<16xf32>
        %swap3A_1664 = arith.constant 0 : i32
        %swap3A_1665 = arith.index_cast %rem3A_170 : i32 to index
        %swap3A_1666 = arith.index_cast %swap3A_1664 : i32 to index
        %swap3A_1667 = arith.index_cast %add3A_1621 : i32 to index
        %swap3A_1668 = arith.constant 48 : index
        %swap3A_1669 = tpu.vector_load %arg12[%swap3A_1665, %swap3A_1666, %swap3A_1667, %swap3A_1668] {strides = array<i32>} : memref<2x1x200x64xf32, #tpu.memory_space<vmem>>, vector<16xf32>,
        tpu.vector_store %arg12[%swap3A_1665, %swap3A_1666, %swap3A_1667, %swap3A_1668], %add3A_1663 {strides = array<i32>} : memref<2x1x200x64xf32, #tpu.memory_space<vmem>>, vector<16xf32>,
        %add3A_1670 = arith.constant 8 : i32
        %add3A_1671 = arith.addi %min3A_233, %add3A_1670 : i32
        %add3A_1672 = arith.constant 1 : i32
        %add3A_1673 = arith.addi %add3A_1671, %add3A_1672 : i32
        %broadcast_in_dim3A_1674 = arith.constant 1 : i32
        %broadcast_in_dim3A_1675 = vector.broadcast %broadcast_in_dim3A_1674 : i32 to vector<16xi32>
        %broadcast_in_dim3A_1676 = vector.shape_cast %broadcast_in_dim3A_1675 : vector<16xi32> to vector<16x1xi32>
        %gather3A_1677 = vector.shape_cast %broadcast_in_dim3A_1676 : vector<16x1xi32> to vector<16xi32>
        %gather3A_1678 = tpu.dynamic_gather %mul3A_1616[%gather3A_1677] in [0] : vector<16xf32>, vector<16xi32> -> vector<16xf32>
        %broadcast_in_dim3A_1679 = vector.shape_cast %broadcast_in_dim3A_1675 : vector<16xi32> to vector<16x1xi32>
        %gather3A_1680 = vector.shape_cast %broadcast_in_dim3A_1679 : vector<16x1xi32> to vector<16xi32>
        %gather3A_1681 = tpu.dynamic_gather %mul3A_1617[%gather3A_1680] in [0] : vector<16xf32>, vector<16xi32> -> vector<16xf32>
        %mul3A_1682 = arith.mulf %add3A_1364, %gather3A_1678 : vector<16xf32>
        %sub3A_1683 = arith.subf %mul3A_1682, %gather3A_1681 : vector<16xf32>
        %mul3A_1684 = arith.mulf %sub3A_1683, %get3A_3 : vector<16xf32>
        %add3A_1685 = arith.addf %mul3A_1684, %get3A_5 : vector<16xf32>
        %swap3A_1686 = arith.constant 0 : i32
        %swap3A_1687 = arith.index_cast %rem3A_170 : i32 to index
        %swap3A_1688 = arith.index_cast %swap3A_1686 : i32 to index
        %swap3A_1689 = arith.index_cast %add3A_1673 : i32 to index
        %swap3A_1690 = arith.constant 0 : index
        %swap3A_1691 = tpu.vector_load %arg12[%swap3A_1687, %swap3A_1688, %swap3A_1689, %swap3A_1690] {strides = array<i32>} : memref<2x1x200x64xf32, #tpu.memory_space<vmem>>, vector<16xf32>,
        tpu.vector_store %arg12[%swap3A_1687, %swap3A_1688, %swap3A_1689, %swap3A_1690], %add3A_1685 {strides = array<i32>} : memref<2x1x200x64xf32, #tpu.memory_space<vmem>>, vector<16xf32>,
        %mul3A_1692 = arith.mulf %add3A_1373, %gather3A_1678 : vector<16xf32>
        %sub3A_1693 = arith.subf %mul3A_1692, %gather3A_1681 : vector<16xf32>
        %mul3A_1694 = arith.mulf %sub3A_1693, %get3A_7 : vector<16xf32>
        %add3A_1695 = arith.addf %mul3A_1694, %get3A_9 : vector<16xf32>
        %swap3A_1696 = arith.constant 0 : i32
        %swap3A_1697 = arith.index_cast %rem3A_170 : i32 to index
        %swap3A_1698 = arith.index_cast %swap3A_1696 : i32 to index
        %swap3A_1699 = arith.index_cast %add3A_1673 : i32 to index
        %swap3A_1700 = arith.constant 16 : index
        %swap3A_1701 = tpu.vector_load %arg12[%swap3A_1697, %swap3A_1698, %swap3A_1699, %swap3A_1700] {strides = array<i32>} : memref<2x1x200x64xf32, #tpu.memory_space<vmem>>, vector<16xf32>,
        tpu.vector_store %arg12[%swap3A_1697, %swap3A_1698, %swap3A_1699, %swap3A_1700], %add3A_1695 {strides = array<i32>} : memref<2x1x200x64xf32, #tpu.memory_space<vmem>>, vector<16xf32>,
        %mul3A_1702 = arith.mulf %add3A_1382, %gather3A_1678 : vector<16xf32>
        %sub3A_1703 = arith.subf %mul3A_1702, %gather3A_1681 : vector<16xf32>
        %mul3A_1704 = arith.mulf %sub3A_1703, %get3A_11 : vector<16xf32>
        %add3A_1705 = arith.addf %mul3A_1704, %get3A_13 : vector<16xf32>
        %swap3A_1706 = arith.constant 0 : i32
        %swap3A_1707 = arith.index_cast %rem3A_170 : i32 to index
        %swap3A_1708 = arith.index_cast %swap3A_1706 : i32 to index
        %swap3A_1709 = arith.index_cast %add3A_1673 : i32 to index
        %swap3A_1710 = arith.constant 32 : index
        %swap3A_1711 = tpu.vector_load %arg12[%swap3A_1707, %swap3A_1708, %swap3A_1709, %swap3A_1710] {strides = array<i32>} : memref<2x1x200x64xf32, #tpu.memory_space<vmem>>, vector<16xf32>,
        tpu.vector_store %arg12[%swap3A_1707, %swap3A_1708, %swap3A_1709, %swap3A_1710], %add3A_1705 {strides = array<i32>} : memref<2x1x200x64xf32, #tpu.memory_space<vmem>>, vector<16xf32>,
        %mul3A_1712 = arith.mulf %add3A_1391, %gather3A_1678 : vector<16xf32>
        %sub3A_1713 = arith.subf %mul3A_1712, %gather3A_1681 : vector<16xf32>
        %mul3A_1714 = arith.mulf %sub3A_1713, %get3A_15 : vector<16xf32>
        %add3A_1715 = arith.addf %mul3A_1714, %get3A_17 : vector<16xf32>
        %swap3A_1716 = arith.constant 0 : i32
        %swap3A_1717 = arith.index_cast %rem3A_170 : i32 to index
        %swap3A_1718 = arith.index_cast %swap3A_1716 : i32 to index
        %swap3A_1719 = arith.index_cast %add3A_1673 : i32 to index
        %swap3A_1720 = arith.constant 48 : index
        %swap3A_1721 = tpu.vector_load %arg12[%swap3A_1717, %swap3A_1718, %swap3A_1719, %swap3A_1720] {strides = array<i32>} : memref<2x1x200x64xf32, #tpu.memory_space<vmem>>, vector<16xf32>,
        tpu.vector_store %arg12[%swap3A_1717, %swap3A_1718, %swap3A_1719, %swap3A_1720], %add3A_1715 {strides = array<i32>} : memref<2x1x200x64xf32, #tpu.memory_space<vmem>>, vector<16xf32>,
        %add3A_1722 = arith.constant 8 : i32
        %add3A_1723 = arith.addi %min3A_233, %add3A_1722 : i32
        %add3A_1724 = arith.constant 2 : i32
        %add3A_1725 = arith.addi %add3A_1723, %add3A_1724 : i32
        %broadcast_in_dim3A_1726 = arith.constant 2 : i32
        %broadcast_in_dim3A_1727 = vector.broadcast %broadcast_in_dim3A_1726 : i32 to vector<16xi32>
        %broadcast_in_dim3A_1728 = vector.shape_cast %broadcast_in_dim3A_1727 : vector<16xi32> to vector<16x1xi32>
        %gather3A_1729 = vector.shape_cast %broadcast_in_dim3A_1728 : vector<16x1xi32> to vector<16xi32>
        %gather3A_1730 = tpu.dynamic_gather %mul3A_1616[%gather3A_1729] in [0] : vector<16xf32>, vector<16xi32> -> vector<16xf32>
        %broadcast_in_dim3A_1731 = vector.shape_cast %broadcast_in_dim3A_1727 : vector<16xi32> to vector<16x1xi32>
        %gather3A_1732 = vector.shape_cast %broadcast_in_dim3A_1731 : vector<16x1xi32> to vector<16xi32>
        %gather3A_1733 = tpu.dynamic_gather %mul3A_1617[%gather3A_1732] in [0] : vector<16xf32>, vector<16xi32> -> vector<16xf32>
        %mul3A_1734 = arith.mulf %add3A_1418, %gather3A_1730 : vector<16xf32>
        %sub3A_1735 = arith.subf %mul3A_1734, %gather3A_1733 : vector<16xf32>
        %mul3A_1736 = arith.mulf %sub3A_1735, %get3A_3 : vector<16xf32>
        %add3A_1737 = arith.addf %mul3A_1736, %get3A_5 : vector<16xf32>
        %swap3A_1738 = arith.constant 0 : i32
        %swap3A_1739 = arith.index_cast %rem3A_170 : i32 to index
        %swap3A_1740 = arith.index_cast %swap3A_1738 : i32 to index
        %swap3A_1741 = arith.index_cast %add3A_1725 : i32 to index
        %swap3A_1742 = arith.constant 0 : index
        %swap3A_1743 = tpu.vector_load %arg12[%swap3A_1739, %swap3A_1740, %swap3A_1741, %swap3A_1742] {strides = array<i32>} : memref<2x1x200x64xf32, #tpu.memory_space<vmem>>, vector<16xf32>,
        tpu.vector_store %arg12[%swap3A_1739, %swap3A_1740, %swap3A_1741, %swap3A_1742], %add3A_1737 {strides = array<i32>} : memref<2x1x200x64xf32, #tpu.memory_space<vmem>>, vector<16xf32>,
        %mul3A_1744 = arith.mulf %add3A_1427, %gather3A_1730 : vector<16xf32>
        %sub3A_1745 = arith.subf %mul3A_1744, %gather3A_1733 : vector<16xf32>
        %mul3A_1746 = arith.mulf %sub3A_1745, %get3A_7 : vector<16xf32>
        %add3A_1747 = arith.addf %mul3A_1746, %get3A_9 : vector<16xf32>
        %swap3A_1748 = arith.constant 0 : i32
        %swap3A_1749 = arith.index_cast %rem3A_170 : i32 to index
        %swap3A_1750 = arith.index_cast %swap3A_1748 : i32 to index
        %swap3A_1751 = arith.index_cast %add3A_1725 : i32 to index
        %swap3A_1752 = arith.constant 16 : index
        %swap3A_1753 = tpu.vector_load %arg12[%swap3A_1749, %swap3A_1750, %swap3A_1751, %swap3A_1752] {strides = array<i32>} : memref<2x1x200x64xf32, #tpu.memory_space<vmem>>, vector<16xf32>,
        tpu.vector_store %arg12[%swap3A_1749, %swap3A_1750, %swap3A_1751, %swap3A_1752], %add3A_1747 {strides = array<i32>} : memref<2x1x200x64xf32, #tpu.memory_space<vmem>>, vector<16xf32>,
        %mul3A_1754 = arith.mulf %add3A_1436, %gather3A_1730 : vector<16xf32>
        %sub3A_1755 = arith.subf %mul3A_1754, %gather3A_1733 : vector<16xf32>
        %mul3A_1756 = arith.mulf %sub3A_1755, %get3A_11 : vector<16xf32>
        %add3A_1757 = arith.addf %mul3A_1756, %get3A_13 : vector<16xf32>
        %swap3A_1758 = arith.constant 0 : i32
        %swap3A_1759 = arith.index_cast %rem3A_170 : i32 to index
        %swap3A_1760 = arith.index_cast %swap3A_1758 : i32 to index
        %swap3A_1761 = arith.index_cast %add3A_1725 : i32 to index
        %swap3A_1762 = arith.constant 32 : index
        %swap3A_1763 = tpu.vector_load %arg12[%swap3A_1759, %swap3A_1760, %swap3A_1761, %swap3A_1762] {strides = array<i32>} : memref<2x1x200x64xf32, #tpu.memory_space<vmem>>, vector<16xf32>,
        tpu.vector_store %arg12[%swap3A_1759, %swap3A_1760, %swap3A_1761, %swap3A_1762], %add3A_1757 {strides = array<i32>} : memref<2x1x200x64xf32, #tpu.memory_space<vmem>>, vector<16xf32>,
        %mul3A_1764 = arith.mulf %add3A_1445, %gather3A_1730 : vector<16xf32>
        %sub3A_1765 = arith.subf %mul3A_1764, %gather3A_1733 : vector<16xf32>
        %mul3A_1766 = arith.mulf %sub3A_1765, %get3A_15 : vector<16xf32>
        %add3A_1767 = arith.addf %mul3A_1766, %get3A_17 : vector<16xf32>
        %swap3A_1768 = arith.constant 0 : i32
        %swap3A_1769 = arith.index_cast %rem3A_170 : i32 to index
        %swap3A_1770 = arith.index_cast %swap3A_1768 : i32 to index
        %swap3A_1771 = arith.index_cast %add3A_1725 : i32 to index
        %swap3A_1772 = arith.constant 48 : index
        %swap3A_1773 = tpu.vector_load %arg12[%swap3A_1769, %swap3A_1770, %swap3A_1771, %swap3A_1772] {strides = array<i32>} : memref<2x1x200x64xf32, #tpu.memory_space<vmem>>, vector<16xf32>,
        tpu.vector_store %arg12[%swap3A_1769, %swap3A_1770, %swap3A_1771, %swap3A_1772], %add3A_1767 {strides = array<i32>} : memref<2x1x200x64xf32, #tpu.memory_space<vmem>>, vector<16xf32>,
        %add3A_1774 = arith.constant 8 : i32
        %add3A_1775 = arith.addi %min3A_233, %add3A_1774 : i32
        %add3A_1776 = arith.constant 3 : i32
        %add3A_1777 = arith.addi %add3A_1775, %add3A_1776 : i32
        %broadcast_in_dim3A_1778 = arith.constant 3 : i32
        %broadcast_in_dim3A_1779 = vector.broadcast %broadcast_in_dim3A_1778 : i32 to vector<16xi32>
        %broadcast_in_dim3A_1780 = vector.shape_cast %broadcast_in_dim3A_1779 : vector<16xi32> to vector<16x1xi32>
        %gather3A_1781 = vector.shape_cast %broadcast_in_dim3A_1780 : vector<16x1xi32> to vector<16xi32>
        %gather3A_1782 = tpu.dynamic_gather %mul3A_1616[%gather3A_1781] in [0] : vector<16xf32>, vector<16xi32> -> vector<16xf32>
        %broadcast_in_dim3A_1783 = vector.shape_cast %broadcast_in_dim3A_1779 : vector<16xi32> to vector<16x1xi32>
        %gather3A_1784 = vector.shape_cast %broadcast_in_dim3A_1783 : vector<16x1xi32> to vector<16xi32>
        %gather3A_1785 = tpu.dynamic_gather %mul3A_1617[%gather3A_1784] in [0] : vector<16xf32>, vector<16xi32> -> vector<16xf32>
        %mul3A_1786 = arith.mulf %add3A_1472, %gather3A_1782 : vector<16xf32>
        %sub3A_1787 = arith.subf %mul3A_1786, %gather3A_1785 : vector<16xf32>
        %mul3A_1788 = arith.mulf %sub3A_1787, %get3A_3 : vector<16xf32>
        %add3A_1789 = arith.addf %mul3A_1788, %get3A_5 : vector<16xf32>
        %swap3A_1790 = arith.constant 0 : i32
        %swap3A_1791 = arith.index_cast %rem3A_170 : i32 to index
        %swap3A_1792 = arith.index_cast %swap3A_1790 : i32 to index
        %swap3A_1793 = arith.index_cast %add3A_1777 : i32 to index
        %swap3A_1794 = arith.constant 0 : index
        %swap3A_1795 = tpu.vector_load %arg12[%swap3A_1791, %swap3A_1792, %swap3A_1793, %swap3A_1794] {strides = array<i32>} : memref<2x1x200x64xf32, #tpu.memory_space<vmem>>, vector<16xf32>,
        tpu.vector_store %arg12[%swap3A_1791, %swap3A_1792, %swap3A_1793, %swap3A_1794], %add3A_1789 {strides = array<i32>} : memref<2x1x200x64xf32, #tpu.memory_space<vmem>>, vector<16xf32>,
        %mul3A_1796 = arith.mulf %add3A_1481, %gather3A_1782 : vector<16xf32>
        %sub3A_1797 = arith.subf %mul3A_1796, %gather3A_1785 : vector<16xf32>
        %mul3A_1798 = arith.mulf %sub3A_1797, %get3A_7 : vector<16xf32>
        %add3A_1799 = arith.addf %mul3A_1798, %get3A_9 : vector<16xf32>
        %swap3A_1800 = arith.constant 0 : i32
        %swap3A_1801 = arith.index_cast %rem3A_170 : i32 to index
        %swap3A_1802 = arith.index_cast %swap3A_1800 : i32 to index
        %swap3A_1803 = arith.index_cast %add3A_1777 : i32 to index
        %swap3A_1804 = arith.constant 16 : index
        %swap3A_1805 = tpu.vector_load %arg12[%swap3A_1801, %swap3A_1802, %swap3A_1803, %swap3A_1804] {strides = array<i32>} : memref<2x1x200x64xf32, #tpu.memory_space<vmem>>, vector<16xf32>,
        tpu.vector_store %arg12[%swap3A_1801, %swap3A_1802, %swap3A_1803, %swap3A_1804], %add3A_1799 {strides = array<i32>} : memref<2x1x200x64xf32, #tpu.memory_space<vmem>>, vector<16xf32>,
        %mul3A_1806 = arith.mulf %add3A_1490, %gather3A_1782 : vector<16xf32>
        %sub3A_1807 = arith.subf %mul3A_1806, %gather3A_1785 : vector<16xf32>
        %mul3A_1808 = arith.mulf %sub3A_1807, %get3A_11 : vector<16xf32>
        %add3A_1809 = arith.addf %mul3A_1808, %get3A_13 : vector<16xf32>
        %swap3A_1810 = arith.constant 0 : i32
        %swap3A_1811 = arith.index_cast %rem3A_170 : i32 to index
        %swap3A_1812 = arith.index_cast %swap3A_1810 : i32 to index
        %swap3A_1813 = arith.index_cast %add3A_1777 : i32 to index
        %swap3A_1814 = arith.constant 32 : index
        %swap3A_1815 = tpu.vector_load %arg12[%swap3A_1811, %swap3A_1812, %swap3A_1813, %swap3A_1814] {strides = array<i32>} : memref<2x1x200x64xf32, #tpu.memory_space<vmem>>, vector<16xf32>,
        tpu.vector_store %arg12[%swap3A_1811, %swap3A_1812, %swap3A_1813, %swap3A_1814], %add3A_1809 {strides = array<i32>} : memref<2x1x200x64xf32, #tpu.memory_space<vmem>>, vector<16xf32>,
        %mul3A_1816 = arith.mulf %add3A_1499, %gather3A_1782 : vector<16xf32>
        %sub3A_1817 = arith.subf %mul3A_1816, %gather3A_1785 : vector<16xf32>
        %mul3A_1818 = arith.mulf %sub3A_1817, %get3A_15 : vector<16xf32>
        %add3A_1819 = arith.addf %mul3A_1818, %get3A_17 : vector<16xf32>
        %swap3A_1820 = arith.constant 0 : i32
        %swap3A_1821 = arith.index_cast %rem3A_170 : i32 to index
        %swap3A_1822 = arith.index_cast %swap3A_1820 : i32 to index
        %swap3A_1823 = arith.index_cast %add3A_1777 : i32 to index
        %swap3A_1824 = arith.constant 48 : index
        %swap3A_1825 = tpu.vector_load %arg12[%swap3A_1821, %swap3A_1822, %swap3A_1823, %swap3A_1824] {strides = array<i32>} : memref<2x1x200x64xf32, #tpu.memory_space<vmem>>, vector<16xf32>,
        tpu.vector_store %arg12[%swap3A_1821, %swap3A_1822, %swap3A_1823, %swap3A_1824], %add3A_1819 {strides = array<i32>} : memref<2x1x200x64xf32, #tpu.memory_space<vmem>>, vector<16xf32>,
        %add3A_1826 = arith.constant 12 : i32
        %add3A_1827 = arith.addi %min3A_233, %add3A_1826 : i32
        %add3A_1828 = arith.constant 0 : i32
        %add3A_1829 = arith.addi %add3A_1827, %add3A_1828 : i32
        %slice3A_1830 = vector.extract_strided_slice %get3A_238 {offsets = [12], sizes = [1], strides = [1]} : vector<16xi32> to vector<1xi32>
        %squeeze3A_1831 = vector.extract %slice3A_1830[0] : i32 from vector<1xi32>
        %mul3A_1832 = arith.constant 64 : i32
        %mul3A_1833 = arith.muli %squeeze3A_1831, %mul3A_1832 : i32
        %get3A_1834 = arith.index_cast %rem3A_170 : i32 to index
        %get3A_1835 = arith.index_cast %add3A_1829 : i32 to index
        %get3A_1836 = arith.constant 0 : index
        %get3A_1837 = tpu.vector_load %arg11[%get3A_1834, %get3A_1835, %get3A_1836] {strides = array<i32>} : memref<2x200x64xf32, #tpu.memory_space<vmem>>, vector<16xf32>,
        %add3A_1838 = arith.constant 0 : i32
        %add3A_1839 = arith.addi %mul3A_1833, %add3A_1838 : i32
        %get3A_1840 = arith.index_cast %add3A_1839 : i32 to index
        %get3A_1841 = tpu.vector_load %arg13[%get3A_1840] {strides = array<i32>} : memref<6400xf32, #tpu.memory_space<vmem>>, vector<16xf32>,
        %add3A_1842 = arith.addf %get3A_1837, %get3A_1841 : vector<16xf32>
        %get3A_1843 = arith.index_cast %rem3A_170 : i32 to index
        %get3A_1844 = arith.index_cast %add3A_1829 : i32 to index
        %get3A_1845 = arith.constant 16 : index
        %get3A_1846 = tpu.vector_load %arg11[%get3A_1843, %get3A_1844, %get3A_1845] {strides = array<i32>} : memref<2x200x64xf32, #tpu.memory_space<vmem>>, vector<16xf32>,
        %add3A_1847 = arith.constant 16 : i32
        %add3A_1848 = arith.addi %mul3A_1833, %add3A_1847 : i32
        %get3A_1849 = arith.index_cast %add3A_1848 : i32 to index
        %get3A_1850 = tpu.vector_load %arg13[%get3A_1849] {strides = array<i32>} : memref<6400xf32, #tpu.memory_space<vmem>>, vector<16xf32>,
        %add3A_1851 = arith.addf %get3A_1846, %get3A_1850 : vector<16xf32>
        %get3A_1852 = arith.index_cast %rem3A_170 : i32 to index
        %get3A_1853 = arith.index_cast %add3A_1829 : i32 to index
        %get3A_1854 = arith.constant 32 : index
        %get3A_1855 = tpu.vector_load %arg11[%get3A_1852, %get3A_1853, %get3A_1854] {strides = array<i32>} : memref<2x200x64xf32, #tpu.memory_space<vmem>>, vector<16xf32>,
        %add3A_1856 = arith.constant 32 : i32
        %add3A_1857 = arith.addi %mul3A_1833, %add3A_1856 : i32
        %get3A_1858 = arith.index_cast %add3A_1857 : i32 to index
        %get3A_1859 = tpu.vector_load %arg13[%get3A_1858] {strides = array<i32>} : memref<6400xf32, #tpu.memory_space<vmem>>, vector<16xf32>,
        %add3A_1860 = arith.addf %get3A_1855, %get3A_1859 : vector<16xf32>
        %get3A_1861 = arith.index_cast %rem3A_170 : i32 to index
        %get3A_1862 = arith.index_cast %add3A_1829 : i32 to index
        %get3A_1863 = arith.constant 48 : index
        %get3A_1864 = tpu.vector_load %arg11[%get3A_1861, %get3A_1862, %get3A_1863] {strides = array<i32>} : memref<2x200x64xf32, #tpu.memory_space<vmem>>, vector<16xf32>,
        %add3A_1865 = arith.constant 48 : i32
        %add3A_1866 = arith.addi %mul3A_1833, %add3A_1865 : i32
        %get3A_1867 = arith.index_cast %add3A_1866 : i32 to index
        %get3A_1868 = tpu.vector_load %arg13[%get3A_1867] {strides = array<i32>} : memref<6400xf32, #tpu.memory_space<vmem>>, vector<16xf32>,
        %add3A_1869 = arith.addf %get3A_1864, %get3A_1868 : vector<16xf32>
        %add3A_1870 = arith.addf %add3A_1842, %add3A_1851 : vector<16xf32>
        %add3A_1871 = arith.addf %add3A_1860, %add3A_1869 : vector<16xf32>
        %add3A_1872 = arith.addf %add3A_1870, %add3A_1871 : vector<16xf32>
        %mul3A_1873 = arith.mulf %add3A_1842, %add3A_1842 : vector<16xf32>
        %mul3A_1874 = arith.mulf %add3A_1851, %add3A_1851 : vector<16xf32>
        %add3A_1875 = arith.addf %mul3A_1873, %mul3A_1874 : vector<16xf32>
        %mul3A_1876 = arith.mulf %add3A_1860, %add3A_1860 : vector<16xf32>
        %mul3A_1877 = arith.mulf %add3A_1869, %add3A_1869 : vector<16xf32>
        %add3A_1878 = arith.addf %mul3A_1876, %mul3A_1877 : vector<16xf32>
        %add3A_1879 = arith.addf %add3A_1875, %add3A_1878 : vector<16xf32>
        %add3A_1880 = arith.constant 12 : i32
        %add3A_1881 = arith.addi %min3A_233, %add3A_1880 : i32
        %add3A_1882 = arith.constant 1 : i32
        %add3A_1883 = arith.addi %add3A_1881, %add3A_1882 : i32
        %slice3A_1884 = vector.extract_strided_slice %get3A_238 {offsets = [13], sizes = [1], strides = [1]} : vector<16xi32> to vector<1xi32>
        %squeeze3A_1885 = vector.extract %slice3A_1884[0] : i32 from vector<1xi32>
        %mul3A_1886 = arith.constant 64 : i32
        %mul3A_1887 = arith.muli %squeeze3A_1885, %mul3A_1886 : i32
        %get3A_1888 = arith.index_cast %rem3A_170 : i32 to index
        %get3A_1889 = arith.index_cast %add3A_1883 : i32 to index
        %get3A_1890 = arith.constant 0 : index
        %get3A_1891 = tpu.vector_load %arg11[%get3A_1888, %get3A_1889, %get3A_1890] {strides = array<i32>} : memref<2x200x64xf32, #tpu.memory_space<vmem>>, vector<16xf32>,
        %add3A_1892 = arith.constant 0 : i32
        %add3A_1893 = arith.addi %mul3A_1887, %add3A_1892 : i32
        %get3A_1894 = arith.index_cast %add3A_1893 : i32 to index
        %get3A_1895 = tpu.vector_load %arg13[%get3A_1894] {strides = array<i32>} : memref<6400xf32, #tpu.memory_space<vmem>>, vector<16xf32>,
        %add3A_1896 = arith.addf %get3A_1891, %get3A_1895 : vector<16xf32>
        %get3A_1897 = arith.index_cast %rem3A_170 : i32 to index
        %get3A_1898 = arith.index_cast %add3A_1883 : i32 to index
        %get3A_1899 = arith.constant 16 : index
        %get3A_1900 = tpu.vector_load %arg11[%get3A_1897, %get3A_1898, %get3A_1899] {strides = array<i32>} : memref<2x200x64xf32, #tpu.memory_space<vmem>>, vector<16xf32>,
        %add3A_1901 = arith.constant 16 : i32
        %add3A_1902 = arith.addi %mul3A_1887, %add3A_1901 : i32
        %get3A_1903 = arith.index_cast %add3A_1902 : i32 to index
        %get3A_1904 = tpu.vector_load %arg13[%get3A_1903] {strides = array<i32>} : memref<6400xf32, #tpu.memory_space<vmem>>, vector<16xf32>,
        %add3A_1905 = arith.addf %get3A_1900, %get3A_1904 : vector<16xf32>
        %get3A_1906 = arith.index_cast %rem3A_170 : i32 to index
        %get3A_1907 = arith.index_cast %add3A_1883 : i32 to index
        %get3A_1908 = arith.constant 32 : index
        %get3A_1909 = tpu.vector_load %arg11[%get3A_1906, %get3A_1907, %get3A_1908] {strides = array<i32>} : memref<2x200x64xf32, #tpu.memory_space<vmem>>, vector<16xf32>,
        %add3A_1910 = arith.constant 32 : i32
        %add3A_1911 = arith.addi %mul3A_1887, %add3A_1910 : i32
        %get3A_1912 = arith.index_cast %add3A_1911 : i32 to index
        %get3A_1913 = tpu.vector_load %arg13[%get3A_1912] {strides = array<i32>} : memref<6400xf32, #tpu.memory_space<vmem>>, vector<16xf32>,
        %add3A_1914 = arith.addf %get3A_1909, %get3A_1913 : vector<16xf32>
        %get3A_1915 = arith.index_cast %rem3A_170 : i32 to index
        %get3A_1916 = arith.index_cast %add3A_1883 : i32 to index
        %get3A_1917 = arith.constant 48 : index
        %get3A_1918 = tpu.vector_load %arg11[%get3A_1915, %get3A_1916, %get3A_1917] {strides = array<i32>} : memref<2x200x64xf32, #tpu.memory_space<vmem>>, vector<16xf32>,
        %add3A_1919 = arith.constant 48 : i32
        %add3A_1920 = arith.addi %mul3A_1887, %add3A_1919 : i32
        %get3A_1921 = arith.index_cast %add3A_1920 : i32 to index
        %get3A_1922 = tpu.vector_load %arg13[%get3A_1921] {strides = array<i32>} : memref<6400xf32, #tpu.memory_space<vmem>>, vector<16xf32>,
        %add3A_1923 = arith.addf %get3A_1918, %get3A_1922 : vector<16xf32>
        %add3A_1924 = arith.addf %add3A_1896, %add3A_1905 : vector<16xf32>
        %add3A_1925 = arith.addf %add3A_1914, %add3A_1923 : vector<16xf32>
        %add3A_1926 = arith.addf %add3A_1924, %add3A_1925 : vector<16xf32>
        %mul3A_1927 = arith.mulf %add3A_1896, %add3A_1896 : vector<16xf32>
        %mul3A_1928 = arith.mulf %add3A_1905, %add3A_1905 : vector<16xf32>
        %add3A_1929 = arith.addf %mul3A_1927, %mul3A_1928 : vector<16xf32>
        %mul3A_1930 = arith.mulf %add3A_1914, %add3A_1914 : vector<16xf32>
        %mul3A_1931 = arith.mulf %add3A_1923, %add3A_1923 : vector<16xf32>
        %add3A_1932 = arith.addf %mul3A_1930, %mul3A_1931 : vector<16xf32>
        %add3A_1933 = arith.addf %add3A_1929, %add3A_1932 : vector<16xf32>
        %add3A_1934 = arith.constant 12 : i32
        %add3A_1935 = arith.addi %min3A_233, %add3A_1934 : i32
        %add3A_1936 = arith.constant 2 : i32
        %add3A_1937 = arith.addi %add3A_1935, %add3A_1936 : i32
        %slice3A_1938 = vector.extract_strided_slice %get3A_238 {offsets = [14], sizes = [1], strides = [1]} : vector<16xi32> to vector<1xi32>
        %squeeze3A_1939 = vector.extract %slice3A_1938[0] : i32 from vector<1xi32>
        %mul3A_1940 = arith.constant 64 : i32
        %mul3A_1941 = arith.muli %squeeze3A_1939, %mul3A_1940 : i32
        %get3A_1942 = arith.index_cast %rem3A_170 : i32 to index
        %get3A_1943 = arith.index_cast %add3A_1937 : i32 to index
        %get3A_1944 = arith.constant 0 : index
        %get3A_1945 = tpu.vector_load %arg11[%get3A_1942, %get3A_1943, %get3A_1944] {strides = array<i32>} : memref<2x200x64xf32, #tpu.memory_space<vmem>>, vector<16xf32>,
        %add3A_1946 = arith.constant 0 : i32
        %add3A_1947 = arith.addi %mul3A_1941, %add3A_1946 : i32
        %get3A_1948 = arith.index_cast %add3A_1947 : i32 to index
        %get3A_1949 = tpu.vector_load %arg13[%get3A_1948] {strides = array<i32>} : memref<6400xf32, #tpu.memory_space<vmem>>, vector<16xf32>,
        %add3A_1950 = arith.addf %get3A_1945, %get3A_1949 : vector<16xf32>
        %get3A_1951 = arith.index_cast %rem3A_170 : i32 to index
        %get3A_1952 = arith.index_cast %add3A_1937 : i32 to index
        %get3A_1953 = arith.constant 16 : index
        %get3A_1954 = tpu.vector_load %arg11[%get3A_1951, %get3A_1952, %get3A_1953] {strides = array<i32>} : memref<2x200x64xf32, #tpu.memory_space<vmem>>, vector<16xf32>,
        %add3A_1955 = arith.constant 16 : i32
        %add3A_1956 = arith.addi %mul3A_1941, %add3A_1955 : i32
        %get3A_1957 = arith.index_cast %add3A_1956 : i32 to index
        %get3A_1958 = tpu.vector_load %arg13[%get3A_1957] {strides = array<i32>} : memref<6400xf32, #tpu.memory_space<vmem>>, vector<16xf32>,
        %add3A_1959 = arith.addf %get3A_1954, %get3A_1958 : vector<16xf32>
        %get3A_1960 = arith.index_cast %rem3A_170 : i32 to index
        %get3A_1961 = arith.index_cast %add3A_1937 : i32 to index
        %get3A_1962 = arith.constant 32 : index
        %get3A_1963 = tpu.vector_load %arg11[%get3A_1960, %get3A_1961, %get3A_1962] {strides = array<i32>} : memref<2x200x64xf32, #tpu.memory_space<vmem>>, vector<16xf32>,
        %add3A_1964 = arith.constant 32 : i32
        %add3A_1965 = arith.addi %mul3A_1941, %add3A_1964 : i32
        %get3A_1966 = arith.index_cast %add3A_1965 : i32 to index
        %get3A_1967 = tpu.vector_load %arg13[%get3A_1966] {strides = array<i32>} : memref<6400xf32, #tpu.memory_space<vmem>>, vector<16xf32>,
        %add3A_1968 = arith.addf %get3A_1963, %get3A_1967 : vector<16xf32>
        %get3A_1969 = arith.index_cast %rem3A_170 : i32 to index
        %get3A_1970 = arith.index_cast %add3A_1937 : i32 to index
        %get3A_1971 = arith.constant 48 : index
        %get3A_1972 = tpu.vector_load %arg11[%get3A_1969, %get3A_1970, %get3A_1971] {strides = array<i32>} : memref<2x200x64xf32, #tpu.memory_space<vmem>>, vector<16xf32>,
        %add3A_1973 = arith.constant 48 : i32
        %add3A_1974 = arith.addi %mul3A_1941, %add3A_1973 : i32
        %get3A_1975 = arith.index_cast %add3A_1974 : i32 to index
        %get3A_1976 = tpu.vector_load %arg13[%get3A_1975] {strides = array<i32>} : memref<6400xf32, #tpu.memory_space<vmem>>, vector<16xf32>,
        %add3A_1977 = arith.addf %get3A_1972, %get3A_1976 : vector<16xf32>
        %add3A_1978 = arith.addf %add3A_1950, %add3A_1959 : vector<16xf32>
        %add3A_1979 = arith.addf %add3A_1968, %add3A_1977 : vector<16xf32>
        %add3A_1980 = arith.addf %add3A_1978, %add3A_1979 : vector<16xf32>
        %mul3A_1981 = arith.mulf %add3A_1950, %add3A_1950 : vector<16xf32>
        %mul3A_1982 = arith.mulf %add3A_1959, %add3A_1959 : vector<16xf32>
        %add3A_1983 = arith.addf %mul3A_1981, %mul3A_1982 : vector<16xf32>
        %mul3A_1984 = arith.mulf %add3A_1968, %add3A_1968 : vector<16xf32>
        %mul3A_1985 = arith.mulf %add3A_1977, %add3A_1977 : vector<16xf32>
        %add3A_1986 = arith.addf %mul3A_1984, %mul3A_1985 : vector<16xf32>
        %add3A_1987 = arith.addf %add3A_1983, %add3A_1986 : vector<16xf32>
        %add3A_1988 = arith.constant 12 : i32
        %add3A_1989 = arith.addi %min3A_233, %add3A_1988 : i32
        %add3A_1990 = arith.constant 3 : i32
        %add3A_1991 = arith.addi %add3A_1989, %add3A_1990 : i32
        %slice3A_1992 = vector.extract_strided_slice %get3A_238 {offsets = [15], sizes = [1], strides = [1]} : vector<16xi32> to vector<1xi32>
        %squeeze3A_1993 = vector.extract %slice3A_1992[0] : i32 from vector<1xi32>
        %mul3A_1994 = arith.constant 64 : i32
        %mul3A_1995 = arith.muli %squeeze3A_1993, %mul3A_1994 : i32
        %get3A_1996 = arith.index_cast %rem3A_170 : i32 to index
        %get3A_1997 = arith.index_cast %add3A_1991 : i32 to index
        %get3A_1998 = arith.constant 0 : index
        %get3A_1999 = tpu.vector_load %arg11[%get3A_1996, %get3A_1997, %get3A_1998] {strides = array<i32>} : memref<2x200x64xf32, #tpu.memory_space<vmem>>, vector<16xf32>,
        %add3A_2000 = arith.constant 0 : i32
        %add3A_2001 = arith.addi %mul3A_1995, %add3A_2000 : i32
        %get3A_2002 = arith.index_cast %add3A_2001 : i32 to index
        %get3A_2003 = tpu.vector_load %arg13[%get3A_2002] {strides = array<i32>} : memref<6400xf32, #tpu.memory_space<vmem>>, vector<16xf32>,
        %add3A_2004 = arith.addf %get3A_1999, %get3A_2003 : vector<16xf32>
        %get3A_2005 = arith.index_cast %rem3A_170 : i32 to index
        %get3A_2006 = arith.index_cast %add3A_1991 : i32 to index
        %get3A_2007 = arith.constant 16 : index
        %get3A_2008 = tpu.vector_load %arg11[%get3A_2005, %get3A_2006, %get3A_2007] {strides = array<i32>} : memref<2x200x64xf32, #tpu.memory_space<vmem>>, vector<16xf32>,
        %add3A_2009 = arith.constant 16 : i32
        %add3A_2010 = arith.addi %mul3A_1995, %add3A_2009 : i32
        %get3A_2011 = arith.index_cast %add3A_2010 : i32 to index
        %get3A_2012 = tpu.vector_load %arg13[%get3A_2011] {strides = array<i32>} : memref<6400xf32, #tpu.memory_space<vmem>>, vector<16xf32>,
        %add3A_2013 = arith.addf %get3A_2008, %get3A_2012 : vector<16xf32>
        %get3A_2014 = arith.index_cast %rem3A_170 : i32 to index
        %get3A_2015 = arith.index_cast %add3A_1991 : i32 to index
        %get3A_2016 = arith.constant 32 : index
        %get3A_2017 = tpu.vector_load %arg11[%get3A_2014, %get3A_2015, %get3A_2016] {strides = array<i32>} : memref<2x200x64xf32, #tpu.memory_space<vmem>>, vector<16xf32>,
        %add3A_2018 = arith.constant 32 : i32
        %add3A_2019 = arith.addi %mul3A_1995, %add3A_2018 : i32
        %get3A_2020 = arith.index_cast %add3A_2019 : i32 to index
        %get3A_2021 = tpu.vector_load %arg13[%get3A_2020] {strides = array<i32>} : memref<6400xf32, #tpu.memory_space<vmem>>, vector<16xf32>,
        %add3A_2022 = arith.addf %get3A_2017, %get3A_2021 : vector<16xf32>
        %get3A_2023 = arith.index_cast %rem3A_170 : i32 to index
        %get3A_2024 = arith.index_cast %add3A_1991 : i32 to index
        %get3A_2025 = arith.constant 48 : index
        %get3A_2026 = tpu.vector_load %arg11[%get3A_2023, %get3A_2024, %get3A_2025] {strides = array<i32>} : memref<2x200x64xf32, #tpu.memory_space<vmem>>, vector<16xf32>,
        %add3A_2027 = arith.constant 48 : i32
        %add3A_2028 = arith.addi %mul3A_1995, %add3A_2027 : i32
        %get3A_2029 = arith.index_cast %add3A_2028 : i32 to index
        %get3A_2030 = tpu.vector_load %arg13[%get3A_2029] {strides = array<i32>} : memref<6400xf32, #tpu.memory_space<vmem>>, vector<16xf32>,
        %add3A_2031 = arith.addf %get3A_2026, %get3A_2030 : vector<16xf32>
        %add3A_2032 = arith.addf %add3A_2004, %add3A_2013 : vector<16xf32>
        %add3A_2033 = arith.addf %add3A_2022, %add3A_2031 : vector<16xf32>
        %add3A_2034 = arith.addf %add3A_2032, %add3A_2033 : vector<16xf32>
        %mul3A_2035 = arith.mulf %add3A_2004, %add3A_2004 : vector<16xf32>
        %mul3A_2036 = arith.mulf %add3A_2013, %add3A_2013 : vector<16xf32>
        %add3A_2037 = arith.addf %mul3A_2035, %mul3A_2036 : vector<16xf32>
        %mul3A_2038 = arith.mulf %add3A_2022, %add3A_2022 : vector<16xf32>
        %mul3A_2039 = arith.mulf %add3A_2031, %add3A_2031 : vector<16xf32>
        %add3A_2040 = arith.addf %mul3A_2038, %mul3A_2039 : vector<16xf32>
        %add3A_2041 = arith.addf %add3A_2037, %add3A_2040 : vector<16xf32>
        %broadcast_in_dim3A_2042 = vector.shape_cast %xor3A_19 : vector<16xi32> to vector<16x1xi32>
        %gather3A_2043 = vector.shape_cast %broadcast_in_dim3A_2042 : vector<16x1xi32> to vector<16xi32>
        %gather3A_2044 = tpu.dynamic_gather %add3A_1926[%gather3A_2043] in [0] : vector<16xf32>, vector<16xi32> -> vector<16xf32>
        %select_n3A_2045 = arith.select %eq3A_32, %add3A_1872, %gather3A_2044 : vector<16xi1>, vector<16xf32>
        %broadcast_in_dim3A_2046 = vector.shape_cast %xor3A_19 : vector<16xi32> to vector<16x1xi32>
        %gather3A_2047 = vector.shape_cast %broadcast_in_dim3A_2046 : vector<16x1xi32> to vector<16xi32>
        %gather3A_2048 = tpu.dynamic_gather %add3A_1872[%gather3A_2047] in [0] : vector<16xf32>, vector<16xi32> -> vector<16xf32>
        %select_n3A_2049 = arith.select %eq3A_32, %gather3A_2048, %add3A_1926 : vector<16xi1>, vector<16xf32>
        %add3A_2050 = arith.addf %select_n3A_2045, %select_n3A_2049 : vector<16xf32>
        %broadcast_in_dim3A_2051 = vector.shape_cast %xor3A_19 : vector<16xi32> to vector<16x1xi32>
        %gather3A_2052 = vector.shape_cast %broadcast_in_dim3A_2051 : vector<16x1xi32> to vector<16xi32>
        %gather3A_2053 = tpu.dynamic_gather %add3A_2034[%gather3A_2052] in [0] : vector<16xf32>, vector<16xi32> -> vector<16xf32>
        %select_n3A_2054 = arith.select %eq3A_32, %add3A_1980, %gather3A_2053 : vector<16xi1>, vector<16xf32>
        %broadcast_in_dim3A_2055 = vector.shape_cast %xor3A_19 : vector<16xi32> to vector<16x1xi32>
        %gather3A_2056 = vector.shape_cast %broadcast_in_dim3A_2055 : vector<16x1xi32> to vector<16xi32>
        %gather3A_2057 = tpu.dynamic_gather %add3A_1980[%gather3A_2056] in [0] : vector<16xf32>, vector<16xi32> -> vector<16xf32>
        %select_n3A_2058 = arith.select %eq3A_32, %gather3A_2057, %add3A_2034 : vector<16xi1>, vector<16xf32>
        %add3A_2059 = arith.addf %select_n3A_2054, %select_n3A_2058 : vector<16xf32>
        %broadcast_in_dim3A_2060 = vector.shape_cast %xor3A_22 : vector<16xi32> to vector<16x1xi32>
        %gather3A_2061 = vector.shape_cast %broadcast_in_dim3A_2060 : vector<16x1xi32> to vector<16xi32>
        %gather3A_2062 = tpu.dynamic_gather %add3A_2059[%gather3A_2061] in [0] : vector<16xf32>, vector<16xi32> -> vector<16xf32>
        %select_n3A_2063 = arith.select %eq3A_38, %add3A_2050, %gather3A_2062 : vector<16xi1>, vector<16xf32>
        %broadcast_in_dim3A_2064 = vector.shape_cast %xor3A_22 : vector<16xi32> to vector<16x1xi32>
        %gather3A_2065 = vector.shape_cast %broadcast_in_dim3A_2064 : vector<16x1xi32> to vector<16xi32>
        %gather3A_2066 = tpu.dynamic_gather %add3A_2050[%gather3A_2065] in [0] : vector<16xf32>, vector<16xi32> -> vector<16xf32>
        %select_n3A_2067 = arith.select %eq3A_38, %gather3A_2066, %add3A_2059 : vector<16xi1>, vector<16xf32>
        %add3A_2068 = arith.addf %select_n3A_2063, %select_n3A_2067 : vector<16xf32>
        %broadcast_in_dim3A_2069 = vector.shape_cast %xor3A_19 : vector<16xi32> to vector<16x1xi32>
        %gather3A_2070 = vector.shape_cast %broadcast_in_dim3A_2069 : vector<16x1xi32> to vector<16xi32>
        %gather3A_2071 = tpu.dynamic_gather %add3A_1933[%gather3A_2070] in [0] : vector<16xf32>, vector<16xi32> -> vector<16xf32>
        %select_n3A_2072 = arith.select %eq3A_32, %add3A_1879, %gather3A_2071 : vector<16xi1>, vector<16xf32>
        %broadcast_in_dim3A_2073 = vector.shape_cast %xor3A_19 : vector<16xi32> to vector<16x1xi32>
        %gather3A_2074 = vector.shape_cast %broadcast_in_dim3A_2073 : vector<16x1xi32> to vector<16xi32>
        %gather3A_2075 = tpu.dynamic_gather %add3A_1879[%gather3A_2074] in [0] : vector<16xf32>, vector<16xi32> -> vector<16xf32>
        %select_n3A_2076 = arith.select %eq3A_32, %gather3A_2075, %add3A_1933 : vector<16xi1>, vector<16xf32>
        %add3A_2077 = arith.addf %select_n3A_2072, %select_n3A_2076 : vector<16xf32>
        %broadcast_in_dim3A_2078 = vector.shape_cast %xor3A_19 : vector<16xi32> to vector<16x1xi32>
        %gather3A_2079 = vector.shape_cast %broadcast_in_dim3A_2078 : vector<16x1xi32> to vector<16xi32>
        %gather3A_2080 = tpu.dynamic_gather %add3A_2041[%gather3A_2079] in [0] : vector<16xf32>, vector<16xi32> -> vector<16xf32>
        %select_n3A_2081 = arith.select %eq3A_32, %add3A_1987, %gather3A_2080 : vector<16xi1>, vector<16xf32>
        %broadcast_in_dim3A_2082 = vector.shape_cast %xor3A_19 : vector<16xi32> to vector<16x1xi32>
        %gather3A_2083 = vector.shape_cast %broadcast_in_dim3A_2082 : vector<16x1xi32> to vector<16xi32>
        %gather3A_2084 = tpu.dynamic_gather %add3A_1987[%gather3A_2083] in [0] : vector<16xf32>, vector<16xi32> -> vector<16xf32>
        %select_n3A_2085 = arith.select %eq3A_32, %gather3A_2084, %add3A_2041 : vector<16xi1>, vector<16xf32>
        %add3A_2086 = arith.addf %select_n3A_2081, %select_n3A_2085 : vector<16xf32>
        %broadcast_in_dim3A_2087 = vector.shape_cast %xor3A_22 : vector<16xi32> to vector<16x1xi32>
        %gather3A_2088 = vector.shape_cast %broadcast_in_dim3A_2087 : vector<16x1xi32> to vector<16xi32>
        %gather3A_2089 = tpu.dynamic_gather %add3A_2086[%gather3A_2088] in [0] : vector<16xf32>, vector<16xi32> -> vector<16xf32>
        %select_n3A_2090 = arith.select %eq3A_38, %add3A_2077, %gather3A_2089 : vector<16xi1>, vector<16xf32>
        %broadcast_in_dim3A_2091 = vector.shape_cast %xor3A_22 : vector<16xi32> to vector<16x1xi32>
        %gather3A_2092 = vector.shape_cast %broadcast_in_dim3A_2091 : vector<16x1xi32> to vector<16xi32>
        %gather3A_2093 = tpu.dynamic_gather %add3A_2077[%gather3A_2092] in [0] : vector<16xf32>, vector<16xi32> -> vector<16xf32>
        %select_n3A_2094 = arith.select %eq3A_38, %gather3A_2093, %add3A_2086 : vector<16xi1>, vector<16xf32>
        %add3A_2095 = arith.addf %select_n3A_2090, %select_n3A_2094 : vector<16xf32>
        %broadcast_in_dim3A_2096 = vector.shape_cast %xor3A_25 : vector<16xi32> to vector<16x1xi32>
        %gather3A_2097 = vector.shape_cast %broadcast_in_dim3A_2096 : vector<16x1xi32> to vector<16xi32>
        %gather3A_2098 = tpu.dynamic_gather %add3A_2068[%gather3A_2097] in [0] : vector<16xf32>, vector<16xi32> -> vector<16xf32>
        %add3A_2099 = arith.addf %add3A_2068, %gather3A_2098 : vector<16xf32>
        %broadcast_in_dim3A_2100 = vector.shape_cast %xor3A_28 : vector<16xi32> to vector<16x1xi32>
        %gather3A_2101 = vector.shape_cast %broadcast_in_dim3A_2100 : vector<16x1xi32> to vector<16xi32>
        %gather3A_2102 = tpu.dynamic_gather %add3A_2099[%gather3A_2101] in [0] : vector<16xf32>, vector<16xi32> -> vector<16xf32>
        %add3A_2103 = arith.addf %add3A_2099, %gather3A_2102 : vector<16xf32>
        %broadcast_in_dim3A_2104 = vector.shape_cast %xor3A_25 : vector<16xi32> to vector<16x1xi32>
        %gather3A_2105 = vector.shape_cast %broadcast_in_dim3A_2104 : vector<16x1xi32> to vector<16xi32>
        %gather3A_2106 = tpu.dynamic_gather %add3A_2095[%gather3A_2105] in [0] : vector<16xf32>, vector<16xi32> -> vector<16xf32>
        %add3A_2107 = arith.addf %add3A_2095, %gather3A_2106 : vector<16xf32>
        %broadcast_in_dim3A_2108 = vector.shape_cast %xor3A_28 : vector<16xi32> to vector<16x1xi32>
        %gather3A_2109 = vector.shape_cast %broadcast_in_dim3A_2108 : vector<16x1xi32> to vector<16xi32>
        %gather3A_2110 = tpu.dynamic_gather %add3A_2107[%gather3A_2109] in [0] : vector<16xf32>, vector<16xi32> -> vector<16xf32>
        %add3A_2111 = arith.addf %add3A_2107, %gather3A_2110 : vector<16xf32>
        %mul3A_2112 = arith.constant 1.562500e-02 : f32
        %mul3A_2113 = vector.broadcast %mul3A_2112 : f32 to vector<16xf32>
        %mul3A_2114 = arith.mulf %add3A_2103, %mul3A_2113 : vector<16xf32>
        %mul3A_2115 = arith.constant 1.562500e-02 : f32
        %mul3A_2116 = vector.broadcast %mul3A_2115 : f32 to vector<16xf32>
        %mul3A_2117 = arith.mulf %add3A_2111, %mul3A_2116 : vector<16xf32>
        %mul3A_2118 = arith.mulf %mul3A_2114, %mul3A_2114 : vector<16xf32>
        %sub3A_2119 = arith.subf %mul3A_2117, %mul3A_2118 : vector<16xf32>
        %add3A_2120 = arith.constant 9.99999974E-6 : f32
        %add3A_2121 = vector.broadcast %add3A_2120 : f32 to vector<16xf32>
        %add3A_2122 = arith.addf %sub3A_2119, %add3A_2121 : vector<16xf32>
        %bitcast3A_2123 = vector.bitcast %add3A_2122 : vector<16xf32> to vector<16xi32>
        %shift_right_arithmetic3A_2124 = arith.constant 1 : i32
        %shift_right_arithmetic3A_2125 = vector.broadcast %shift_right_arithmetic3A_2124 : i32 to vector<16xi32>
        %shift_right_arithmetic3A_2126 = arith.shrsi %bitcast3A_2123, %shift_right_arithmetic3A_2125 : vector<16xi32>
        %sub3A_2127 = arith.constant 1597463007 : i32
        %sub3A_2128 = vector.broadcast %sub3A_2127 : i32 to vector<16xi32>
        %sub3A_2129 = arith.subi %sub3A_2128, %shift_right_arithmetic3A_2126 : vector<16xi32>
        %bitcast3A_2130 = vector.bitcast %sub3A_2129 : vector<16xi32> to vector<16xf32>
        %mul3A_2131 = arith.constant 5.000000e-01 : f32
        %mul3A_2132 = vector.broadcast %mul3A_2131 : f32 to vector<16xf32>
        %mul3A_2133 = arith.mulf %mul3A_2132, %add3A_2122 : vector<16xf32>
        %mul3A_2134 = arith.mulf %mul3A_2133, %bitcast3A_2130 : vector<16xf32>
        %mul3A_2135 = arith.mulf %mul3A_2134, %bitcast3A_2130 : vector<16xf32>
        %sub3A_2136 = arith.constant 1.500000e+00 : f32
        %sub3A_2137 = vector.broadcast %sub3A_2136 : f32 to vector<16xf32>
        %sub3A_2138 = arith.subf %sub3A_2137, %mul3A_2135 : vector<16xf32>
        %mul3A_2139 = arith.mulf %bitcast3A_2130, %sub3A_2138 : vector<16xf32>
        %mul3A_2140 = arith.constant 5.000000e-01 : f32
        %mul3A_2141 = vector.broadcast %mul3A_2140 : f32 to vector<16xf32>
        %mul3A_2142 = arith.mulf %mul3A_2141, %add3A_2122 : vector<16xf32>
        %mul3A_2143 = arith.mulf %mul3A_2142, %mul3A_2139 : vector<16xf32>
        %mul3A_2144 = arith.mulf %mul3A_2143, %mul3A_2139 : vector<16xf32>
        %sub3A_2145 = arith.constant 1.500000e+00 : f32
        %sub3A_2146 = vector.broadcast %sub3A_2145 : f32 to vector<16xf32>
        %sub3A_2147 = arith.subf %sub3A_2146, %mul3A_2144 : vector<16xf32>
        %mul3A_2148 = arith.mulf %mul3A_2139, %sub3A_2147 : vector<16xf32>
        %mul3A_2149 = arith.mulf %mul3A_2114, %mul3A_2148 : vector<16xf32>
        %add3A_2150 = arith.constant 12 : i32
        %add3A_2151 = arith.addi %min3A_233, %add3A_2150 : i32
        %add3A_2152 = arith.constant 0 : i32
        %add3A_2153 = arith.addi %add3A_2151, %add3A_2152 : i32
        %broadcast_in_dim3A_2154 = arith.constant 0 : i32
        %broadcast_in_dim3A_2155 = vector.broadcast %broadcast_in_dim3A_2154 : i32 to vector<16xi32>
        %broadcast_in_dim3A_2156 = vector.shape_cast %broadcast_in_dim3A_2155 : vector<16xi32> to vector<16x1xi32>
        %gather3A_2157 = vector.shape_cast %broadcast_in_dim3A_2156 : vector<16x1xi32> to vector<16xi32>
        %gather3A_2158 = tpu.dynamic_gather %mul3A_2148[%gather3A_2157] in [0] : vector<16xf32>, vector<16xi32> -> vector<16xf32>
        %broadcast_in_dim3A_2159 = vector.shape_cast %broadcast_in_dim3A_2155 : vector<16xi32> to vector<16x1xi32>
        %gather3A_2160 = vector.shape_cast %broadcast_in_dim3A_2159 : vector<16x1xi32> to vector<16xi32>
        %gather3A_2161 = tpu.dynamic_gather %mul3A_2149[%gather3A_2160] in [0] : vector<16xf32>, vector<16xi32> -> vector<16xf32>
        %mul3A_2162 = arith.mulf %add3A_1842, %gather3A_2158 : vector<16xf32>
        %sub3A_2163 = arith.subf %mul3A_2162, %gather3A_2161 : vector<16xf32>
        %mul3A_2164 = arith.mulf %sub3A_2163, %get3A_3 : vector<16xf32>
        %add3A_2165 = arith.addf %mul3A_2164, %get3A_5 : vector<16xf32>
        %swap3A_2166 = arith.constant 0 : i32
        %swap3A_2167 = arith.index_cast %rem3A_170 : i32 to index
        %swap3A_2168 = arith.index_cast %swap3A_2166 : i32 to index
        %swap3A_2169 = arith.index_cast %add3A_2153 : i32 to index
        %swap3A_2170 = arith.constant 0 : index
        %swap3A_2171 = tpu.vector_load %arg12[%swap3A_2167, %swap3A_2168, %swap3A_2169, %swap3A_2170] {strides = array<i32>} : memref<2x1x200x64xf32, #tpu.memory_space<vmem>>, vector<16xf32>,
        tpu.vector_store %arg12[%swap3A_2167, %swap3A_2168, %swap3A_2169, %swap3A_2170], %add3A_2165 {strides = array<i32>} : memref<2x1x200x64xf32, #tpu.memory_space<vmem>>, vector<16xf32>,
        %mul3A_2172 = arith.mulf %add3A_1851, %gather3A_2158 : vector<16xf32>
        %sub3A_2173 = arith.subf %mul3A_2172, %gather3A_2161 : vector<16xf32>
        %mul3A_2174 = arith.mulf %sub3A_2173, %get3A_7 : vector<16xf32>
        %add3A_2175 = arith.addf %mul3A_2174, %get3A_9 : vector<16xf32>
        %swap3A_2176 = arith.constant 0 : i32
        %swap3A_2177 = arith.index_cast %rem3A_170 : i32 to index
        %swap3A_2178 = arith.index_cast %swap3A_2176 : i32 to index
        %swap3A_2179 = arith.index_cast %add3A_2153 : i32 to index
        %swap3A_2180 = arith.constant 16 : index
        %swap3A_2181 = tpu.vector_load %arg12[%swap3A_2177, %swap3A_2178, %swap3A_2179, %swap3A_2180] {strides = array<i32>} : memref<2x1x200x64xf32, #tpu.memory_space<vmem>>, vector<16xf32>,
        tpu.vector_store %arg12[%swap3A_2177, %swap3A_2178, %swap3A_2179, %swap3A_2180], %add3A_2175 {strides = array<i32>} : memref<2x1x200x64xf32, #tpu.memory_space<vmem>>, vector<16xf32>,
        %mul3A_2182 = arith.mulf %add3A_1860, %gather3A_2158 : vector<16xf32>
        %sub3A_2183 = arith.subf %mul3A_2182, %gather3A_2161 : vector<16xf32>
        %mul3A_2184 = arith.mulf %sub3A_2183, %get3A_11 : vector<16xf32>
        %add3A_2185 = arith.addf %mul3A_2184, %get3A_13 : vector<16xf32>
        %swap3A_2186 = arith.constant 0 : i32
        %swap3A_2187 = arith.index_cast %rem3A_170 : i32 to index
        %swap3A_2188 = arith.index_cast %swap3A_2186 : i32 to index
        %swap3A_2189 = arith.index_cast %add3A_2153 : i32 to index
        %swap3A_2190 = arith.constant 32 : index
        %swap3A_2191 = tpu.vector_load %arg12[%swap3A_2187, %swap3A_2188, %swap3A_2189, %swap3A_2190] {strides = array<i32>} : memref<2x1x200x64xf32, #tpu.memory_space<vmem>>, vector<16xf32>,
        tpu.vector_store %arg12[%swap3A_2187, %swap3A_2188, %swap3A_2189, %swap3A_2190], %add3A_2185 {strides = array<i32>} : memref<2x1x200x64xf32, #tpu.memory_space<vmem>>, vector<16xf32>,
        %mul3A_2192 = arith.mulf %add3A_1869, %gather3A_2158 : vector<16xf32>
        %sub3A_2193 = arith.subf %mul3A_2192, %gather3A_2161 : vector<16xf32>
        %mul3A_2194 = arith.mulf %sub3A_2193, %get3A_15 : vector<16xf32>
        %add3A_2195 = arith.addf %mul3A_2194, %get3A_17 : vector<16xf32>
        %swap3A_2196 = arith.constant 0 : i32
        %swap3A_2197 = arith.index_cast %rem3A_170 : i32 to index
        %swap3A_2198 = arith.index_cast %swap3A_2196 : i32 to index
        %swap3A_2199 = arith.index_cast %add3A_2153 : i32 to index
        %swap3A_2200 = arith.constant 48 : index
        %swap3A_2201 = tpu.vector_load %arg12[%swap3A_2197, %swap3A_2198, %swap3A_2199, %swap3A_2200] {strides = array<i32>} : memref<2x1x200x64xf32, #tpu.memory_space<vmem>>, vector<16xf32>,
        tpu.vector_store %arg12[%swap3A_2197, %swap3A_2198, %swap3A_2199, %swap3A_2200], %add3A_2195 {strides = array<i32>} : memref<2x1x200x64xf32, #tpu.memory_space<vmem>>, vector<16xf32>,
        %add3A_2202 = arith.constant 12 : i32
        %add3A_2203 = arith.addi %min3A_233, %add3A_2202 : i32
        %add3A_2204 = arith.constant 1 : i32
        %add3A_2205 = arith.addi %add3A_2203, %add3A_2204 : i32
        %broadcast_in_dim3A_2206 = arith.constant 1 : i32
        %broadcast_in_dim3A_2207 = vector.broadcast %broadcast_in_dim3A_2206 : i32 to vector<16xi32>
        %broadcast_in_dim3A_2208 = vector.shape_cast %broadcast_in_dim3A_2207 : vector<16xi32> to vector<16x1xi32>
        %gather3A_2209 = vector.shape_cast %broadcast_in_dim3A_2208 : vector<16x1xi32> to vector<16xi32>
        %gather3A_2210 = tpu.dynamic_gather %mul3A_2148[%gather3A_2209] in [0] : vector<16xf32>, vector<16xi32> -> vector<16xf32>
        %broadcast_in_dim3A_2211 = vector.shape_cast %broadcast_in_dim3A_2207 : vector<16xi32> to vector<16x1xi32>
        %gather3A_2212 = vector.shape_cast %broadcast_in_dim3A_2211 : vector<16x1xi32> to vector<16xi32>
        %gather3A_2213 = tpu.dynamic_gather %mul3A_2149[%gather3A_2212] in [0] : vector<16xf32>, vector<16xi32> -> vector<16xf32>
        %mul3A_2214 = arith.mulf %add3A_1896, %gather3A_2210 : vector<16xf32>
        %sub3A_2215 = arith.subf %mul3A_2214, %gather3A_2213 : vector<16xf32>
        %mul3A_2216 = arith.mulf %sub3A_2215, %get3A_3 : vector<16xf32>
        %add3A_2217 = arith.addf %mul3A_2216, %get3A_5 : vector<16xf32>
        %swap3A_2218 = arith.constant 0 : i32
        %swap3A_2219 = arith.index_cast %rem3A_170 : i32 to index
        %swap3A_2220 = arith.index_cast %swap3A_2218 : i32 to index
        %swap3A_2221 = arith.index_cast %add3A_2205 : i32 to index
        %swap3A_2222 = arith.constant 0 : index
        %swap3A_2223 = tpu.vector_load %arg12[%swap3A_2219, %swap3A_2220, %swap3A_2221, %swap3A_2222] {strides = array<i32>} : memref<2x1x200x64xf32, #tpu.memory_space<vmem>>, vector<16xf32>,
        tpu.vector_store %arg12[%swap3A_2219, %swap3A_2220, %swap3A_2221, %swap3A_2222], %add3A_2217 {strides = array<i32>} : memref<2x1x200x64xf32, #tpu.memory_space<vmem>>, vector<16xf32>,
        %mul3A_2224 = arith.mulf %add3A_1905, %gather3A_2210 : vector<16xf32>
        %sub3A_2225 = arith.subf %mul3A_2224, %gather3A_2213 : vector<16xf32>
        %mul3A_2226 = arith.mulf %sub3A_2225, %get3A_7 : vector<16xf32>
        %add3A_2227 = arith.addf %mul3A_2226, %get3A_9 : vector<16xf32>
        %swap3A_2228 = arith.constant 0 : i32
        %swap3A_2229 = arith.index_cast %rem3A_170 : i32 to index
        %swap3A_2230 = arith.index_cast %swap3A_2228 : i32 to index
        %swap3A_2231 = arith.index_cast %add3A_2205 : i32 to index
        %swap3A_2232 = arith.constant 16 : index
        %swap3A_2233 = tpu.vector_load %arg12[%swap3A_2229, %swap3A_2230, %swap3A_2231, %swap3A_2232] {strides = array<i32>} : memref<2x1x200x64xf32, #tpu.memory_space<vmem>>, vector<16xf32>,
        tpu.vector_store %arg12[%swap3A_2229, %swap3A_2230, %swap3A_2231, %swap3A_2232], %add3A_2227 {strides = array<i32>} : memref<2x1x200x64xf32, #tpu.memory_space<vmem>>, vector<16xf32>,
        %mul3A_2234 = arith.mulf %add3A_1914, %gather3A_2210 : vector<16xf32>
        %sub3A_2235 = arith.subf %mul3A_2234, %gather3A_2213 : vector<16xf32>
        %mul3A_2236 = arith.mulf %sub3A_2235, %get3A_11 : vector<16xf32>
        %add3A_2237 = arith.addf %mul3A_2236, %get3A_13 : vector<16xf32>
        %swap3A_2238 = arith.constant 0 : i32
        %swap3A_2239 = arith.index_cast %rem3A_170 : i32 to index
        %swap3A_2240 = arith.index_cast %swap3A_2238 : i32 to index
        %swap3A_2241 = arith.index_cast %add3A_2205 : i32 to index
        %swap3A_2242 = arith.constant 32 : index
        %swap3A_2243 = tpu.vector_load %arg12[%swap3A_2239, %swap3A_2240, %swap3A_2241, %swap3A_2242] {strides = array<i32>} : memref<2x1x200x64xf32, #tpu.memory_space<vmem>>, vector<16xf32>,
        tpu.vector_store %arg12[%swap3A_2239, %swap3A_2240, %swap3A_2241, %swap3A_2242], %add3A_2237 {strides = array<i32>} : memref<2x1x200x64xf32, #tpu.memory_space<vmem>>, vector<16xf32>,
        %mul3A_2244 = arith.mulf %add3A_1923, %gather3A_2210 : vector<16xf32>
        %sub3A_2245 = arith.subf %mul3A_2244, %gather3A_2213 : vector<16xf32>
        %mul3A_2246 = arith.mulf %sub3A_2245, %get3A_15 : vector<16xf32>
        %add3A_2247 = arith.addf %mul3A_2246, %get3A_17 : vector<16xf32>
        %swap3A_2248 = arith.constant 0 : i32
        %swap3A_2249 = arith.index_cast %rem3A_170 : i32 to index
        %swap3A_2250 = arith.index_cast %swap3A_2248 : i32 to index
        %swap3A_2251 = arith.index_cast %add3A_2205 : i32 to index
        %swap3A_2252 = arith.constant 48 : index
        %swap3A_2253 = tpu.vector_load %arg12[%swap3A_2249, %swap3A_2250, %swap3A_2251, %swap3A_2252] {strides = array<i32>} : memref<2x1x200x64xf32, #tpu.memory_space<vmem>>, vector<16xf32>,
        tpu.vector_store %arg12[%swap3A_2249, %swap3A_2250, %swap3A_2251, %swap3A_2252], %add3A_2247 {strides = array<i32>} : memref<2x1x200x64xf32, #tpu.memory_space<vmem>>, vector<16xf32>,
        %add3A_2254 = arith.constant 12 : i32
        %add3A_2255 = arith.addi %min3A_233, %add3A_2254 : i32
        %add3A_2256 = arith.constant 2 : i32
        %add3A_2257 = arith.addi %add3A_2255, %add3A_2256 : i32
        %broadcast_in_dim3A_2258 = arith.constant 2 : i32
        %broadcast_in_dim3A_2259 = vector.broadcast %broadcast_in_dim3A_2258 : i32 to vector<16xi32>
        %broadcast_in_dim3A_2260 = vector.shape_cast %broadcast_in_dim3A_2259 : vector<16xi32> to vector<16x1xi32>
        %gather3A_2261 = vector.shape_cast %broadcast_in_dim3A_2260 : vector<16x1xi32> to vector<16xi32>
        %gather3A_2262 = tpu.dynamic_gather %mul3A_2148[%gather3A_2261] in [0] : vector<16xf32>, vector<16xi32> -> vector<16xf32>
        %broadcast_in_dim3A_2263 = vector.shape_cast %broadcast_in_dim3A_2259 : vector<16xi32> to vector<16x1xi32>
        %gather3A_2264 = vector.shape_cast %broadcast_in_dim3A_2263 : vector<16x1xi32> to vector<16xi32>
        %gather3A_2265 = tpu.dynamic_gather %mul3A_2149[%gather3A_2264] in [0] : vector<16xf32>, vector<16xi32> -> vector<16xf32>
        %mul3A_2266 = arith.mulf %add3A_1950, %gather3A_2262 : vector<16xf32>
        %sub3A_2267 = arith.subf %mul3A_2266, %gather3A_2265 : vector<16xf32>
        %mul3A_2268 = arith.mulf %sub3A_2267, %get3A_3 : vector<16xf32>
        %add3A_2269 = arith.addf %mul3A_2268, %get3A_5 : vector<16xf32>
        %swap3A_2270 = arith.constant 0 : i32
        %swap3A_2271 = arith.index_cast %rem3A_170 : i32 to index
        %swap3A_2272 = arith.index_cast %swap3A_2270 : i32 to index
        %swap3A_2273 = arith.index_cast %add3A_2257 : i32 to index
        %swap3A_2274 = arith.constant 0 : index
        %swap3A_2275 = tpu.vector_load %arg12[%swap3A_2271, %swap3A_2272, %swap3A_2273, %swap3A_2274] {strides = array<i32>} : memref<2x1x200x64xf32, #tpu.memory_space<vmem>>, vector<16xf32>,
        tpu.vector_store %arg12[%swap3A_2271, %swap3A_2272, %swap3A_2273, %swap3A_2274], %add3A_2269 {strides = array<i32>} : memref<2x1x200x64xf32, #tpu.memory_space<vmem>>, vector<16xf32>,
        %mul3A_2276 = arith.mulf %add3A_1959, %gather3A_2262 : vector<16xf32>
        %sub3A_2277 = arith.subf %mul3A_2276, %gather3A_2265 : vector<16xf32>
        %mul3A_2278 = arith.mulf %sub3A_2277, %get3A_7 : vector<16xf32>
        %add3A_2279 = arith.addf %mul3A_2278, %get3A_9 : vector<16xf32>
        %swap3A_2280 = arith.constant 0 : i32
        %swap3A_2281 = arith.index_cast %rem3A_170 : i32 to index
        %swap3A_2282 = arith.index_cast %swap3A_2280 : i32 to index
        %swap3A_2283 = arith.index_cast %add3A_2257 : i32 to index
        %swap3A_2284 = arith.constant 16 : index
        %swap3A_2285 = tpu.vector_load %arg12[%swap3A_2281, %swap3A_2282, %swap3A_2283, %swap3A_2284] {strides = array<i32>} : memref<2x1x200x64xf32, #tpu.memory_space<vmem>>, vector<16xf32>,
        tpu.vector_store %arg12[%swap3A_2281, %swap3A_2282, %swap3A_2283, %swap3A_2284], %add3A_2279 {strides = array<i32>} : memref<2x1x200x64xf32, #tpu.memory_space<vmem>>, vector<16xf32>,
        %mul3A_2286 = arith.mulf %add3A_1968, %gather3A_2262 : vector<16xf32>
        %sub3A_2287 = arith.subf %mul3A_2286, %gather3A_2265 : vector<16xf32>
        %mul3A_2288 = arith.mulf %sub3A_2287, %get3A_11 : vector<16xf32>
        %add3A_2289 = arith.addf %mul3A_2288, %get3A_13 : vector<16xf32>
        %swap3A_2290 = arith.constant 0 : i32
        %swap3A_2291 = arith.index_cast %rem3A_170 : i32 to index
        %swap3A_2292 = arith.index_cast %swap3A_2290 : i32 to index
        %swap3A_2293 = arith.index_cast %add3A_2257 : i32 to index
        %swap3A_2294 = arith.constant 32 : index
        %swap3A_2295 = tpu.vector_load %arg12[%swap3A_2291, %swap3A_2292, %swap3A_2293, %swap3A_2294] {strides = array<i32>} : memref<2x1x200x64xf32, #tpu.memory_space<vmem>>, vector<16xf32>,
        tpu.vector_store %arg12[%swap3A_2291, %swap3A_2292, %swap3A_2293, %swap3A_2294], %add3A_2289 {strides = array<i32>} : memref<2x1x200x64xf32, #tpu.memory_space<vmem>>, vector<16xf32>,
        %mul3A_2296 = arith.mulf %add3A_1977, %gather3A_2262 : vector<16xf32>
        %sub3A_2297 = arith.subf %mul3A_2296, %gather3A_2265 : vector<16xf32>
        %mul3A_2298 = arith.mulf %sub3A_2297, %get3A_15 : vector<16xf32>
        %add3A_2299 = arith.addf %mul3A_2298, %get3A_17 : vector<16xf32>
        %swap3A_2300 = arith.constant 0 : i32
        %swap3A_2301 = arith.index_cast %rem3A_170 : i32 to index
        %swap3A_2302 = arith.index_cast %swap3A_2300 : i32 to index
        %swap3A_2303 = arith.index_cast %add3A_2257 : i32 to index
        %swap3A_2304 = arith.constant 48 : index
        %swap3A_2305 = tpu.vector_load %arg12[%swap3A_2301, %swap3A_2302, %swap3A_2303, %swap3A_2304] {strides = array<i32>} : memref<2x1x200x64xf32, #tpu.memory_space<vmem>>, vector<16xf32>,
        tpu.vector_store %arg12[%swap3A_2301, %swap3A_2302, %swap3A_2303, %swap3A_2304], %add3A_2299 {strides = array<i32>} : memref<2x1x200x64xf32, #tpu.memory_space<vmem>>, vector<16xf32>,
        %add3A_2306 = arith.constant 12 : i32
        %add3A_2307 = arith.addi %min3A_233, %add3A_2306 : i32
        %add3A_2308 = arith.constant 3 : i32
        %add3A_2309 = arith.addi %add3A_2307, %add3A_2308 : i32
        %broadcast_in_dim3A_2310 = arith.constant 3 : i32
        %broadcast_in_dim3A_2311 = vector.broadcast %broadcast_in_dim3A_2310 : i32 to vector<16xi32>
        %broadcast_in_dim3A_2312 = vector.shape_cast %broadcast_in_dim3A_2311 : vector<16xi32> to vector<16x1xi32>
        %gather3A_2313 = vector.shape_cast %broadcast_in_dim3A_2312 : vector<16x1xi32> to vector<16xi32>
        %gather3A_2314 = tpu.dynamic_gather %mul3A_2148[%gather3A_2313] in [0] : vector<16xf32>, vector<16xi32> -> vector<16xf32>
        %broadcast_in_dim3A_2315 = vector.shape_cast %broadcast_in_dim3A_2311 : vector<16xi32> to vector<16x1xi32>
        %gather3A_2316 = vector.shape_cast %broadcast_in_dim3A_2315 : vector<16x1xi32> to vector<16xi32>
        %gather3A_2317 = tpu.dynamic_gather %mul3A_2149[%gather3A_2316] in [0] : vector<16xf32>, vector<16xi32> -> vector<16xf32>
        %mul3A_2318 = arith.mulf %add3A_2004, %gather3A_2314 : vector<16xf32>
        %sub3A_2319 = arith.subf %mul3A_2318, %gather3A_2317 : vector<16xf32>
        %mul3A_2320 = arith.mulf %sub3A_2319, %get3A_3 : vector<16xf32>
        %add3A_2321 = arith.addf %mul3A_2320, %get3A_5 : vector<16xf32>
        %swap3A_2322 = arith.constant 0 : i32
        %swap3A_2323 = arith.index_cast %rem3A_170 : i32 to index
        %swap3A_2324 = arith.index_cast %swap3A_2322 : i32 to index
        %swap3A_2325 = arith.index_cast %add3A_2309 : i32 to index
        %swap3A_2326 = arith.constant 0 : index
        %swap3A_2327 = tpu.vector_load %arg12[%swap3A_2323, %swap3A_2324, %swap3A_2325, %swap3A_2326] {strides = array<i32>} : memref<2x1x200x64xf32, #tpu.memory_space<vmem>>, vector<16xf32>,
        tpu.vector_store %arg12[%swap3A_2323, %swap3A_2324, %swap3A_2325, %swap3A_2326], %add3A_2321 {strides = array<i32>} : memref<2x1x200x64xf32, #tpu.memory_space<vmem>>, vector<16xf32>,
        %mul3A_2328 = arith.mulf %add3A_2013, %gather3A_2314 : vector<16xf32>
        %sub3A_2329 = arith.subf %mul3A_2328, %gather3A_2317 : vector<16xf32>
        %mul3A_2330 = arith.mulf %sub3A_2329, %get3A_7 : vector<16xf32>
        %add3A_2331 = arith.addf %mul3A_2330, %get3A_9 : vector<16xf32>
        %swap3A_2332 = arith.constant 0 : i32
        %swap3A_2333 = arith.index_cast %rem3A_170 : i32 to index
        %swap3A_2334 = arith.index_cast %swap3A_2332 : i32 to index
        %swap3A_2335 = arith.index_cast %add3A_2309 : i32 to index
        %swap3A_2336 = arith.constant 16 : index
        %swap3A_2337 = tpu.vector_load %arg12[%swap3A_2333, %swap3A_2334, %swap3A_2335, %swap3A_2336] {strides = array<i32>} : memref<2x1x200x64xf32, #tpu.memory_space<vmem>>, vector<16xf32>,
        tpu.vector_store %arg12[%swap3A_2333, %swap3A_2334, %swap3A_2335, %swap3A_2336], %add3A_2331 {strides = array<i32>} : memref<2x1x200x64xf32, #tpu.memory_space<vmem>>, vector<16xf32>,
        %mul3A_2338 = arith.mulf %add3A_2022, %gather3A_2314 : vector<16xf32>
        %sub3A_2339 = arith.subf %mul3A_2338, %gather3A_2317 : vector<16xf32>
        %mul3A_2340 = arith.mulf %sub3A_2339, %get3A_11 : vector<16xf32>
        %add3A_2341 = arith.addf %mul3A_2340, %get3A_13 : vector<16xf32>
        %swap3A_2342 = arith.constant 0 : i32
        %swap3A_2343 = arith.index_cast %rem3A_170 : i32 to index
        %swap3A_2344 = arith.index_cast %swap3A_2342 : i32 to index
        %swap3A_2345 = arith.index_cast %add3A_2309 : i32 to index
        %swap3A_2346 = arith.constant 32 : index
        %swap3A_2347 = tpu.vector_load %arg12[%swap3A_2343, %swap3A_2344, %swap3A_2345, %swap3A_2346] {strides = array<i32>} : memref<2x1x200x64xf32, #tpu.memory_space<vmem>>, vector<16xf32>,
        tpu.vector_store %arg12[%swap3A_2343, %swap3A_2344, %swap3A_2345, %swap3A_2346], %add3A_2341 {strides = array<i32>} : memref<2x1x200x64xf32, #tpu.memory_space<vmem>>, vector<16xf32>,
        %mul3A_2348 = arith.mulf %add3A_2031, %gather3A_2314 : vector<16xf32>
        %sub3A_2349 = arith.subf %mul3A_2348, %gather3A_2317 : vector<16xf32>
        %mul3A_2350 = arith.mulf %sub3A_2349, %get3A_15 : vector<16xf32>
        %add3A_2351 = arith.addf %mul3A_2350, %get3A_17 : vector<16xf32>
        %swap3A_2352 = arith.constant 0 : i32
        %swap3A_2353 = arith.index_cast %rem3A_170 : i32 to index
        %swap3A_2354 = arith.index_cast %swap3A_2352 : i32 to index
        %swap3A_2355 = arith.index_cast %add3A_2309 : i32 to index
        %swap3A_2356 = arith.constant 48 : index
        %swap3A_2357 = tpu.vector_load %arg12[%swap3A_2353, %swap3A_2354, %swap3A_2355, %swap3A_2356] {strides = array<i32>} : memref<2x1x200x64xf32, #tpu.memory_space<vmem>>, vector<16xf32>,
        tpu.vector_store %arg12[%swap3A_2353, %swap3A_2354, %swap3A_2355, %swap3A_2356], %add3A_2351 {strides = array<i32>} : memref<2x1x200x64xf32, #tpu.memory_space<vmem>>, vector<16xf32>,
      }
      %scan3A_205 = arith.constant 13 : i32
      %dma_start3A_206 = arith.constant 0 : i32
      %dma_start3A_207 = arith.constant 0 : i32
      %dma_start3A_208 = arith.constant 0 : i32
      %dma_start3A_209 = tpu.memref_slice %arg12[%rem3A_170, %dma_start3A_206, %dma_start3A_207, %dma_start3A_208] : memref<2x1x200x64xf32, #tpu.memory_space<vmem>> -> memref<1x1x200x64xf32, #tpu.memory_space<vmem>>
      %dma_start3A_210 = tpu.memref_squeeze %dma_start3A_209 : memref<1x1x200x64xf32, #tpu.memory_space<vmem>> -> memref<1x200x64xf32, #tpu.memory_space<vmem>>
      %dma_start3A_211 = arith.constant 0 : i32
      %dma_start3A_212 = arith.constant 0 : i32
      %dma_start3A_213 = tpu.memref_slice %arg8[%add3A_171, %dma_start3A_211, %dma_start3A_212] : memref<16384x200x64xf32, #tpu.memory_space<hbm>> -> memref<1x200x64xf32, #tpu.memory_space<hbm>>
      %dma_start3A_214 = tpu.memref_slice %arg17[%rem3A_170] : memref<2x!tpu.dma_semaphore, #tpu.memory_space<semaphore_mem>> -> memref<1x!tpu.dma_semaphore, #tpu.memory_space<semaphore_mem>>
      %dma_start3A_215 = tpu.memref_squeeze %dma_start3A_214 : memref<1x!tpu.dma_semaphore, #tpu.memory_space<semaphore_mem>> -> memref<!tpu.dma_semaphore, #tpu.memory_space<semaphore_mem>>
      %dma_start3A_216 = arith.constant 0 : i32
      %dma_start3A_217 = arith.constant 0 : i32
      %dma_start3A_218 = tpu.memref_slice %arg8[%add3A_171, %dma_start3A_216, %dma_start3A_217] : memref<16384x200x64xf32, #tpu.memory_space<hbm>> -> memref<1x200x64xf32, #tpu.memory_space<hbm>>
      %dma_start3A_219 = arith.constant 0 : i32
      %dma_start3A_220 = arith.constant 0 : i32
      %dma_start3A_221 = arith.constant 0 : i32
      %dma_start3A_222 = tpu.memref_slice %arg12[%rem3A_170, %dma_start3A_219, %dma_start3A_220, %dma_start3A_221] : memref<2x1x200x64xf32, #tpu.memory_space<vmem>> -> memref<1x1x200x64xf32, #tpu.memory_space<vmem>>
      %dma_start3A_223 = tpu.memref_squeeze %dma_start3A_222 : memref<1x1x200x64xf32, #tpu.memory_space<vmem>> -> memref<1x200x64xf32, #tpu.memory_space<vmem>>
      tpu.enqueue_dma source(%dma_start3A_223 : memref<1x200x64xf32, #tpu.memory_space<vmem>>) target(%dma_start3A_218 : memref<1x200x64xf32, #tpu.memory_space<hbm>>) target_semaphore(%dma_start3A_215 : memref<!tpu.dma_semaphore, #tpu.memory_space<semaphore_mem>>)
      %add3A_224 = arith.constant 2 : i32
      %add3A_225 = arith.addi %scan3A_169, %add3A_224 : i32
      %lt3A = arith.constant 512 : i32
      %lt3A_226 = arith.cmpi slt, %add3A_225, %lt3A : i32
      %convert_element_type3A_227 = arith.extui %lt3A_226 : i1 to i32
      %cond3A_228 = arith.constant 0 : i32
      %cond3A_229 = arith.cmpi ne, %convert_element_type3A_227, %cond3A_228 : i32
      scf.if %cond3A_229 {
        %add3A_230 = arith.constant 2 : i32
        %add3A_231 = arith.addi %scan3A_169, %add3A_230 : i32
        %add3A_232 = arith.addi %mul3A_2, %add3A_231 : i32
        "tpu.region"() ({
          %run_scoped3A_259 = tpu.sem_alloc : memref<!tpu.dma_semaphore, #tpu.memory_space<semaphore_mem>>
          %dma_start3A_260 = arith.constant 0 : i32
          %dma_start3A_261 = arith.constant 0 : i32
          %dma_start3A_262 = tpu.memref_slice %arg9[%rem3A_170, %dma_start3A_260, %dma_start3A_261] : memref<2x1x200xi32, #tpu.memory_space<vmem>> -> memref<1x1x200xi32, #tpu.memory_space<vmem>>
          %dma_start3A_263 = tpu.memref_squeeze %dma_start3A_262 : memref<1x1x200xi32, #tpu.memory_space<vmem>> -> memref<1x200xi32, #tpu.memory_space<vmem>>
          %dma_start3A_264 = arith.constant 0 : i32
          %dma_start3A_265 = tpu.memref_slice %arg2[%add3A_232, %dma_start3A_264] : memref<16384x200xi32, #tpu.memory_space<hbm>> -> memref<1x200xi32, #tpu.memory_space<hbm>>
          %dma_start3A_266 = arith.constant 0 : i32
          %dma_start3A_267 = arith.constant 0 : i32
          %dma_start3A_268 = tpu.memref_slice %arg9[%rem3A_170, %dma_start3A_266, %dma_start3A_267] : memref<2x1x200xi32, #tpu.memory_space<vmem>> -> memref<1x1x200xi32, #tpu.memory_space<vmem>>
          %dma_start3A_269 = tpu.memref_squeeze %dma_start3A_268 : memref<1x1x200xi32, #tpu.memory_space<vmem>> -> memref<1x200xi32, #tpu.memory_space<vmem>>
          %dma_start3A_270 = arith.constant 0 : i32
          %dma_start3A_271 = tpu.memref_slice %arg2[%add3A_232, %dma_start3A_270] : memref<16384x200xi32, #tpu.memory_space<hbm>> -> memref<1x200xi32, #tpu.memory_space<hbm>>
          tpu.enqueue_dma source(%dma_start3A_271 : memref<1x200xi32, #tpu.memory_space<hbm>>) target(%dma_start3A_269 : memref<1x200xi32, #tpu.memory_space<vmem>>) target_semaphore(%run_scoped3A_259 : memref<!tpu.dma_semaphore, #tpu.memory_space<semaphore_mem>>)
          %dma_wait3A_272 = arith.constant 0 : i32
          %dma_wait3A_273 = arith.constant 0 : i32
          %dma_wait3A_274 = tpu.memref_slice %arg9[%rem3A_170, %dma_wait3A_272, %dma_wait3A_273] : memref<2x1x200xi32, #tpu.memory_space<vmem>> -> memref<1x1x200xi32, #tpu.memory_space<vmem>>
          %dma_wait3A_275 = tpu.memref_squeeze %dma_wait3A_274 : memref<1x1x200xi32, #tpu.memory_space<vmem>> -> memref<1x200xi32, #tpu.memory_space<vmem>>
          %dma_wait3A_276 = arith.constant 0 : i32
          %dma_wait3A_277 = tpu.memref_slice %arg2[%add3A_232, %dma_wait3A_276] : memref<16384x200xi32, #tpu.memory_space<hbm>> -> memref<1x200xi32, #tpu.memory_space<hbm>>
          %dma_wait3A_278 = arith.constant 0 : i32
          %dma_wait3A_279 = arith.constant 0 : i32
          %dma_wait3A_280 = tpu.memref_slice %arg9[%rem3A_170, %dma_wait3A_278, %dma_wait3A_279] : memref<2x1x200xi32, #tpu.memory_space<vmem>> -> memref<1x1x200xi32, #tpu.memory_space<vmem>>
          %dma_wait3A_281 = tpu.memref_squeeze %dma_wait3A_280 : memref<1x1x200xi32, #tpu.memory_space<vmem>> -> memref<1x200xi32, #tpu.memory_space<vmem>>
          %dma_wait3A_282 = arith.constant 0 : i32
          %dma_wait3A_283 = tpu.memref_slice %arg2[%add3A_232, %dma_wait3A_282] : memref<16384x200xi32, #tpu.memory_space<hbm>> -> memref<1x200xi32, #tpu.memory_space<hbm>>
          tpu.wait_dma2 semaphore(%run_scoped3A_259 : memref<!tpu.dma_semaphore, #tpu.memory_space<semaphore_mem>>) src(%dma_wait3A_283 : memref<1x200xi32, #tpu.memory_space<hbm>>) dst(%dma_wait3A_281 : memref<1x200xi32, #tpu.memory_space<vmem>>)
          tpu.yield
        }) : () -> ()
        "tpu.region"() ({
          %run_scoped3A_259 = tpu.sem_alloc : memref<!tpu.dma_semaphore, #tpu.memory_space<semaphore_mem>>
          %dma_start3A_260 = arith.constant 0 : i32
          %dma_start3A_261 = arith.constant 0 : i32
          %dma_start3A_262 = tpu.memref_slice %arg10[%rem3A_170, %dma_start3A_260, %dma_start3A_261] : memref<2x1x200xi32, #tpu.memory_space<vmem>> -> memref<1x1x200xi32, #tpu.memory_space<vmem>>
          %dma_start3A_263 = tpu.memref_squeeze %dma_start3A_262 : memref<1x1x200xi32, #tpu.memory_space<vmem>> -> memref<1x200xi32, #tpu.memory_space<vmem>>
          %dma_start3A_264 = arith.constant 0 : i32
          %dma_start3A_265 = tpu.memref_slice %arg3[%add3A_232, %dma_start3A_264] : memref<16384x200xi32, #tpu.memory_space<hbm>> -> memref<1x200xi32, #tpu.memory_space<hbm>>
          %dma_start3A_266 = arith.constant 0 : i32
          %dma_start3A_267 = arith.constant 0 : i32
          %dma_start3A_268 = tpu.memref_slice %arg10[%rem3A_170, %dma_start3A_266, %dma_start3A_267] : memref<2x1x200xi32, #tpu.memory_space<vmem>> -> memref<1x1x200xi32, #tpu.memory_space<vmem>>
          %dma_start3A_269 = tpu.memref_squeeze %dma_start3A_268 : memref<1x1x200xi32, #tpu.memory_space<vmem>> -> memref<1x200xi32, #tpu.memory_space<vmem>>
          %dma_start3A_270 = arith.constant 0 : i32
          %dma_start3A_271 = tpu.memref_slice %arg3[%add3A_232, %dma_start3A_270] : memref<16384x200xi32, #tpu.memory_space<hbm>> -> memref<1x200xi32, #tpu.memory_space<hbm>>
          tpu.enqueue_dma source(%dma_start3A_271 : memref<1x200xi32, #tpu.memory_space<hbm>>) target(%dma_start3A_269 : memref<1x200xi32, #tpu.memory_space<vmem>>) target_semaphore(%run_scoped3A_259 : memref<!tpu.dma_semaphore, #tpu.memory_space<semaphore_mem>>)
          %dma_wait3A_272 = arith.constant 0 : i32
          %dma_wait3A_273 = arith.constant 0 : i32
          %dma_wait3A_274 = tpu.memref_slice %arg10[%rem3A_170, %dma_wait3A_272, %dma_wait3A_273] : memref<2x1x200xi32, #tpu.memory_space<vmem>> -> memref<1x1x200xi32, #tpu.memory_space<vmem>>
          %dma_wait3A_275 = tpu.memref_squeeze %dma_wait3A_274 : memref<1x1x200xi32, #tpu.memory_space<vmem>> -> memref<1x200xi32, #tpu.memory_space<vmem>>
          %dma_wait3A_276 = arith.constant 0 : i32
          %dma_wait3A_277 = tpu.memref_slice %arg3[%add3A_232, %dma_wait3A_276] : memref<16384x200xi32, #tpu.memory_space<hbm>> -> memref<1x200xi32, #tpu.memory_space<hbm>>
          %dma_wait3A_278 = arith.constant 0 : i32
          %dma_wait3A_279 = arith.constant 0 : i32
          %dma_wait3A_280 = tpu.memref_slice %arg10[%rem3A_170, %dma_wait3A_278, %dma_wait3A_279] : memref<2x1x200xi32, #tpu.memory_space<vmem>> -> memref<1x1x200xi32, #tpu.memory_space<vmem>>
          %dma_wait3A_281 = tpu.memref_squeeze %dma_wait3A_280 : memref<1x1x200xi32, #tpu.memory_space<vmem>> -> memref<1x200xi32, #tpu.memory_space<vmem>>
          %dma_wait3A_282 = arith.constant 0 : i32
          %dma_wait3A_283 = tpu.memref_slice %arg3[%add3A_232, %dma_wait3A_282] : memref<16384x200xi32, #tpu.memory_space<hbm>> -> memref<1x200xi32, #tpu.memory_space<hbm>>
          tpu.wait_dma2 semaphore(%run_scoped3A_259 : memref<!tpu.dma_semaphore, #tpu.memory_space<semaphore_mem>>) src(%dma_wait3A_283 : memref<1x200xi32, #tpu.memory_space<hbm>>) dst(%dma_wait3A_281 : memref<1x200xi32, #tpu.memory_space<vmem>>)
          tpu.yield
        }) : () -> ()
        %dma_start3A_233 = arith.constant 0 : i32
        %dma_start3A_234 = arith.constant 0 : i32
        %dma_start3A_235 = arith.constant 0 : i32
        %dma_start3A_236 = tpu.memref_slice %arg11[%rem3A_170, %dma_start3A_234, %dma_start3A_235] : memref<2x200x64xf32, #tpu.memory_space<vmem>> -> memref<1x128x64xf32, #tpu.memory_space<vmem>>
        %dma_start3A_237 = tpu.memref_squeeze %dma_start3A_236 : memref<1x128x64xf32, #tpu.memory_space<vmem>> -> memref<128x64xf32, #tpu.memory_space<vmem>>
        %dma_start3A_238 = arith.constant 0 : i32
        %dma_start3A_239 = tpu.memref_slice %arg9[%rem3A_170, %dma_start3A_233, %dma_start3A_238] : memref<2x1x200xi32, #tpu.memory_space<vmem>> -> memref<1x1x128xi32, #tpu.memory_space<vmem>>
        %dma_start3A_240 = tpu.memref_squeeze %dma_start3A_239 : memref<1x1x128xi32, #tpu.memory_space<vmem>> -> memref<128xi32, #tpu.memory_space<vmem>>
        %dma_start3A_241 = arith.constant 0 : i32
        %dma_start3A_242 = arith.constant 0 : i32
        %dma_start3A_243 = tpu.memref_slice %arg4[%dma_start3A_241, %dma_start3A_242] : memref<1000000x64xf32, #tpu.memory_space<hbm>> -> memref<1000000x64xf32, #tpu.memory_space<hbm>>
        %dma_start3A_244 = tpu.memref_slice %arg16[%rem3A_170] : memref<2x!tpu.dma_semaphore, #tpu.memory_space<semaphore_mem>> -> memref<1x!tpu.dma_semaphore, #tpu.memory_space<semaphore_mem>>
        %dma_start3A_245 = tpu.memref_squeeze %dma_start3A_244 : memref<1x!tpu.dma_semaphore, #tpu.memory_space<semaphore_mem>> -> memref<!tpu.dma_semaphore, #tpu.memory_space<semaphore_mem>>
        tpu.enqueue_indirect_dma source(%dma_start3A_243 : memref<1000000x64xf32, #tpu.memory_space<hbm>>) target(%dma_start3A_237 : memref<128x64xf32, #tpu.memory_space<vmem>>) offsets(%dma_start3A_240 : memref<128xi32, #tpu.memory_space<vmem>>) semaphore(%dma_start3A_245 : memref<!tpu.dma_semaphore, #tpu.memory_space<semaphore_mem>>)
        %dma_start3A_246 = arith.constant 0 : i32
        %dma_start3A_247 = arith.constant 128 : i32
        %dma_start3A_248 = arith.constant 0 : i32
        %dma_start3A_249 = tpu.memref_slice %arg11[%rem3A_170, %dma_start3A_247, %dma_start3A_248] : memref<2x200x64xf32, #tpu.memory_space<vmem>> -> memref<1x72x64xf32, #tpu.memory_space<vmem>>
        %dma_start3A_250 = tpu.memref_squeeze %dma_start3A_249 : memref<1x72x64xf32, #tpu.memory_space<vmem>> -> memref<72x64xf32, #tpu.memory_space<vmem>>
        %dma_start3A_251 = arith.constant 128 : i32
        %dma_start3A_252 = tpu.memref_slice %arg9[%rem3A_170, %dma_start3A_246, %dma_start3A_251] : memref<2x1x200xi32, #tpu.memory_space<vmem>> -> memref<1x1x72xi32, #tpu.memory_space<vmem>>
        %dma_start3A_253 = tpu.memref_squeeze %dma_start3A_252 : memref<1x1x72xi32, #tpu.memory_space<vmem>> -> memref<72xi32, #tpu.memory_space<vmem>>
        %dma_start3A_254 = arith.constant 0 : i32
        %dma_start3A_255 = arith.constant 0 : i32
        %dma_start3A_256 = tpu.memref_slice %arg4[%dma_start3A_254, %dma_start3A_255] : memref<1000000x64xf32, #tpu.memory_space<hbm>> -> memref<1000000x64xf32, #tpu.memory_space<hbm>>
        %dma_start3A_257 = tpu.memref_slice %arg16[%rem3A_170] : memref<2x!tpu.dma_semaphore, #tpu.memory_space<semaphore_mem>> -> memref<1x!tpu.dma_semaphore, #tpu.memory_space<semaphore_mem>>
        %dma_start3A_258 = tpu.memref_squeeze %dma_start3A_257 : memref<1x!tpu.dma_semaphore, #tpu.memory_space<semaphore_mem>> -> memref<!tpu.dma_semaphore, #tpu.memory_space<semaphore_mem>>
        tpu.enqueue_indirect_dma source(%dma_start3A_256 : memref<1000000x64xf32, #tpu.memory_space<hbm>>) target(%dma_start3A_250 : memref<72x64xf32, #tpu.memory_space<vmem>>) offsets(%dma_start3A_253 : memref<72xi32, #tpu.memory_space<vmem>>) semaphore(%dma_start3A_258 : memref<!tpu.dma_semaphore, #tpu.memory_space<semaphore_mem>>)
      } else {
      }
    }
    %scan3A_125 = arith.constant 512 : i32
    %add3A_126 = arith.constant 510 : i32
    %add3A_127 = arith.addi %mul3A_2, %add3A_126 : i32
    %dma_wait3A = arith.constant 0 : i32
    %dma_wait3A_128 = arith.constant 0 : i32
    %dma_wait3A_129 = arith.constant 0 : i32
    %dma_wait3A_130 = arith.constant 0 : i32
    %dma_wait3A_131 = arith.constant 0 : i32
    %dma_wait3A_132 = tpu.memref_slice %arg12[%dma_wait3A, %dma_wait3A_129, %dma_wait3A_130, %dma_wait3A_131] : memref<2x1x200x64xf32, #tpu.memory_space<vmem>> -> memref<1x1x200x64xf32, #tpu.memory_space<vmem>>
    %dma_wait3A_133 = tpu.memref_squeeze %dma_wait3A_132 : memref<1x1x200x64xf32, #tpu.memory_space<vmem>> -> memref<1x200x64xf32, #tpu.memory_space<vmem>>
    %dma_wait3A_134 = arith.constant 0 : i32
    %dma_wait3A_135 = arith.constant 0 : i32
    %dma_wait3A_136 = tpu.memref_slice %arg8[%add3A_127, %dma_wait3A_134, %dma_wait3A_135] : memref<16384x200x64xf32, #tpu.memory_space<hbm>> -> memref<1x200x64xf32, #tpu.memory_space<hbm>>
    %dma_wait3A_137 = tpu.memref_slice %arg17[%dma_wait3A_128] : memref<2x!tpu.dma_semaphore, #tpu.memory_space<semaphore_mem>> -> memref<1x!tpu.dma_semaphore, #tpu.memory_space<semaphore_mem>>
    %dma_wait3A_138 = tpu.memref_squeeze %dma_wait3A_137 : memref<1x!tpu.dma_semaphore, #tpu.memory_space<semaphore_mem>> -> memref<!tpu.dma_semaphore, #tpu.memory_space<semaphore_mem>>
    %dma_wait3A_139 = arith.constant 0 : i32
    %dma_wait3A_140 = arith.constant 0 : i32
    %dma_wait3A_141 = tpu.memref_slice %arg8[%add3A_127, %dma_wait3A_139, %dma_wait3A_140] : memref<16384x200x64xf32, #tpu.memory_space<hbm>> -> memref<1x200x64xf32, #tpu.memory_space<hbm>>
    %dma_wait3A_142 = arith.constant 0 : i32
    %dma_wait3A_143 = arith.constant 0 : i32
    %dma_wait3A_144 = arith.constant 0 : i32
    %dma_wait3A_145 = tpu.memref_slice %arg12[%dma_wait3A, %dma_wait3A_142, %dma_wait3A_143, %dma_wait3A_144] : memref<2x1x200x64xf32, #tpu.memory_space<vmem>> -> memref<1x1x200x64xf32, #tpu.memory_space<vmem>>
    %dma_wait3A_146 = tpu.memref_squeeze %dma_wait3A_145 : memref<1x1x200x64xf32, #tpu.memory_space<vmem>> -> memref<1x200x64xf32, #tpu.memory_space<vmem>>
    tpu.wait_dma2 semaphore(%dma_wait3A_138 : memref<!tpu.dma_semaphore, #tpu.memory_space<semaphore_mem>>) src(%dma_wait3A_146 : memref<1x200x64xf32, #tpu.memory_space<vmem>>) dst(%dma_wait3A_141 : memref<1x200x64xf32, #tpu.memory_space<hbm>>)
    %add3A_147 = arith.constant 511 : i32
    %add3A_148 = arith.addi %mul3A_2, %add3A_147 : i32
    %dma_wait3A_149 = arith.constant 1 : i32
    %dma_wait3A_150 = arith.constant 1 : i32
    %dma_wait3A_151 = arith.constant 0 : i32
    %dma_wait3A_152 = arith.constant 0 : i32
    %dma_wait3A_153 = arith.constant 0 : i32
    %dma_wait3A_154 = tpu.memref_slice %arg12[%dma_wait3A_149, %dma_wait3A_151, %dma_wait3A_152, %dma_wait3A_153] : memref<2x1x200x64xf32, #tpu.memory_space<vmem>> -> memref<1x1x200x64xf32, #tpu.memory_space<vmem>>
    %dma_wait3A_155 = tpu.memref_squeeze %dma_wait3A_154 : memref<1x1x200x64xf32, #tpu.memory_space<vmem>> -> memref<1x200x64xf32, #tpu.memory_space<vmem>>
    %dma_wait3A_156 = arith.constant 0 : i32
    %dma_wait3A_157 = arith.constant 0 : i32
    %dma_wait3A_158 = tpu.memref_slice %arg8[%add3A_148, %dma_wait3A_156, %dma_wait3A_157] : memref<16384x200x64xf32, #tpu.memory_space<hbm>> -> memref<1x200x64xf32, #tpu.memory_space<hbm>>
    %dma_wait3A_159 = tpu.memref_slice %arg17[%dma_wait3A_150] : memref<2x!tpu.dma_semaphore, #tpu.memory_space<semaphore_mem>> -> memref<1x!tpu.dma_semaphore, #tpu.memory_space<semaphore_mem>>
    %dma_wait3A_160 = tpu.memref_squeeze %dma_wait3A_159 : memref<1x!tpu.dma_semaphore, #tpu.memory_space<semaphore_mem>> -> memref<!tpu.dma_semaphore, #tpu.memory_space<semaphore_mem>>
    %dma_wait3A_161 = arith.constant 0 : i32
    %dma_wait3A_162 = arith.constant 0 : i32
    %dma_wait3A_163 = tpu.memref_slice %arg8[%add3A_148, %dma_wait3A_161, %dma_wait3A_162] : memref<16384x200x64xf32, #tpu.memory_space<hbm>> -> memref<1x200x64xf32, #tpu.memory_space<hbm>>
    %dma_wait3A_164 = arith.constant 0 : i32
    %dma_wait3A_165 = arith.constant 0 : i32
    %dma_wait3A_166 = arith.constant 0 : i32
    %dma_wait3A_167 = tpu.memref_slice %arg12[%dma_wait3A_149, %dma_wait3A_164, %dma_wait3A_165, %dma_wait3A_166] : memref<2x1x200x64xf32, #tpu.memory_space<vmem>> -> memref<1x1x200x64xf32, #tpu.memory_space<vmem>>
    %dma_wait3A_168 = tpu.memref_squeeze %dma_wait3A_167 : memref<1x1x200x64xf32, #tpu.memory_space<vmem>> -> memref<1x200x64xf32, #tpu.memory_space<vmem>>
    tpu.wait_dma2 semaphore(%dma_wait3A_160 : memref<!tpu.dma_semaphore, #tpu.memory_space<semaphore_mem>>) src(%dma_wait3A_168 : memref<1x200x64xf32, #tpu.memory_space<vmem>>) dst(%dma_wait3A_163 : memref<1x200x64xf32, #tpu.memory_space<hbm>>)
    return
  }
}

</mosaic_0001>

<sc_bundles>
// kernel: kernel.3.cloned.1.call-start
scs
__scs_entry_jumppad:
0x0: {  	(pc) =	sbr.rel $0x88, $3  }
0x1: {  	(tag) =	ssettag $0x0;
	lr =	simm.s32 $0x1  }
0x2: {  	[smem:$0x3F9B] =	sst lr;
	_ =	strace $0xD0000000  }
0x3: {  	_ = 	snop  }
0x4: {  	_ = 	snop  }
0x5: {  	_ = 	snop  }
0x6: {  	_ = 	snop  }
0x7: {  	_ = 	snop  }
__scs_overlays_trampoline_lowered:
0x8: {  	[smem:$0x3FAA] =	sst s0  }
0x9: {  	[smem:$0x3FAB] =	sst s1  }
0xa: {  	[smem:$0x3FAC] =	sst s2  }
0xb: {  	[smem:$0x3FAD] =	sst s3  }
0xc: {  	[smem:$0x3FAE] =	sst s4  }
0xd: {  	[smem:$0x3FAF] =	sst s5  }
0xe: {  	[smem:$0x3FB0] =	sst s6  }
0xf: {  	[smem:$0x3FB1] =	sst s7  }
0x10: {  	[smem:$0x3FB2] =	sst s8  }
0x11: {  	[smem:$0x3FB3] =	sst s9;
	s0 =	simm.s32 @!p0 $0x0  }
0x12: {  	s1 =	sld [smem:$0x3F99];
	s0 =	simm.s32 @p0 $0x1  }
0x13: {  	[smem:$0x3FB4] =	sst s0;
	s0 =	simm.s32 @!p1 $0x0  }
0x14: {  	s2 =	sld [smem:$0x3F98];
	s0 =	simm.s32 @p1 $0x1  }
0x15: {  	[smem:$0x3FB5] =	sst s0;
	s0 =	simm.s32 @!p2 $0x0  }
0x16: {  	s3 =	sld [smem:$0x3FDB];
	s0 =	simm.s32 @p2 $0x1  }
0x17: {  	s4 =	simm.s32 $0x1BF5;
	[smem:$0x3FB7] =	sst s0  }
0x18: {  	s0 =	sld [smem:$0x3F9A];
	_ =	swait.ge [sflag:s4], $0x0  }
0x19: {  	s7 =	sld [smem:$0x3F9B]  }
0x1a: {  	s8 =	sadd.s32 $0xFFFFE003, lr  }
0x1b: {  	s9 =	sadd.s32 $0xFFFFFEF7, lr;
	s5 =	simm.s32 $0xFFFFFFFF;
	p2 =	slt.u32 s8, $0xFFFFF086  }
0x1c: {  	p1 =	slt.u32 s9, $0xF7A;
	s5 =	simm.s32 @!p2 $0x0  }
0x1d: {  	s5 =	simm.s32 @p1 $0x1;
	p0 =	seq.s32 s7, s2  }
0x1e: {  	s7 =	smul.u32 @!p0 $0xF7A, s2;
	p2 =	seq.s32 @!p0 s5, $0x0  }
0x1f: {  	s9 =	smul.u32 $0xF7A, s1;
	s8 =	simm.s32 @!p0 $0x1BF5;
	p2 =	por !p2, p0  }
0x20: {  	[sflag:s8] =	ssyncset.s32 @!p0 $0xFFFFF086;
	s6 =	sadd.s32 @!p0 s3, s7;
	s7 =	simm.s32 @!p0 $0x108  }
0x21: {  	s3 =	sadd.s32 s3, s9;
	s6 =	sadd.s32 @!p0 $0x88, s6;
	s7 =	simm.s32 @p2 $0x1082  }
0x22: {  	[simem:s7], [sflag:s8] =	dma.local @!p0 [hbm:s6], $0xF7A  }
0x23: {  	s9 =	sor.u32 $0xD0000000, s2;
	s6 =	simm.s32 $0x108;
	_ =	swait.ge @!p0 [sflag:s8], $0x0  }
0x24: {  	s3 =	sadd.s32 $0x88, s3;
	s6 =	simm.s32 @!p1 $0x1082;
	[sflag:s4] =	ssyncset.s32 $0xFFFFF086  }
0x25: {  	[simem:s6], [sflag:s4] =	dma.local [hbm:s3], $0xF7A  }
0x26: {  	[smem:$0x3F9B] =	sst s1;
	(tag) =	ssettag s2;
	_ =	strace s9  }
0x27: {  	s1 =	sld [smem:$0x3FAB]  }
0x28: {  	s2 =	sld [smem:$0x3FAC]  }
0x29: {  	s4 =	sld [smem:$0x3FAE]  }
0x2a: {  	p0 =	seq.s32 s5, $0x0;
	s5 =	sld [smem:$0x3FAF]  }
0x2b: {  	s6 =	sld [smem:$0x3FB0]  }
0x2c: {  	s7 =	sld [smem:$0x3FB1]  }
0x2d: {  	s3 =	simm.s32 $0x108;
	s8 =	sld [smem:$0x3FB2]  }
0x2e: {  	s3 =	simm.s32 @!p0 $0x1082;
	s9 =	sld [smem:$0x3FB3]  }
0x2f: {  	lr =	sadd.s32 s0, s3;
	s0 =	sld [smem:$0x3FAA]  }
0x30: {  	s3 =	sld [smem:$0x3FAD]  }
0x31: {  	[smem:$0x3FB6] =	sst s10  }
0x32: {  	s10 =	sld [smem:$0x3FB4];
	_ =	sdelay $0x3  }
0x33: {  	p0 =	seq.s32 s10, $0x1;
	s10 =	sld [smem:$0x3FB6];
	_ =	sdelay $0x3  }
0x34: {  	[smem:$0x3FB6] =	sst s10  }
0x35: {  	s10 =	sld [smem:$0x3FB5];
	_ =	sdelay $0x3  }
0x36: {  	p1 =	seq.s32 s10, $0x1;
	s10 =	sld [smem:$0x3FB6];
	_ =	sdelay $0x3  }
0x37: {  	[smem:$0x3FB6] =	sst s10  }
0x38: {  	s10 =	sld [smem:$0x3FB7]  }
0x39: {  	_ = 	snop;
	(pc) =	sbr.ind lr, $3  }
0x3a: {  	_ = 	snop  }
0x3b: {  	_ = 	snop  }
0x3c: {  	p2 =	seq.s32 s10, $0x1;
	s10 =	sld [smem:$0x3FB6]  }
0x3d: {  	_ =	shalt  }
0x3e: {  	_ =	shalt  }
0x3f: {  	_ =	shalt  }
0x40: {  	_ =	shalt  }
0x41: {  	_ =	shalt  }
0x42: {  	_ =	shalt  }
0x43: {  	_ =	shalt  }
0x44: {  	_ =	shalt  }
0x45: {  	_ =	shalt  }
0x46: {  	_ =	shalt  }
0x47: {  	_ =	shalt  }
0x48: {  	_ =	shalt  }
0x49: {  	_ =	shalt  }
0x4a: {  	_ =	shalt  }
0x4b: {  	_ =	shalt  }
0x4c: {  	_ =	shalt  }
0x4d: {  	_ =	shalt  }
0x4e: {  	_ =	shalt  }
0x4f: {  	_ =	shalt  }
0x50: {  	_ =	shalt  }
0x51: {  	_ =	shalt  }
0x52: {  	_ =	shalt  }
0x53: {  	_ =	shalt  }
0x54: {  	_ =	shalt  }
0x55: {  	_ =	shalt  }
0x56: {  	_ =	shalt  }
0x57: {  	_ =	shalt  }
0x58: {  	_ =	shalt  }
0x59: {  	_ =	shalt  }
0x5a: {  	_ =	shalt  }
0x5b: {  	_ =	shalt  }
0x5c: {  	_ =	shalt  }
0x5d: {  	_ =	shalt  }
0x5e: {  	_ =	shalt  }
0x5f: {  	_ =	shalt  }
0x60: {  	_ =	shalt  }
0x61: {  	_ =	shalt  }
0x62: {  	_ =	shalt  }
0x63: {  	_ =	shalt  }
0x64: {  	_ =	shalt  }
0x65: {  	_ =	shalt  }
0x66: {  	_ =	shalt  }
0x67: {  	_ =	shalt  }
0x68: {  	_ =	shalt  }
0x69: {  	_ =	shalt  }
0x6a: {  	_ =	shalt  }
0x6b: {  	_ =	shalt  }
0x6c: {  	_ =	shalt  }
0x6d: {  	_ =	shalt  }
0x6e: {  	_ =	shalt  }
0x6f: {  	_ =	shalt  }
0x70: {  	_ =	shalt  }
0x71: {  	_ =	shalt  }
0x72: {  	_ =	shalt  }
0x73: {  	_ =	shalt  }
0x74: {  	_ =	shalt  }
0x75: {  	_ =	shalt  }
0x76: {  	_ =	shalt  }
0x77: {  	_ =	shalt  }
0x78: {  	_ =	shalt  }
0x79: {  	_ =	shalt  }
0x7a: {  	_ =	shalt  }
0x7b: {  	_ =	shalt  }
0x7c: {  	_ =	shalt  }
0x7d: {  	_ =	shalt  }
0x7e: {  	_ =	shalt  }
0x7f: {  	_ =	shalt  }
0x80: {  	_ =	shalt  }
0x81: {  	_ =	shalt  }
0x82: {  	_ =	shalt  }
0x83: {  	_ =	shalt  }
0x84: {  	_ =	shalt  }
0x85: {  	_ =	shalt  }
0x86: {  	_ =	shalt  }
0x87: {  	_ =	shalt  }
.Lfunc_end0:
.L_simem_size_0:
called_computation.1_lowered:
.L_overlay_start_0:
0x88: {  	s2 =	sld [smem:$0x3FD9]  }
0x89: {  	s3 =	sld [smem:$0x3FFE];
	_ =	sdelay $0x1  }
0x8a: {  	s1 =	srdreg.scid  }
0x8b: {  	s0 =	sand.u32 $0x1, s1  }
0x8c: {  	s17 =	sshll.u32 s0, $0xA;
	s2 =	sadd.s32 s3, s2  }
0x8d: {  	s2 =	sadd.s32 s2, s17  }
0x8e: {  	[smem:$0x3FC2] =	sst s2  }
0x8f: {  	_ = 	snop  }
0x90: {  	s2 =	sld [smem:$0x3FC5]  }
0x91: {  	s18 =	sld [smem:$0x3FC4]  }
0x92: {  	s4 =	sld [smem:$0x3FD0];
	(tm) =	ssettm $0x1  }
0x93: {  	s5 =	sld [smem:$0x3FFB];
	_ =	sdelay $0x3  }
0x94: {  	_ =	strace s5  }
0x95: {  	s5 =	sld [smem:$0x3FFC];
	_ =	sdelay $0x3  }
0x96: {  	_ =	strace s5  }
0x97: {  	s5 =	sld [smem:$0x3FFD];
	_ =	sdelay $0x3  }
0x98: {  	_ =	strace s5  }
0x99: {  	_ =	strace $0x8FFFFFFF  }
0x9a: {  	s19 =	sld [smem:$0x3FDB];
	_ =	sdelay $0x1  }
0x9b: {  	s6 =	simm.s32 $_scs_section_size  }
0x9c: {  	s7 =	simm.s32 $_size__tile_overlayer_lowered;
	s8 =	simm.s32 $_tile_overlayer_lowered  }
0x9d: {  	s22 =	simm.s32 $0x1BFF;
	s21 =	sshll.u32 s8, $0x1;
	s5 =	sadd.s32 s6, s19  }
0x9e: {  	s9 =	simm.s32 $0x0;
	s20 =	sshll.u32 s7, $0x1;
	s7 =	sadd.s32 s21, s5  }
0x9f: {  	[timem:s9], [sflag:s22] =	dma.local [hbm:s7], s20  }
0xa0: {  	_ =	swait.ge [sflag:s22], s20  }
0xa1: {  	s6 =	ssub.s32 $0x0, s20;
	[sflag:s22] =	ssyncset.done $0x0  }
0xa2: {  	[sflag:s22] =	ssyncadd.s32 s6;
	_ =	sdelay $0x1  }
0xa3: {  	s23 =	simm.s32 $0x1B8B  }
0xa4: {  	_ =	swait.ge [sflag:s23], $0x1  }
0xa5: {  	[sflag:s23] =	ssyncset.done $0x0  }
0xa6: {  	s25 =	simm.s32 $0x1B8E;
	s24 =	sld [smem:$0x3FFE];
	[sflag:s23] =	ssyncadd.s32 $0xFFFFFFFF  }
0xa7: {  	s26 =	simm.s32 $execute0_lowered;
	[smem:$0x3FD2] =	sst s25  }
0xa8: {  	s7 =	sshll.u32 s26, $0x1;
	_ =	strace $0x80000046;
	[dreg:$0x1] =	wrdreg $0xFFFFFFFF  }
0xa9: {  	s28 =	simm.s32 $_size_execute0_lowered;
	s5 =	sadd.s32 s5, s7;
	[dreg:$0x0] =	wrdreg $0x0  }
0xaa: {  	s7 =	sshll.u32 s28, $0x1;
	[dreg:$0x2] =	wrdreg s5  }
0xab: {  	[dreg:$0x3] =	wrdreg s7  }
0xac: {  	[dreg:$0x4] =	wrdreg $0xC0  }
0xad: {  	_ =	task [dreg:s9], $0x5FFFF  }
0xae: {  	[dreg:$0x1] =	wrdreg $0xFFFFFFFF  }
0xaf: {  	[dreg:$0x0] =	wrdreg $0x60  }
0xb0: {  	[dreg:$0x2] =	wrdreg s24  }
0xb1: {  	[dreg:$0x3] =	wrdreg s2  }
0xb2: {  	[dreg:$0x4] =	wrdreg s18  }
0xb3: {  	[dreg:$0x5] =	wrdreg s4  }
0xb4: {  	[dreg:$0x6] =	wrdreg $0x9  }
0xb5: {  	_ =	task.clear_ibuf [dreg:s9], $0x7FFFF;
	_ =	strace $0x90000046  }
0xb6: {  	s29 =	simm.s32 $0x9;
	_ =	strace $0x80000048  }
0xb7: {  	_ =	swait.ge [sflag:s29], $0x1  }
0xb8: {  	[sflag:s29] =	ssyncadd.s32 $0xFFFFFFFF  }
0xb9: {  	_ =	strace $0x90000048  }
0xba: {  	_ =	sfence  }
0xbb: {  	s30 =	sld [smem:$0x0];
	_ =	sdelay $0x2  }
0xbc: {  	s31 =	sshll.u32 s1, $0xD;
	s1 =	sshrl.u32 s1, $0x2  }
0xbd: {  	s3 =	sand.u32 $0x4000, s31;
	s1 =	sadd.s32 s1, s30  }
0xbe: {  	s0 =	sor.u32 s3, s0;
	s1 =	sshll.u32 s1, $0x11  }
0xbf: {  	s0 =	sor.u32 s1, s0  }
0xc0: {  	s0 =	sadd.s32 $0x8F2B, s0  }
0xc1: {  	[sflag:s0] =	ssyncadd.remote.s32 $0x1  }
0xc2: {  	_ =	sfence.sel $0xFFFF  }
0xc3: {  	[dreg:$0x0] =	wrdreg $0xFFFFFFFF;
	(pc) =	sbr.abs _section_cstart, $3  }
0xc4: {  	[dreg:$0x1] =	wrdreg $0xFFFFFFFF  }
0xc5: {  	_ =	task.clear_ibuf [dreg:s9], $0x2FFFF;
	_ =	strace $0x9FFFFFFF  }
0xc6: {  	(tm) =	ssettm $0x7FFFFFFF  }
0xc7: {  	_ =	shalt  }
tec
execute0_lowered:
.L_overlay_start_1:
0x0: {  	(tag) =	ssettag $0x1  }
0x1: {  	v0 =	vimm.s32 $0xEFCDAB89  }
0x2: {  	v1 =	vimm.s32 $0x67452301;
	vm0 =	vcmask $0xB08;
	vm1 =	vcmask $0x300  }
0x3: {  	v2 =	vimm.s32 $0x54761032;
	vm2 =	vcmask $0x700;
	v3 =	vimm.s32 $0xBA98FEDC  }
0x4: {  	v4 =	vimm.s32 $0x32107654;
	v5 =	vimm.s32 $0xFEDCBA98;
	v6 =	vimm.s32 $0x76543210  }
0x5: {  	v7 =	vimm.s32 $0x3;
	v0 =	vunpack.c.l.s4.s8 v0;
	v1 =	vunpack.c.l.s4.s8 v1  }
0x6: {  	vm0 =	vmor vm1, vm0;
	vm1 =	vcmask $0x1310;
	v2 =	vunpack.c.l.s4.s8 v2  }
0x7: {  	v3 =	vunpack.c.l.s4.s8 v3;
	v4 =	vunpack.c.l.s4.s8 v4;
	v5 =	vunpack.c.l.s4.s8 v5  }
0x8: {  	v6 =	vunpack.c.l.s4.s8 v6;
	vm0 =	vmor vm0, vm1;
	vm1 =	vcmask $0x1B18  }
0x9: {  	s0 =	rddreg [dreg:$0x0];
	v0 =	vunpack.c.0.s8.s32 v0;
	v1 =	vunpack.c.0.s8.s32 v1;
	vm0 =	vmor vm0, vm1  }
0xa: {  	s3 =	rddreg [dreg:$0x3];
	s4 =	simm.s32 $0x0;
	vm1 =	vcmask $0x2320;
	v2 =	vunpack.c.0.s8.s32 v2;
	v3 =	vunpack.c.0.s8.s32 v3  }
0xb: {  	s1 =	srdreg.scid;
	s2 =	stileid.u32;
	s18 =	simm.s32 $0x5;
	vm0 =	vmor vm0, vm1;
	vm1 =	vcmask $0x2B28;
	v0 =	vcombine.low v1, v0  }
0xc: {  	s22 =	simm.s32 $0x80;
	s24 =	simm.s32 $0x48;
	s26 =	simm.s32 $0xC8;
	vm0 =	vmor vm0, vm1;
	v1 =	vimm.s32 $0xDCFE98BA;
	vm1 =	vcmask $0x3330  }
0xd: {  	[smem:$0x7FF] =	sst s4;
	s1 =	sand.u32 $0x1, s1;
	s2 =	sshll.u32 s2, $0xA;
	v1 =	vunpack.c.l.s4.s8 v1;
	vm0 =	vmor vm0, vm1;
	vm1 =	vcmask $0x3B38  }
0xe: {  	s6 =	sadd.s32 $0xC00, s0;
	s8 =	sadd.s32 $0x64C00, s0;
	s9 =	sadd.s32 $0xC8C00, s0;
	v4 =	vunpack.c.0.s8.s32 v4;
	vm0 =	vmor vm0, vm1;
	vm1 =	vcmask $0x1710  }
0xf: {  	s10 =	sadd.s32 $0x800, s0;
	s5 =	sshll.u32 s1, $0x9;
	s1 =	ssub.s32 $0x2, s1;
	v1 =	vunpack.c.0.s8.s32 v1;
	vm1 =	vmor vm2, vm1;
	vm2 =	vcmask $0x2720  }
0x10: {  	s0 =	simm.s32 $0x0;
	s7 =	sor.u32 s5, s2;
	s29 =	sshrl.u32 s1, $0x1;
	v3 =	vcombine.low v4, v3;
	v4 =	vunpack.c.0.s8.s32 v6;
	vm1 =	vmor vm1, vm2  }
0x11: {  	_ =	strace $0x80000047;
	s5 =	smul.u32 $0x19, s7;
	s30 =	ssub.s32 s1, s29;
	vm2 =	vcmask $0x3730;
	v1 =	vcombine.low v2, v1;
	v2 =	vunpack.c.0.s8.s32 v5  }
0x12: {  	s2 =	simm.s32 $0x3;
	s15 =	sor.u32 $0x2, s7;
	s16 =	smax.u32 s30, $0x1;
	v6 =	vimm.s32 $0x2;
	v0 =	vand.u32 $0xF, v0;
	vm1 =	vmor vm1, vm2  }
0x13: {  	s11 =	sadd.s32 s6, s5;
	s12 =	sadd.s32 s8, s5;
	s31 =	sor.u32 $0x19, s5;
	v1 =	vand.u32 $0xF, v1;
	v5 =	vand.u32 $0xF, v2;
	v2 =	vand.u32 $0xF, v3  }
0x14: {  	s5 =	simm.s32 $0x4;
	s13 =	sadd.s32 s6, s31;
	s14 =	sadd.s32 s8, s31;
	v3 =	vcombine.low v5, v4;
	v4 =	vimm.s32 $0x1;
	v5 =	vimm.s32 $0x0  }
.LBB2_1:
0x15: {  	s1 =	simm.s32 $0xCB20  }
0x16: {  	[tilespmem:s1], [sflag:$0x5] =	stream.linear.gather [hbm4b:s10+s4], $0x1900, $0x38;
	[tilespmem:$0xE4A0] =	vst v63  }
0x17: {  	_ =	swait.ge [sflag:s18], $0x1900  }
0x18: {  	[sflag:s18] =	ssyncset.done $0x0  }
0x19: {  	[sflag:s18] =	ssyncadd.s32 $0xFFFFE700  }
0x1a: {  	s17 =	simm.s32 $0xE420;
	s31 =	rddreg [dreg:$0x1]  }
0x1b: {  	[tilespmem:s17], [sflag:$0x5] =	stream.linear.gather [hbm4b:s31+s4], $0x40, $0x38;
	[tilespmem:$0xE4A0] =	vst v63  }
0x1c: {  	_ =	swait.ge [sflag:s18], $0x40  }
0x1d: {  	[sflag:s18] =	ssyncset.done $0x0  }
0x1e: {  	[sflag:s18] =	ssyncadd.s32 $0xFFFFFFC0  }
0x1f: {  	s20 =	simm.s32 $0xE460;
	s19 =	rddreg [dreg:$0x2]  }
0x20: {  	[tilespmem:s20], [sflag:$0x5] =	stream.linear.gather [hbm4b:s19+s4], $0x40, $0x38;
	[tilespmem:$0xE4A0] =	vst v63  }
0x21: {  	_ =	swait.ge [sflag:s18], $0x40  }
0x22: {  	[sflag:s18] =	ssyncset.done $0x0  }
0x23: {  	[sflag:s18] =	ssyncadd.s32 $0xFFFFFFC0  }
0x24: {  	v8 =	vld [tilespmem:$0xE420]  }
0x25: {  	v9 =	vld [tilespmem:$0xE460]  }
0x26: {  	v10 =	vld [tilespmem:$0xE430]  }
0x27: {  	v11 =	vld [tilespmem:$0xE470]  }
0x28: {  	v12 =	vld [tilespmem:$0xE440]  }
0x29: {  	v13 =	vld [tilespmem:$0xE480]  }
0x2a: {  	v14 =	vld [tilespmem:$0xE450]  }
0x2b: {  	v15 =	vld [tilespmem:$0xE490];
	[tilespmem:s4], [sflag:$0x5] =	stream.linear.gather [hbm4b:s11+s4], $0xC8, $0x38  }
0x2c: {  	_ =	swait.ge [sflag:s18], $0xC8  }
0x2d: {  	[sflag:s18] =	ssyncset.done $0x0  }
0x2e: {  	s21 =	simm.s32 $0x190;
	[sflag:s18] =	ssyncadd.s32 $0xFFFFFF38  }
0x2f: {  	[tilespmem:s21], [sflag:$0x5] =	stream.linear.gather [hbm4b:s12+s4], $0xC8, $0x38;
	[tilespmem:$0xE4A0] =	vst v63  }
0x30: {  	_ =	swait.ge [sflag:s18], $0xC8  }
0x31: {  	[sflag:s18] =	ssyncset.done $0x0  }
0x32: {  	s23 =	simm.s32 $0x320;
	[sflag:s18] =	ssyncadd.s32 $0xFFFFFF38  }
0x33: {  	[tilespmem:s23], [sflag:$0x1] =	stream.indirect.gather [hbm4b:s9+s22], $0x40, s4, s22, $0xb8;
	[tilespmem:$0xE4A0] =	vst v63  }
0x34: {  	s25 =	simm.s32 $0x2320  }
0x35: {  	[tilespmem:s25], [sflag:$0x1] =	stream.indirect.gather [hbm4b:s9+s24], $0x40, s22, s24, $0xb8;
	[tilespmem:$0xE4A0] =	vst v63  }
0x36: {  	_ = 	snop  }
0x37: {  	[tilespmem:s26], [sflag:$0x5] =	stream.linear.gather [hbm4b:s13+s4], $0xC8, $0x38;
	[tilespmem:$0xE4A0] =	vst v63  }
0x38: {  	_ =	swait.ge [sflag:s18], $0xC8  }
0x39: {  	[sflag:s18] =	ssyncset.done $0x0  }
0x3a: {  	s28 =	simm.s32 $0x258;
	[sflag:s18] =	ssyncadd.s32 $0xFFFFFF38  }
0x3b: {  	[tilespmem:s28], [sflag:$0x5] =	stream.linear.gather [hbm4b:s14+s4], $0xC8, $0x38;
	[tilespmem:$0xE4A0] =	vst v63  }
0x3c: {  	_ =	swait.ge [sflag:s18], $0xC8  }
0x3d: {  	[sflag:s18] =	ssyncset.done $0x0  }
0x3e: {  	s29 =	simm.s32 $0x3520;
	[sflag:s18] =	ssyncadd.s32 $0xFFFFFF38  }
0x3f: {  	[tilespmem:s29], [sflag:$0x2] =	stream.indirect.gather [hbm4b:s9+s22], $0x40, s26, s22, $0xb8;
	[tilespmem:$0xE4A0] =	vst v63  }
0x40: {  	s30 =	simm.s32 $0x148;
	s1 =	simm.s32 $0x0;
	s31 =	simm.s32 $0x5520  }
0x41: {  	[tilespmem:s31], [sflag:$0x2] =	stream.indirect.gather [hbm4b:s9+s24], $0x40, s30, s24, $0xb8;
	[tilespmem:$0xE4A0] =	vst v63  }
.LBB2_2:
0x42: {  	s20 =	sand.u32 $0x1, s1  }
0x43: {  	s17 =	sadd.s32 $0x1, s20  }
0x44: {  	s19 =	smul.u32 $0x320, s20;
	_ =	swait.ge [sflag:s17], $0x2000  }
0x45: {  	p0 =	slt.u32 s1, $0x2;
	[sflag:s17] =	ssyncset.done $0x0  }
0x46: {  	s21 =	sshrl.u32 s19, $0x2;
	s19 =	smul.u32 $0x3200, s20;
	[sflag:s17] =	ssyncadd.s32 $0xFFFFE000  }
0x47: {  	s23 =	sadd.s32 @!p0 $0x3, s20;
	s21 =	sadd.s32 $0x190, s21;
	_ =	swait.ge [sflag:s17], $0x1200  }
0x48: {  	s25 =	sadd.s32 $0x200, s19;
	s28 =	sadd.s32 $0x240, s19;
	[sflag:s17] =	ssyncset.done $0x0  }
0x49: {  	v16 =	vmov s21;
	s21 =	sadd.s32 $0x280, s19;
	s29 =	sadd.s32 $0x2C0, s19;
	[sflag:s17] =	ssyncadd.s32 $0xFFFFEE00  }
0x4a: {  	s30 =	sadd.s32 $0x300, s19;
	v17 =	vmov s19;
	s31 =	sadd.s32 $0x3C0, s19;
	v18 =	vmov s25;
	v19 =	vmov s28;
	_ =	swait.ge @!p0 [sflag:s23], $0x3200  }
0x4b: {  	s25 =	sadd.s32 $0x340, s19;
	s28 =	sadd.s32 $0x380, s19;
	v20 =	vmov s21;
	v21 =	vmov s29;
	v22 =	vmov s30;
	[sflag:s23] =	ssyncset.done @!p0 $0x0  }
0x4c: {  	s21 =	sadd.s32 s7, s1;
	v25 =	vmov s31;
	v23 =	vmov s25;
	v24 =	vmov s28;
	[sflag:s23] =	ssyncadd.s32 @!p0 $0xFFFFCE00;
	s23 =	simm.s32 $0x0  }
.LBB2_3:
0x4d: {  	s25 =	smin.u32 s23, $0xB8  }
0x4e: {  	v26 =	vld.idx.msk [tilespmem:v16+s25+$0x0 ss:$0x1], $0xffff;
	_ =	sdelay $0x4  }
0x4f: {  	v26 =	vshll.u32 v26, $0x8  }
0x50: {  	v26 =	vshra.s32 v26, $0x2  }
0x51: {  	(v2sf) =	vpush v26, $0x0;
	_ =	sdelay $0x3  }
0x52: {  	(v2sf) =	vpush v26, $0x1;
	_ =	sdelay $0x2  }
0x53: {  	s25 =	sshll.u32 s25, $0x6  }
0x54: {  	v27 =	vld.idx.msk [tilespmem:v17+s25+$0x320 ss:$0x1], $0xffff  }
0x55: {  	v29 =	vld.idx.msk [tilespmem:v17+s25+$0x330 ss:$0x1], $0xffff  }
0x56: {  	v31 =	vld.idx.msk [tilespmem:v17+s25+$0x340 ss:$0x1], $0xffff  }
0x57: {  	v33 =	vld.idx.msk [tilespmem:v17+s25+$0x350 ss:$0x1], $0xffff  }
0x58: {  	v35 =	vld.idx.msk [tilespmem:v17+s25+$0x360 ss:$0x1], $0xffff  }
0x59: {  	v37 =	vld.idx.msk [tilespmem:v17+s25+$0x370 ss:$0x1], $0xffff  }
0x5a: {  	v39 =	vld.idx.msk [tilespmem:v17+s25+$0x380 ss:$0x1], $0xffff  }
0x5b: {  	v41 =	vld.idx.msk [tilespmem:v17+s25+$0x390 ss:$0x1], $0xffff;
	s28 =	spop (v2sf);
	(v2sf) =	vpush v26, $0x2  }
0x5c: {  	v43 =	vld.idx.msk [tilespmem:v17+s25+$0x3A0 ss:$0x1], $0xffff  }
0x5d: {  	v28 =	vld [tilespmem:s28+$0xCB20]  }
0x5e: {  	v30 =	vld [tilespmem:s28+$0xCB30]  }
0x5f: {  	v32 =	vld [tilespmem:s28+$0xCB40];
	s29 =	spop (v2sf);
	(v2sf) =	vpush v26, $0x3  }
0x60: {  	v34 =	vld [tilespmem:s28+$0xCB50]  }
0x61: {  	v36 =	vld [tilespmem:s29+$0xCB20]  }
0x62: {  	v38 =	vld [tilespmem:s29+$0xCB30]  }
0x63: {  	v40 =	vld [tilespmem:s29+$0xCB40]  }
0x64: {  	v42 =	vld [tilespmem:s29+$0xCB50]  }
0x65: {  	v45 =	vld.idx.msk [tilespmem:v17+s25+$0x3B0 ss:$0x1], $0xffff;
	v46 =	vadd.f32 v28, v27;
	v47 =	vadd.f32 v30, v29  }
0x66: {  	v57 =	vld.idx.msk [tilespmem:v17+s25+$0x3C0 ss:$0x1], $0xffff;
	v48 =	vadd.f32 v32, v31;
	v34 =	vadd.f32 v34, v33  }
0x67: {  	v49 =	vld.idx.msk [tilespmem:v17+s25+$0x3D0 ss:$0x1], $0xffff;
	v35 =	vadd.f32 v36, v35;
	v36 =	vadd.f32 v38, v37  }
0x68: {  	v37 =	vld.idx.msk [tilespmem:v17+s25+$0x3F0 ss:$0x1], $0xffff;
	v29 =	vadd.f32 v47, v46;
	v31 =	vadd.f32 v34, v48  }
0x69: {  	v39 =	vadd.f32 v40, v39;
	v40 =	vadd.f32 v42, v41;
	v42 =	vld.idx.msk [tilespmem:v17+s25+$0x400 ss:$0x1], $0xffff  }
0x6a: {  	v53 =	vadd.f32 v31, v29;
	v29 =	vld.idx.msk [tilespmem:v17+s25+$0x3E0 ss:$0x1], $0xffff;
	s30 =	spop (v2sf)  }
0x6b: {  	v44 =	vld [tilespmem:s30+$0xCB20]  }
0x6c: {  	v59 =	vmul.f32 v46, v46;
	v60 =	vmul.f32 v47, v47;
	v27 =	vld [tilespmem:s30+$0xCB30]  }
0x6d: {  	v50 =	vmul.f32 v48, v48;
	v51 =	vmul.f32 v34, v34;
	v58 =	vld [tilespmem:s30+$0xCB40]  }
0x6e: {  	v52 =	vld [tilespmem:s30+$0xCB50];
	s31 =	spop (v2sf)  }
0x6f: {  	v61 =	vadd.f32 v60, v59;
	v62 =	vadd.f32 v51, v50;
	v33 =	vld [tilespmem:s31+$0xCB20]  }
0x70: {  	v41 =	vadd.f32 v36, v35;
	v63 =	vadd.f32 v40, v39;
	v32 =	vld [tilespmem:s31+$0xCB30]  }
0x71: {  	v54 =	vmul.f32 v40, v40;
	v38 =	vadd.f32 v62, v61;
	v62 =	vld [tilespmem:s31+$0xCB50]  }
0x72: {  	v41 =	vadd.f32 v63, v41;
	v61 =	vmul.f32 v39, v39;
	v43 =	vadd.f32 v44, v43;
	v44 =	vld [tilespmem:s31+$0xCB40]  }
0x73: {  	v31 =	vadd.f32 v27, v45;
	v27 =	vadd.f32 v52, v49;
	v49 =	vld.idx.msk [tilespmem:v17+s25+$0x410 ss:$0x1], $0xffff  }
0x74: {  	v60 =	vmul.f32 v36, v36;
	v50 =	vadd.f32 v54, v61;
	v28 =	vadd.f32 v58, v57  }
0x75: {  	v45 =	vmul.f32 v35, v35;
	v33 =	vadd.f32 v33, v29;
	v32 =	vadd.f32 v32, v37  }
0x76: {  	v55 =	vadd.f32 v31, v43;
	v56 =	vadd.f32 v27, v28  }
0x77: {  	v45 =	vadd.f32 v60, v45;
	v54 =	vmul.f32 v43, v43;
	v60 =	vadd.f32 v32, v33  }
0x78: {  	v63 =	vmul.f32 v31, v31;
	v30 =	vadd.f32 v44, v42;
	v29 =	vadd.f32 v62, v49  }
0x79: {  	v61 =	vmul.f32 v33, v33;
	v51 =	vadd.f32 v56, v55;
	v42 =	vmul.f32 v28, v28  }
0x7a: {  	v44 =	vmul.f32 v27, v27;
	v62 =	vmul.f32 v32, v32;
	v52 =	vadd.f32 v29, v30  }
0x7b: {  	v37 =	vadd.f32 v63, v54;
	v63 =	vmul.f32 v30, v30;
	v57 =	vmul.f32 v29, v29  }
0x7c: {  	v42 =	vadd.f32 v44, v42;
	v44 =	vadd.f32 v52, v60  }
0x7d: {  	v60 =	vadd.f32 v62, v61;
	v61 =	vadd.f32 v57, v63;
	v62 =	vperm.xlane v41, v0  }
0x7e: {  	v45 =	vadd.f32 v50, v45;
	v57 =	vperm.xlane v51, v0;
	v37 =	vadd.f32 v42, v37  }
0x7f: {  	v63 =	vperm.xlane v44, v0;
	v58 =	vadd.f32 v61, v60;
	v59 =	vsel vm0, v53, v62  }
0x80: {  	v60 =	vperm.xlane v53, v0;
	v44 =	vsel vm0, v57, v44;
	v61 =	vperm.xlane v45, v0  }
0x81: {  	v62 =	vperm.xlane v38, v0;
	v56 =	vperm.xlane v37, v0;
	v50 =	vsel vm0, v51, v63  }
0x82: {  	v41 =	vsel vm0, v60, v41;
	v63 =	vperm.xlane v58, v0;
	v38 =	vsel vm0, v38, v61  }
0x83: {  	v45 =	vsel vm0, v62, v45;
	v44 =	vadd.f32 v44, v50;
	v41 =	vadd.f32 v41, v59  }
0x84: {  	v42 =	vsel vm0, v56, v58;
	v38 =	vadd.f32 v45, v38;
	v37 =	vsel vm0, v37, v63  }
0x85: {  	v57 =	vperm.xlane v44, v1;
	v58 =	vperm.xlane v41, v1;
	v37 =	vadd.f32 v42, v37  }
0x86: {  	v45 =	vperm.xlane v38, v1  }
0x87: {  	v41 =	vsel vm1, v41, v57;
	v59 =	vsel vm1, v58, v44;
	v60 =	vperm.xlane v37, v1  }
0x88: {  	v41 =	vadd.f32 v59, v41  }
0x89: {  	v37 =	vsel vm1, v45, v37;
	v38 =	vsel vm1, v38, v60  }
0x8a: {  	v37 =	vadd.f32 v37, v38;
	v61 =	vperm.xlane v41, v2;
	_ =	sdelay $0x1  }
0x8b: {  	v38 =	vadd.f32 v61, v41;
	v62 =	vperm.xlane v37, v2;
	_ =	sdelay $0x1  }
0x8c: {  	v63 =	vperm.xlane v38, v3;
	v37 =	vadd.f32 v62, v37;
	_ =	sdelay $0x1  }
0x8d: {  	v38 =	vadd.f32 v63, v38;
	v41 =	vperm.xlane v37, v3;
	_ =	sdelay $0x1  }
0x8e: {  	v37 =	vadd.f32 v41, v37;
	v38 =	vmul.f32 $1.562500000e-02, v38;
	_ =	sdelay $0x1  }
0x8f: {  	v37 =	vmul.f32 $1.562500000e-02, v37;
	v45 =	vmul.f32 v38, v38;
	_ =	sdelay $0x1  }
0x90: {  	v37 =	vsub.f32 v37, v45;
	_ =	sdelay $0x1  }
0x91: {  	v37 =	vadd.f32 $9.999999740e-06, v37;
	_ =	sdelay $0x1  }
0x92: {  	v49 =	vshra.s32 v37, $0x1;
	v37 =	vmul.f32 $5.000000000e-01, v37  }
0x93: {  	v41 =	vsub.s32 $0x5F3759DF, v49  }
0x94: {  	v50 =	vmul.f32 v41, v37;
	_ =	sdelay $0x1  }
0x95: {  	v42 =	vmul.f32 v41, v50;
	_ =	sdelay $0x1  }
0x96: {  	v42 =	vsub.f32 $1.500000000e+00, v42;
	_ =	sdelay $0x1  }
0x97: {  	v41 =	vmul.f32 v41, v42;
	_ =	sdelay $0x1  }
0x98: {  	v37 =	vmul.f32 v41, v37;
	_ =	sdelay $0x1  }
0x99: {  	v37 =	vmul.f32 v37, v41;
	_ =	sdelay $0x1  }
0x9a: {  	v37 =	vsub.f32 $1.500000000e+00, v37;
	_ =	sdelay $0x1  }
0x9b: {  	v37 =	vmul.f32 v37, v41;
	_ =	sdelay $0x1  }
0x9c: {  	v38 =	vmul.f32 v37, v38;
	v41 =	vperm.xlane v37, v5  }
0x9d: {  	v57 =	vperm.xlane v37, v4;
	v60 =	vperm.xlane v37, v6  }
0x9e: {  	v51 =	vperm.xlane v38, v5;
	v52 =	vmul.f32 v41, v46  }
0x9f: {  	v53 =	vmul.f32 v41, v47;
	v54 =	vmul.f32 v41, v48  }
0xa0: {  	v34 =	vmul.f32 v41, v34;
	v59 =	vperm.xlane v38, v4  }
0xa1: {  	v35 =	vmul.f32 v57, v35;
	v36 =	vmul.f32 v57, v36  }
0xa2: {  	v39 =	vmul.f32 v57, v39;
	v40 =	vmul.f32 v57, v40  }
0xa3: {  	v61 =	vperm.xlane v38, v6;
	v43 =	vmul.f32 v60, v43;
	v44 =	vsub.f32 v52, v51  }
0xa4: {  	v31 =	vmul.f32 v60, v31;
	v45 =	vsub.f32 v53, v51;
	v46 =	vsub.f32 v54, v51  }
0xa5: {  	v28 =	vmul.f32 v60, v28;
	v34 =	vsub.f32 v34, v51;
	v35 =	vsub.f32 v35, v59  }
0xa6: {  	v27 =	vmul.f32 v60, v27;
	v36 =	vsub.f32 v36, v59;
	v39 =	vsub.f32 v39, v59  }
0xa7: {  	v40 =	vsub.f32 v40, v59;
	v51 =	vperm.xlane v37, v7;
	v52 =	vperm.xlane v38, v7  }
0xa8: {  	v62 =	vsub.f32 v43, v61;
	v44 =	vmul.f32 v44, v8;
	v55 =	vmul.f32 v45, v10  }
0xa9: {  	v31 =	vsub.f32 v31, v61;
	v56 =	vmul.f32 v46, v12;
	v34 =	vmul.f32 v34, v14  }
0xaa: {  	v28 =	vsub.f32 v28, v61;
	v35 =	vmul.f32 v35, v8;
	v36 =	vmul.f32 v36, v10  }
0xab: {  	v27 =	vsub.f32 v27, v61;
	v45 =	vmul.f32 v39, v12;
	v46 =	vmul.f32 v40, v14  }
0xac: {  	v47 =	vmul.f32 v62, v8;
	v31 =	vmul.f32 v31, v10;
	v44 =	vadd.f32 v44, v9  }
0xad: {  	v33 =	vmul.f32 v51, v33;
	v28 =	vmul.f32 v28, v12;
	v41 =	vadd.f32 v55, v11  }
0xae: {  	v32 =	vmul.f32 v51, v32;
	v58 =	vadd.f32 v56, v13;
	[tilespmem:v17+s25+$0x6720 ss:$0x1] =	vst.idx.msk $0xffff, v44  }
0xaf: {  	(v2sf) =	vpush v26, $0x4;
	v27 =	vmul.f32 v27, v14;
	v34 =	vadd.f32 v34, v15;
	[tilespmem:v17+s25+$0x6730 ss:$0x1] =	vst.idx.msk $0xffff, v41  }
0xb0: {  	v30 =	vmul.f32 v51, v30;
	v63 =	vadd.f32 v35, v9;
	[tilespmem:v17+s25+$0x6740 ss:$0x1] =	vst.idx.msk $0xffff, v58  }
0xb1: {  	(v2sf) =	vpush v26, $0x5;
	v29 =	vmul.f32 v51, v29;
	v36 =	vadd.f32 v36, v11;
	[tilespmem:v17+s25+$0x6750 ss:$0x1] =	vst.idx.msk $0xffff, v34  }
0xb2: {  	v48 =	vadd.f32 v45, v13;
	v49 =	vadd.f32 v46, v15;
	[tilespmem:v17+s25+$0x6760 ss:$0x1] =	vst.idx.msk $0xffff, v63  }
0xb3: {  	v50 =	vadd.f32 v47, v9;
	v31 =	vadd.f32 v31, v11;
	[tilespmem:v17+s25+$0x6770 ss:$0x1] =	vst.idx.msk $0xffff, v36  }
0xb4: {  	v33 =	vsub.f32 v33, v52;
	v28 =	vadd.f32 v28, v13;
	[tilespmem:v17+s25+$0x6780 ss:$0x1] =	vst.idx.msk $0xffff, v48  }
0xb5: {  	v32 =	vsub.f32 v32, v52;
	v27 =	vadd.f32 v27, v15;
	[tilespmem:v17+s25+$0x6790 ss:$0x1] =	vst.idx.msk $0xffff, v49  }
0xb6: {  	v30 =	vsub.f32 v30, v52;
	v33 =	vmul.f32 v33, v8;
	[tilespmem:v17+s25+$0x67A0 ss:$0x1] =	vst.idx.msk $0xffff, v50  }
0xb7: {  	v29 =	vsub.f32 v29, v52;
	v53 =	vmul.f32 v32, v10;
	[tilespmem:v17+s25+$0x67B0 ss:$0x1] =	vst.idx.msk $0xffff, v31  }
0xb8: {  	v30 =	vmul.f32 v30, v12;
	v54 =	vadd.f32 v33, v9;
	[tilespmem:v17+s25+$0x67C0 ss:$0x1] =	vst.idx.msk $0xffff, v28  }
0xb9: {  	v29 =	vmul.f32 v29, v14;
	[tilespmem:v17+s25+$0x67D0 ss:$0x1] =	vst.idx.msk $0xffff, v27;
	v27 =	vadd.f32 v53, v11  }
0xba: {  	v55 =	vadd.f32 v30, v13;
	[tilespmem:v17+s25+$0x67E0 ss:$0x1] =	vst.idx.msk $0xffff, v54  }
0xbb: {  	[tilespmem:v17+s25+$0x67F0 ss:$0x1] =	vst.idx.msk $0xffff, v27;
	v27 =	vadd.f32 v29, v15  }
0xbc: {  	[tilespmem:v17+s25+$0x6800 ss:$0x1] =	vst.idx.msk $0xffff, v55  }
0xbd: {  	[tilespmem:v17+s25+$0x6810 ss:$0x1] =	vst.idx.msk $0xffff, v27  }
0xbe: {  	s29 =	spop (v2sf);
	v27 =	vld.idx.msk [tilespmem:v17+s25+$0x420 ss:$0x1], $0xffff  }
0xbf: {  	(v2sf) =	vpush v26, $0x6;
	v28 =	vld [tilespmem:s29+$0xCB20]  }
0xc0: {  	v56 =	vld.idx.msk [tilespmem:v17+s25+$0x430 ss:$0x1], $0xffff  }
0xc1: {  	v57 =	vld [tilespmem:s29+$0xCB30]  }
0xc2: {  	s30 =	spop (v2sf);
	(v2sf) =	vpush v26, $0x7;
	v58 =	vld.idx.msk [tilespmem:v17+s25+$0x440 ss:$0x1], $0xffff  }
0xc3: {  	v59 =	vld [tilespmem:s29+$0xCB40]  }
0xc4: {  	v60 =	vld.idx.msk [tilespmem:v17+s25+$0x450 ss:$0x1], $0xffff  }
0xc5: {  	v61 =	vld [tilespmem:s29+$0xCB50]  }
0xc6: {  	v35 =	vld.idx.msk [tilespmem:v17+s25+$0x460 ss:$0x1], $0xffff  }
0xc7: {  	v36 =	vld [tilespmem:s30+$0xCB20]  }
0xc8: {  	v37 =	vld.idx.msk [tilespmem:v17+s25+$0x470 ss:$0x1], $0xffff  }
0xc9: {  	v38 =	vld [tilespmem:s30+$0xCB30]  }
0xca: {  	v39 =	vld.idx.msk [tilespmem:v17+s25+$0x480 ss:$0x1], $0xffff  }
0xcb: {  	v40 =	vld [tilespmem:s30+$0xCB40]  }
0xcc: {  	v41 =	vld.idx.msk [tilespmem:v17+s25+$0x490 ss:$0x1], $0xffff  }
0xcd: {  	v42 =	vld [tilespmem:s30+$0xCB50]  }
0xce: {  	s31 =	spop (v2sf);
	v43 =	vld.idx.msk [tilespmem:v17+s25+$0x4A0 ss:$0x1], $0xffff  }
0xcf: {  	v44 =	vld [tilespmem:s31+$0xCB20]  }
0xd0: {  	v45 =	vld.idx.msk [tilespmem:v17+s25+$0x4B0 ss:$0x1], $0xffff  }
0xd1: {  	v30 =	vld [tilespmem:s31+$0xCB40];
	s29 =	spop (v2sf)  }
0xd2: {  	v32 =	vld [tilespmem:s29+$0xCB30];
	v46 =	vadd.f32 v28, v27;
	v47 =	vadd.f32 v57, v56  }
0xd3: {  	v27 =	vld [tilespmem:s31+$0xCB30];
	v48 =	vadd.f32 v59, v58;
	v34 =	vadd.f32 v61, v60  }
0xd4: {  	v28 =	vld.idx.msk [tilespmem:v17+s25+$0x4C0 ss:$0x1], $0xffff;
	v35 =	vadd.f32 v36, v35;
	v36 =	vadd.f32 v38, v37  }
0xd5: {  	v56 =	vld.idx.msk [tilespmem:v17+s25+$0x4D0 ss:$0x1], $0xffff;
	v39 =	vadd.f32 v40, v39;
	v40 =	vadd.f32 v42, v41  }
0xd6: {  	v59 =	vld [tilespmem:s31+$0xCB50];
	v43 =	vadd.f32 v44, v43;
	v29 =	vadd.f32 v47, v46  }
0xd7: {  	v37 =	vld.idx.msk [tilespmem:v17+s25+$0x4F0 ss:$0x1], $0xffff;
	v31 =	vadd.f32 v34, v48;
	v62 =	vmul.f32 v46, v46;
	v63 =	vmul.f32 v47, v47  }
0xd8: {  	v49 =	vld.idx.msk [tilespmem:v17+s25+$0x510 ss:$0x1], $0xffff;
	v57 =	vmul.f32 v48, v48;
	v58 =	vmul.f32 v34, v34;
	v41 =	vadd.f32 v36, v35  }
0xd9: {  	v33 =	vld [tilespmem:s29+$0xCB20];
	v53 =	vadd.f32 v31, v29;
	v60 =	vadd.f32 v63, v62  }
0xda: {  	v42 =	vld.idx.msk [tilespmem:v17+s25+$0x500 ss:$0x1], $0xffff;
	v50 =	vmul.f32 v36, v36;
	v61 =	vadd.f32 v58, v57;
	v31 =	vadd.f32 v27, v45  }
0xdb: {  	v44 =	vld [tilespmem:s29+$0xCB40];
	v62 =	vmul.f32 v39, v39;
	v28 =	vadd.f32 v30, v28;
	v27 =	vadd.f32 v59, v56  }
0xdc: {  	v52 =	vld [tilespmem:s29+$0xCB50];
	v63 =	vmul.f32 v40, v40;
	v30 =	vadd.f32 v40, v39;
	v32 =	vadd.f32 v32, v37  }
0xdd: {  	v29 =	vld.idx.msk [tilespmem:v17+s25+$0x4E0 ss:$0x1], $0xffff;
	v45 =	vmul.f32 v35, v35;
	v38 =	vadd.f32 v61, v60;
	v60 =	vadd.f32 v31, v43  }
0xde: {  	v61 =	vadd.f32 v27, v28;
	v41 =	vadd.f32 v30, v41  }
0xdf: {  	v45 =	vadd.f32 v50, v45;
	v50 =	vadd.f32 v63, v62  }
0xe0: {  	v62 =	vmul.f32 v43, v43;
	v63 =	vmul.f32 v31, v31;
	v30 =	vadd.f32 v44, v42  }
0xe1: {  	v42 =	vmul.f32 v28, v28;
	v44 =	vmul.f32 v27, v27;
	v51 =	vadd.f32 v61, v60  }
0xe2: {  	v33 =	vadd.f32 v33, v29;
	v29 =	vadd.f32 v52, v49  }
0xe3: {  	v61 =	vmul.f32 v32, v32;
	v37 =	vadd.f32 v63, v62;
	v42 =	vadd.f32 v44, v42  }
0xe4: {  	v62 =	vmul.f32 v30, v30;
	v49 =	vadd.f32 v32, v33;
	v52 =	vadd.f32 v29, v30  }
0xe5: {  	v60 =	vmul.f32 v33, v33;
	v63 =	vmul.f32 v29, v29  }
0xe6: {  	v37 =	vadd.f32 v42, v37;
	v44 =	vadd.f32 v52, v49  }
0xe7: {  	v60 =	vadd.f32 v61, v60;
	v61 =	vadd.f32 v63, v62  }
0xe8: {  	v45 =	vadd.f32 v50, v45;
	v57 =	vperm.xlane v51, v0;
	v62 =	vperm.xlane v41, v0  }
0xe9: {  	v56 =	vperm.xlane v37, v0;
	v63 =	vperm.xlane v44, v0;
	v58 =	vadd.f32 v61, v60  }
0xea: {  	v59 =	vsel vm0, v53, v62;
	v60 =	vperm.xlane v53, v0;
	v61 =	vperm.xlane v45, v0  }
0xeb: {  	v44 =	vsel vm0, v57, v44;
	v62 =	vperm.xlane v38, v0;
	v50 =	vsel vm0, v51, v63  }
0xec: {  	v41 =	vsel vm0, v60, v41;
	v63 =	vperm.xlane v58, v0;
	v38 =	vsel vm0, v38, v61  }
0xed: {  	v45 =	vsel vm0, v62, v45;
	v44 =	vadd.f32 v44, v50;
	v41 =	vadd.f32 v41, v59  }
0xee: {  	v42 =	vsel vm0, v56, v58;
	v38 =	vadd.f32 v45, v38;
	v37 =	vsel vm0, v37, v63  }
0xef: {  	v57 =	vperm.xlane v44, v1;
	v58 =	vperm.xlane v41, v1;
	v37 =	vadd.f32 v42, v37  }
0xf0: {  	v45 =	vperm.xlane v38, v1  }
0xf1: {  	v41 =	vsel vm1, v41, v57;
	v59 =	vsel vm1, v58, v44;
	v60 =	vperm.xlane v37, v1  }
0xf2: {  	v41 =	vadd.f32 v59, v41  }
0xf3: {  	v37 =	vsel vm1, v45, v37;
	v38 =	vsel vm1, v38, v60  }
0xf4: {  	v37 =	vadd.f32 v37, v38;
	v61 =	vperm.xlane v41, v2;
	_ =	sdelay $0x1  }
0xf5: {  	v38 =	vadd.f32 v61, v41;
	v62 =	vperm.xlane v37, v2;
	_ =	sdelay $0x1  }
0xf6: {  	v63 =	vperm.xlane v38, v3;
	v37 =	vadd.f32 v62, v37;
	_ =	sdelay $0x1  }
0xf7: {  	v38 =	vadd.f32 v63, v38;
	v41 =	vperm.xlane v37, v3;
	_ =	sdelay $0x1  }
0xf8: {  	v37 =	vadd.f32 v41, v37;
	v38 =	vmul.f32 $1.562500000e-02, v38;
	_ =	sdelay $0x1  }
0xf9: {  	v37 =	vmul.f32 $1.562500000e-02, v37;
	v45 =	vmul.f32 v38, v38;
	_ =	sdelay $0x1  }
0xfa: {  	v37 =	vsub.f32 v37, v45;
	_ =	sdelay $0x1  }
0xfb: {  	v37 =	vadd.f32 $9.999999740e-06, v37;
	_ =	sdelay $0x1  }
0xfc: {  	v49 =	vshra.s32 v37, $0x1;
	v37 =	vmul.f32 $5.000000000e-01, v37  }
0xfd: {  	v41 =	vsub.s32 $0x5F3759DF, v49  }
0xfe: {  	v50 =	vmul.f32 v41, v37;
	_ =	sdelay $0x1  }
0xff: {  	v42 =	vmul.f32 v41, v50;
	_ =	sdelay $0x1  }
0x100: {  	v42 =	vsub.f32 $1.500000000e+00, v42;
	_ =	sdelay $0x1  }
0x101: {  	v41 =	vmul.f32 v41, v42;
	_ =	sdelay $0x1  }
0x102: {  	v37 =	vmul.f32 v41, v37;
	_ =	sdelay $0x1  }
0x103: {  	v37 =	vmul.f32 v37, v41;
	_ =	sdelay $0x1  }
0x104: {  	v37 =	vsub.f32 $1.500000000e+00, v37;
	_ =	sdelay $0x1  }
0x105: {  	v37 =	vmul.f32 v37, v41;
	_ =	sdelay $0x1  }
0x106: {  	v38 =	vmul.f32 v37, v38;
	v41 =	vperm.xlane v37, v5  }
0x107: {  	v57 =	vperm.xlane v37, v4;
	v60 =	vperm.xlane v37, v6  }
0x108: {  	v51 =	vperm.xlane v38, v5;
	v52 =	vmul.f32 v41, v46  }
0x109: {  	v53 =	vmul.f32 v41, v47;
	v54 =	vmul.f32 v41, v48  }
0x10a: {  	v34 =	vmul.f32 v41, v34;
	v59 =	vperm.xlane v38, v4  }
0x10b: {  	v35 =	vmul.f32 v57, v35;
	v36 =	vmul.f32 v57, v36  }
0x10c: {  	v39 =	vmul.f32 v57, v39;
	v40 =	vmul.f32 v57, v40  }
0x10d: {  	v61 =	vperm.xlane v38, v6;
	v43 =	vmul.f32 v60, v43;
	v44 =	vsub.f32 v52, v51  }
0x10e: {  	v31 =	vmul.f32 v60, v31;
	v45 =	vsub.f32 v53, v51;
	v46 =	vsub.f32 v54, v51  }
0x10f: {  	v28 =	vmul.f32 v60, v28;
	v34 =	vsub.f32 v34, v51;
	v35 =	vsub.f32 v35, v59  }
0x110: {  	v27 =	vmul.f32 v60, v27;
	v36 =	vsub.f32 v36, v59;
	v39 =	vsub.f32 v39, v59  }
0x111: {  	v40 =	vsub.f32 v40, v59;
	v51 =	vperm.xlane v37, v7;
	v52 =	vperm.xlane v38, v7  }
0x112: {  	v62 =	vsub.f32 v43, v61;
	v44 =	vmul.f32 v44, v8;
	v55 =	vmul.f32 v45, v10  }
0x113: {  	v31 =	vsub.f32 v31, v61;
	v56 =	vmul.f32 v46, v12;
	v34 =	vmul.f32 v34, v14  }
0x114: {  	v28 =	vsub.f32 v28, v61;
	v35 =	vmul.f32 v35, v8;
	v36 =	vmul.f32 v36, v10  }
0x115: {  	v27 =	vsub.f32 v27, v61;
	v45 =	vmul.f32 v39, v12;
	v46 =	vmul.f32 v40, v14  }
0x116: {  	v47 =	vmul.f32 v62, v8;
	v31 =	vmul.f32 v31, v10;
	v44 =	vadd.f32 v44, v9  }
0x117: {  	v33 =	vmul.f32 v51, v33;
	v28 =	vmul.f32 v28, v12;
	v41 =	vadd.f32 v55, v11  }
0x118: {  	v32 =	vmul.f32 v51, v32;
	v58 =	vadd.f32 v56, v13;
	[tilespmem:v17+s25+$0x6820 ss:$0x1] =	vst.idx.msk $0xffff, v44  }
0x119: {  	(v2sf) =	vpush v26, $0x8;
	v27 =	vmul.f32 v27, v14;
	v34 =	vadd.f32 v34, v15;
	[tilespmem:v17+s25+$0x6830 ss:$0x1] =	vst.idx.msk $0xffff, v41  }
0x11a: {  	v30 =	vmul.f32 v51, v30;
	v63 =	vadd.f32 v35, v9;
	[tilespmem:v17+s25+$0x6840 ss:$0x1] =	vst.idx.msk $0xffff, v58  }
0x11b: {  	(v2sf) =	vpush v26, $0x9;
	v29 =	vmul.f32 v51, v29;
	v36 =	vadd.f32 v36, v11;
	[tilespmem:v17+s25+$0x6850 ss:$0x1] =	vst.idx.msk $0xffff, v34  }
0x11c: {  	v48 =	vadd.f32 v45, v13;
	v49 =	vadd.f32 v46, v15;
	[tilespmem:v17+s25+$0x6860 ss:$0x1] =	vst.idx.msk $0xffff, v63  }
0x11d: {  	v50 =	vadd.f32 v47, v9;
	v31 =	vadd.f32 v31, v11;
	[tilespmem:v17+s25+$0x6870 ss:$0x1] =	vst.idx.msk $0xffff, v36  }
0x11e: {  	v33 =	vsub.f32 v33, v52;
	v28 =	vadd.f32 v28, v13;
	[tilespmem:v17+s25+$0x6880 ss:$0x1] =	vst.idx.msk $0xffff, v48  }
0x11f: {  	v32 =	vsub.f32 v32, v52;
	v27 =	vadd.f32 v27, v15;
	[tilespmem:v17+s25+$0x6890 ss:$0x1] =	vst.idx.msk $0xffff, v49  }
0x120: {  	v30 =	vsub.f32 v30, v52;
	v33 =	vmul.f32 v33, v8;
	[tilespmem:v17+s25+$0x68A0 ss:$0x1] =	vst.idx.msk $0xffff, v50  }
0x121: {  	v29 =	vsub.f32 v29, v52;
	v53 =	vmul.f32 v32, v10;
	[tilespmem:v17+s25+$0x68B0 ss:$0x1] =	vst.idx.msk $0xffff, v31  }
0x122: {  	v30 =	vmul.f32 v30, v12;
	v54 =	vadd.f32 v33, v9;
	[tilespmem:v17+s25+$0x68C0 ss:$0x1] =	vst.idx.msk $0xffff, v28  }
0x123: {  	v29 =	vmul.f32 v29, v14;
	[tilespmem:v17+s25+$0x68D0 ss:$0x1] =	vst.idx.msk $0xffff, v27;
	v27 =	vadd.f32 v53, v11  }
0x124: {  	v55 =	vadd.f32 v30, v13;
	[tilespmem:v17+s25+$0x68E0 ss:$0x1] =	vst.idx.msk $0xffff, v54  }
0x125: {  	[tilespmem:v17+s25+$0x68F0 ss:$0x1] =	vst.idx.msk $0xffff, v27;
	v27 =	vadd.f32 v29, v15  }
0x126: {  	[tilespmem:v17+s25+$0x6900 ss:$0x1] =	vst.idx.msk $0xffff, v55  }
0x127: {  	[tilespmem:v17+s25+$0x6910 ss:$0x1] =	vst.idx.msk $0xffff, v27  }
0x128: {  	s30 =	spop (v2sf);
	v27 =	vld.idx.msk [tilespmem:v18+s25+$0x320 ss:$0x1], $0xffff  }
0x129: {  	(v2sf) =	vpush v26, $0xA;
	v28 =	vld [tilespmem:s30+$0xCB20]  }
0x12a: {  	v56 =	vld.idx.msk [tilespmem:v18+s25+$0x330 ss:$0x1], $0xffff  }
0x12b: {  	v57 =	vld [tilespmem:s30+$0xCB30]  }
0x12c: {  	v58 =	vld.idx.msk [tilespmem:v18+s25+$0x340 ss:$0x1], $0xffff  }
0x12d: {  	s31 =	spop (v2sf);
	(v2sf) =	vpush v26, $0xB;
	v59 =	vld [tilespmem:s30+$0xCB40]  }
0x12e: {  	v60 =	vld.idx.msk [tilespmem:v18+s25+$0x350 ss:$0x1], $0xffff  }
0x12f: {  	v61 =	vld [tilespmem:s30+$0xCB50]  }
0x130: {  	v35 =	vld.idx.msk [tilespmem:v19+s25+$0x320 ss:$0x1], $0xffff  }
0x131: {  	v36 =	vld [tilespmem:s31+$0xCB20]  }
0x132: {  	v37 =	vld.idx.msk [tilespmem:v19+s25+$0x330 ss:$0x1], $0xffff  }
0x133: {  	v38 =	vld [tilespmem:s31+$0xCB30]  }
0x134: {  	v39 =	vld.idx.msk [tilespmem:v19+s25+$0x340 ss:$0x1], $0xffff  }
0x135: {  	v40 =	vld [tilespmem:s31+$0xCB40]  }
0x136: {  	v41 =	vld.idx.msk [tilespmem:v19+s25+$0x350 ss:$0x1], $0xffff  }
0x137: {  	v42 =	vld [tilespmem:s31+$0xCB50]  }
0x138: {  	s29 =	spop (v2sf);
	v43 =	vld.idx.msk [tilespmem:v20+s25+$0x320 ss:$0x1], $0xffff  }
0x139: {  	v44 =	vld [tilespmem:s29+$0xCB20]  }
0x13a: {  	v45 =	vld.idx.msk [tilespmem:v20+s25+$0x330 ss:$0x1], $0xffff  }
0x13b: {  	v30 =	vld [tilespmem:s29+$0xCB40]  }
0x13c: {  	s30 =	spop (v2sf);
	v49 =	vld.idx.msk [tilespmem:v21+s25+$0x350 ss:$0x1], $0xffff;
	v46 =	vadd.f32 v28, v27  }
0x13d: {  	v32 =	vld [tilespmem:s30+$0xCB30];
	v47 =	vadd.f32 v57, v56;
	v48 =	vadd.f32 v59, v58  }
0x13e: {  	v27 =	vld [tilespmem:s29+$0xCB30];
	v34 =	vadd.f32 v61, v60;
	v35 =	vadd.f32 v36, v35  }
0x13f: {  	v28 =	vld.idx.msk [tilespmem:v20+s25+$0x340 ss:$0x1], $0xffff;
	v36 =	vadd.f32 v38, v37;
	v39 =	vadd.f32 v40, v39  }
0x140: {  	v56 =	vld.idx.msk [tilespmem:v20+s25+$0x350 ss:$0x1], $0xffff;
	v40 =	vadd.f32 v42, v41;
	v29 =	vadd.f32 v47, v46  }
0x141: {  	v59 =	vld [tilespmem:s29+$0xCB50];
	v31 =	vadd.f32 v34, v48;
	v62 =	vmul.f32 v46, v46;
	v63 =	vmul.f32 v47, v47  }
0x142: {  	v37 =	vld.idx.msk [tilespmem:v21+s25+$0x330 ss:$0x1], $0xffff;
	v43 =	vadd.f32 v44, v43;
	v57 =	vmul.f32 v48, v48;
	v58 =	vmul.f32 v34, v34  }
0x143: {  	v33 =	vld [tilespmem:s30+$0xCB20];
	v41 =	vadd.f32 v36, v35;
	v53 =	vadd.f32 v31, v29  }
0x144: {  	v52 =	vld [tilespmem:s30+$0xCB50];
	v60 =	vadd.f32 v63, v62;
	v61 =	vadd.f32 v58, v57  }
0x145: {  	v42 =	vld.idx.msk [tilespmem:v21+s25+$0x340 ss:$0x1], $0xffff;
	v50 =	vmul.f32 v36, v36;
	v31 =	vadd.f32 v27, v45;
	v28 =	vadd.f32 v30, v28  }
0x146: {  	v44 =	vld [tilespmem:s30+$0xCB40];
	v62 =	vmul.f32 v39, v39;
	v27 =	vadd.f32 v59, v56;
	v30 =	vadd.f32 v40, v39  }
0x147: {  	v29 =	vld.idx.msk [tilespmem:v21+s25+$0x320 ss:$0x1], $0xffff;
	v45 =	vmul.f32 v35, v35;
	v32 =	vadd.f32 v32, v37;
	v38 =	vadd.f32 v61, v60  }
0x148: {  	v63 =	vmul.f32 v40, v40;
	v60 =	vadd.f32 v31, v43;
	v61 =	vadd.f32 v27, v28  }
0x149: {  	v41 =	vadd.f32 v30, v41;
	v45 =	vadd.f32 v50, v45  }
0x14a: {  	v50 =	vadd.f32 v63, v62;
	v62 =	vmul.f32 v43, v43;
	v63 =	vmul.f32 v31, v31  }
0x14b: {  	v30 =	vadd.f32 v44, v42;
	v42 =	vmul.f32 v28, v28;
	v51 =	vadd.f32 v61, v60  }
0x14c: {  	v44 =	vmul.f32 v27, v27;
	v33 =	vadd.f32 v33, v29;
	v29 =	vadd.f32 v52, v49  }
0x14d: {  	v61 =	vmul.f32 v32, v32;
	v37 =	vadd.f32 v63, v62;
	v62 =	vmul.f32 v30, v30  }
0x14e: {  	v49 =	vadd.f32 v32, v33;
	v52 =	vadd.f32 v29, v30;
	v60 =	vmul.f32 v33, v33  }
0x14f: {  	v42 =	vadd.f32 v44, v42;
	v45 =	vadd.f32 v50, v45;
	v63 =	vmul.f32 v29, v29  }
0x150: {  	v58 =	vperm.xlane v53, v0;
	v44 =	vadd.f32 v52, v49;
	v59 =	vadd.f32 v61, v60  }
0x151: {  	v60 =	vadd.f32 v63, v62;
	v61 =	vperm.xlane v41, v0;
	v63 =	vperm.xlane v51, v0  }
0x152: {  	v37 =	vadd.f32 v42, v37;
	v41 =	vsel vm0, v58, v41;
	v62 =	vperm.xlane v44, v0  }
0x153: {  	v56 =	vadd.f32 v60, v59;
	v57 =	vsel vm0, v53, v61;
	v44 =	vsel vm0, v63, v44  }
0x154: {  	v59 =	vperm.xlane v45, v0;
	v60 =	vperm.xlane v38, v0;
	v41 =	vadd.f32 v41, v57  }
0x155: {  	v50 =	vsel vm0, v51, v62;
	v61 =	vperm.xlane v56, v0;
	v62 =	vperm.xlane v37, v0  }
0x156: {  	v38 =	vsel vm0, v38, v59;
	v45 =	vsel vm0, v60, v45;
	v44 =	vadd.f32 v44, v50  }
0x157: {  	v54 =	vperm.xlane v41, v1;
	v37 =	vsel vm0, v37, v61;
	v42 =	vsel vm0, v62, v56  }
0x158: {  	v38 =	vadd.f32 v45, v38;
	v63 =	vperm.xlane v44, v1;
	v37 =	vadd.f32 v42, v37  }
0x159: {  	v55 =	vsel vm1, v54, v44  }
0x15a: {  	v45 =	vperm.xlane v38, v1;
	v41 =	vsel vm1, v41, v63;
	v56 =	vperm.xlane v37, v1  }
0x15b: {  	v41 =	vadd.f32 v55, v41  }
0x15c: {  	v37 =	vsel vm1, v45, v37;
	v38 =	vsel vm1, v38, v56  }
0x15d: {  	v37 =	vadd.f32 v37, v38;
	v57 =	vperm.xlane v41, v2;
	_ =	sdelay $0x1  }
0x15e: {  	v38 =	vadd.f32 v57, v41;
	v58 =	vperm.xlane v37, v2;
	_ =	sdelay $0x1  }
0x15f: {  	v59 =	vperm.xlane v38, v3;
	v37 =	vadd.f32 v58, v37;
	_ =	sdelay $0x1  }
0x160: {  	v38 =	vadd.f32 v59, v38;
	v41 =	vperm.xlane v37, v3;
	_ =	sdelay $0x1  }
0x161: {  	v37 =	vadd.f32 v41, v37;
	v38 =	vmul.f32 $1.562500000e-02, v38;
	_ =	sdelay $0x1  }
0x162: {  	v37 =	vmul.f32 $1.562500000e-02, v37;
	v60 =	vmul.f32 v38, v38;
	_ =	sdelay $0x1  }
0x163: {  	v37 =	vsub.f32 v37, v60;
	_ =	sdelay $0x1  }
0x164: {  	v37 =	vadd.f32 $9.999999740e-06, v37;
	_ =	sdelay $0x1  }
0x165: {  	v61 =	vshra.s32 v37, $0x1;
	v37 =	vmul.f32 $5.000000000e-01, v37  }
0x166: {  	v41 =	vsub.s32 $0x5F3759DF, v61  }
0x167: {  	v62 =	vmul.f32 v41, v37;
	_ =	sdelay $0x1  }
0x168: {  	v42 =	vmul.f32 v41, v62;
	_ =	sdelay $0x1  }
0x169: {  	v42 =	vsub.f32 $1.500000000e+00, v42;
	_ =	sdelay $0x1  }
0x16a: {  	v41 =	vmul.f32 v41, v42;
	_ =	sdelay $0x1  }
0x16b: {  	v37 =	vmul.f32 v41, v37;
	_ =	sdelay $0x1  }
0x16c: {  	v37 =	vmul.f32 v37, v41;
	_ =	sdelay $0x1  }
0x16d: {  	v37 =	vsub.f32 $1.500000000e+00, v37;
	_ =	sdelay $0x1  }
0x16e: {  	v37 =	vmul.f32 v37, v41;
	_ =	sdelay $0x1  }
0x16f: {  	v38 =	vmul.f32 v37, v38  }
0x170: {  	v41 =	vperm.xlane v37, v5;
	v54 =	vperm.xlane v37, v4  }
0x171: {  	v57 =	vperm.xlane v37, v6;
	v63 =	vperm.xlane v38, v5  }
0x172: {  	v49 =	vmul.f32 v41, v46;
	v50 =	vmul.f32 v41, v47  }
0x173: {  	v51 =	vmul.f32 v41, v48;
	v34 =	vmul.f32 v41, v34  }
0x174: {  	v56 =	vperm.xlane v38, v4;
	v35 =	vmul.f32 v54, v35  }
0x175: {  	v36 =	vmul.f32 v54, v36;
	v39 =	vmul.f32 v54, v39  }
0x176: {  	v40 =	vmul.f32 v54, v40;
	v58 =	vperm.xlane v38, v6  }
0x177: {  	v43 =	vmul.f32 v57, v43;
	v31 =	vmul.f32 v57, v31  }
0x178: {  	v28 =	vmul.f32 v57, v28;
	v44 =	vsub.f32 v49, v63;
	v45 =	vsub.f32 v50, v63  }
0x179: {  	v27 =	vmul.f32 v57, v27;
	v46 =	vsub.f32 v51, v63;
	v34 =	vsub.f32 v34, v63  }
0x17a: {  	v47 =	vperm.xlane v37, v7;
	v35 =	vsub.f32 v35, v56;
	v36 =	vsub.f32 v36, v56  }
0x17b: {  	v48 =	vperm.xlane v38, v7;
	v39 =	vsub.f32 v39, v56;
	v40 =	vsub.f32 v40, v56  }
0x17c: {  	v59 =	vsub.f32 v43, v58;
	v33 =	vmul.f32 v47, v33;
	v32 =	vmul.f32 v47, v32  }
0x17d: {  	v31 =	vsub.f32 v31, v58;
	v30 =	vmul.f32 v47, v30;
	v29 =	vmul.f32 v47, v29  }
0x17e: {  	v28 =	vsub.f32 v28, v58;
	v44 =	vmul.f32 v44, v8;
	v52 =	vmul.f32 v45, v10  }
0x17f: {  	v27 =	vsub.f32 v27, v58;
	v53 =	vmul.f32 v46, v12;
	v34 =	vmul.f32 v34, v14  }
0x180: {  	v35 =	vmul.f32 v35, v8;
	v36 =	vmul.f32 v36, v10;
	v44 =	vadd.f32 v44, v9  }
0x181: {  	v61 =	vmul.f32 v39, v12;
	v62 =	vmul.f32 v40, v14;
	v41 =	vadd.f32 v52, v11  }
0x182: {  	v63 =	vmul.f32 v59, v8;
	v55 =	vadd.f32 v53, v13;
	[tilespmem:v18+s25+$0x6720 ss:$0x1] =	vst.idx.msk $0xffff, v44  }
0x183: {  	(v2sf) =	vpush v26, $0xC;
	v31 =	vmul.f32 v31, v10;
	v34 =	vadd.f32 v34, v15;
	[tilespmem:v18+s25+$0x6730 ss:$0x1] =	vst.idx.msk $0xffff, v41  }
0x184: {  	v28 =	vmul.f32 v28, v12;
	v60 =	vadd.f32 v35, v9;
	[tilespmem:v18+s25+$0x6740 ss:$0x1] =	vst.idx.msk $0xffff, v55  }
0x185: {  	v27 =	vmul.f32 v27, v14;
	v36 =	vadd.f32 v36, v11;
	[tilespmem:v18+s25+$0x6750 ss:$0x1] =	vst.idx.msk $0xffff, v34  }
0x186: {  	v33 =	vsub.f32 v33, v48;
	v43 =	vadd.f32 v61, v13;
	[tilespmem:v19+s25+$0x6720 ss:$0x1] =	vst.idx.msk $0xffff, v60  }
0x187: {  	v32 =	vsub.f32 v32, v48;
	v45 =	vadd.f32 v62, v15;
	[tilespmem:v19+s25+$0x6730 ss:$0x1] =	vst.idx.msk $0xffff, v36  }
0x188: {  	v30 =	vsub.f32 v30, v48;
	v46 =	vadd.f32 v63, v9;
	[tilespmem:v19+s25+$0x6740 ss:$0x1] =	vst.idx.msk $0xffff, v43  }
0x189: {  	v29 =	vsub.f32 v29, v48;
	v31 =	vadd.f32 v31, v11;
	[tilespmem:v19+s25+$0x6750 ss:$0x1] =	vst.idx.msk $0xffff, v45  }
0x18a: {  	(v2sf) =	vpush v26, $0xD;
	v28 =	vadd.f32 v28, v13;
	v33 =	vmul.f32 v33, v8;
	[tilespmem:v20+s25+$0x6720 ss:$0x1] =	vst.idx.msk $0xffff, v46  }
0x18b: {  	v27 =	vadd.f32 v27, v15;
	v49 =	vmul.f32 v32, v10;
	[tilespmem:v20+s25+$0x6730 ss:$0x1] =	vst.idx.msk $0xffff, v31  }
0x18c: {  	v30 =	vmul.f32 v30, v12;
	v50 =	vadd.f32 v33, v9;
	[tilespmem:v20+s25+$0x6740 ss:$0x1] =	vst.idx.msk $0xffff, v28  }
0x18d: {  	v29 =	vmul.f32 v29, v14;
	[tilespmem:v20+s25+$0x6750 ss:$0x1] =	vst.idx.msk $0xffff, v27;
	v27 =	vadd.f32 v49, v11  }
0x18e: {  	v51 =	vadd.f32 v30, v13;
	[tilespmem:v21+s25+$0x6720 ss:$0x1] =	vst.idx.msk $0xffff, v50  }
0x18f: {  	[tilespmem:v21+s25+$0x6730 ss:$0x1] =	vst.idx.msk $0xffff, v27;
	v27 =	vadd.f32 v29, v15  }
0x190: {  	[tilespmem:v21+s25+$0x6740 ss:$0x1] =	vst.idx.msk $0xffff, v51  }
0x191: {  	[tilespmem:v21+s25+$0x6750 ss:$0x1] =	vst.idx.msk $0xffff, v27  }
0x192: {  	s31 =	spop (v2sf);
	v27 =	vld.idx.msk [tilespmem:v22+s25+$0x320 ss:$0x1], $0xffff  }
0x193: {  	(v2sf) =	vpush v26, $0xE;
	v28 =	vld [tilespmem:s31+$0xCB20]  }
0x194: {  	v52 =	vld.idx.msk [tilespmem:v22+s25+$0x330 ss:$0x1], $0xffff  }
0x195: {  	v53 =	vld [tilespmem:s31+$0xCB30]  }
0x196: {  	v54 =	vld.idx.msk [tilespmem:v22+s25+$0x340 ss:$0x1], $0xffff  }
0x197: {  	v55 =	vld [tilespmem:s31+$0xCB40]  }
0x198: {  	v56 =	vld.idx.msk [tilespmem:v22+s25+$0x350 ss:$0x1], $0xffff  }
0x199: {  	s29 =	spop (v2sf);
	(v2sf) =	vpush v26, $0xF;
	v57 =	vld [tilespmem:s31+$0xCB50]  }
0x19a: {  	v35 =	vld.idx.msk [tilespmem:v23+s25+$0x320 ss:$0x1], $0xffff  }
0x19b: {  	v36 =	vld [tilespmem:s29+$0xCB20]  }
0x19c: {  	v26 =	vld.idx.msk [tilespmem:v23+s25+$0x330 ss:$0x1], $0xffff  }
0x19d: {  	v37 =	vld [tilespmem:s29+$0xCB30]  }
0x19e: {  	v38 =	vld.idx.msk [tilespmem:v23+s25+$0x340 ss:$0x1], $0xffff  }
0x19f: {  	v39 =	vld [tilespmem:s29+$0xCB40]  }
0x1a0: {  	v40 =	vld.idx.msk [tilespmem:v23+s25+$0x350 ss:$0x1], $0xffff  }
0x1a1: {  	v41 =	vld [tilespmem:s29+$0xCB50]  }
0x1a2: {  	s30 =	spop (v2sf);
	v42 =	vld.idx.msk [tilespmem:v24+s25+$0x320 ss:$0x1], $0xffff  }
0x1a3: {  	v43 =	vld [tilespmem:s30+$0xCB20]  }
0x1a4: {  	v44 =	vld.idx.msk [tilespmem:v24+s25+$0x330 ss:$0x1], $0xffff  }
0x1a5: {  	v30 =	vld [tilespmem:s30+$0xCB40]  }
0x1a6: {  	v60 =	vld.idx.msk [tilespmem:v24+s25+$0x350 ss:$0x1], $0xffff  }
0x1a7: {  	v63 =	vld [tilespmem:s30+$0xCB50];
	v45 =	vadd.f32 v28, v27;
	v46 =	vadd.f32 v53, v52  }
0x1a8: {  	s31 =	spop (v2sf);
	v50 =	vld.idx.msk [tilespmem:v25+s25+$0x330 ss:$0x1], $0xffff;
	v47 =	vadd.f32 v55, v54;
	v33 =	vadd.f32 v57, v56  }
0x1a9: {  	v49 =	vld [tilespmem:s31+$0xCB20];
	v36 =	vadd.f32 v36, v35;
	v37 =	vadd.f32 v37, v26  }
0x1aa: {  	v27 =	vld [tilespmem:s30+$0xCB30];
	v38 =	vadd.f32 v39, v38;
	v34 =	vadd.f32 v41, v40  }
0x1ab: {  	v28 =	vld.idx.msk [tilespmem:v24+s25+$0x340 ss:$0x1], $0xffff;
	v35 =	vadd.f32 v43, v42;
	v29 =	vadd.f32 v46, v45;
	v58 =	vmul.f32 v45, v45  }
0x1ac: {  	v39 =	vld [tilespmem:s31+$0xCB30];
	v31 =	vadd.f32 v33, v47;
	v59 =	vmul.f32 v46, v46;
	v61 =	vmul.f32 v47, v47  }
0x1ad: {  	v40 =	vld.idx.msk [tilespmem:v25+s25+$0x340 ss:$0x1], $0xffff;
	v26 =	vadd.f32 v63, v60;
	v62 =	vmul.f32 v33, v33;
	v42 =	vmul.f32 v36, v36  }
0x1ae: {  	v41 =	vld [tilespmem:s31+$0xCB40];
	v43 =	vmul.f32 v37, v37;
	v52 =	vadd.f32 v31, v29;
	v56 =	vadd.f32 v59, v58  }
0x1af: {  	v60 =	vld [tilespmem:s31+$0xCB50];
	v57 =	vadd.f32 v62, v61;
	v58 =	vadd.f32 v37, v36  }
0x1b0: {  	v29 =	vld.idx.msk [tilespmem:v25+s25+$0x320 ss:$0x1], $0xffff;
	v59 =	vadd.f32 v34, v38;
	v42 =	vadd.f32 v43, v42  }
0x1b1: {  	v61 =	vmul.f32 v34, v34;
	v32 =	vadd.f32 v27, v44;
	v27 =	vadd.f32 v30, v28;
	v28 =	vld.idx.msk [tilespmem:v25+s25+$0x350 ss:$0x1], $0xffff  }
0x1b2: {  	v44 =	vmul.f32 v38, v38;
	v30 =	vadd.f32 v39, v50;
	v53 =	vadd.f32 v57, v56  }
0x1b3: {  	v62 =	vadd.f32 v32, v35;
	v63 =	vadd.f32 v26, v27  }
0x1b4: {  	v56 =	vadd.f32 v59, v58;
	v58 =	vmul.f32 v35, v35;
	v43 =	vadd.f32 v61, v44  }
0x1b5: {  	v59 =	vmul.f32 v32, v32;
	v44 =	vadd.f32 v63, v62;
	v31 =	vadd.f32 v49, v29  }
0x1b6: {  	v57 =	vmul.f32 v30, v30;
	v29 =	vadd.f32 v41, v40;
	v28 =	vadd.f32 v60, v28  }
0x1b7: {  	v40 =	vmul.f32 v27, v27;
	v39 =	vadd.f32 v59, v58;
	v60 =	vmul.f32 v26, v26  }
0x1b8: {  	v61 =	vadd.f32 v30, v31;
	v63 =	vmul.f32 v31, v31;
	v62 =	vadd.f32 v28, v29  }
0x1b9: {  	v42 =	vadd.f32 v43, v42;
	v58 =	vmul.f32 v29, v29;
	v59 =	vmul.f32 v28, v28  }
0x1ba: {  	v40 =	vadd.f32 v60, v40;
	v60 =	vadd.f32 v62, v61  }
0x1bb: {  	v61 =	vadd.f32 v57, v63;
	v62 =	vadd.f32 v59, v58  }
0x1bc: {  	v55 =	vperm.xlane v44, v0;
	v63 =	vperm.xlane v56, v0;
	v39 =	vadd.f32 v40, v39  }
0x1bd: {  	v59 =	vperm.xlane v52, v0;
	v54 =	vperm.xlane v60, v0;
	v57 =	vadd.f32 v62, v61  }
0x1be: {  	v58 =	vsel vm0, v52, v63;
	v41 =	vsel vm0, v55, v60;
	v60 =	vperm.xlane v42, v0  }
0x1bf: {  	v61 =	vperm.xlane v53, v0;
	v49 =	vsel vm0, v59, v56;
	v63 =	vperm.xlane v39, v0  }
0x1c0: {  	v48 =	vadd.f32 v49, v58;
	v43 =	vsel vm0, v44, v54;
	v62 =	vperm.xlane v57, v0  }
0x1c1: {  	v42 =	vsel vm0, v61, v42;
	v40 =	vsel vm0, v63, v57;
	v41 =	vadd.f32 v41, v43  }
0x1c2: {  	v43 =	vsel vm0, v53, v60;
	v55 =	vperm.xlane v48, v1;
	v39 =	vsel vm0, v39, v62  }
0x1c3: {  	v42 =	vadd.f32 v42, v43;
	v54 =	vperm.xlane v41, v1;
	v39 =	vadd.f32 v40, v39  }
0x1c4: {  	v41 =	vsel vm1, v55, v41  }
0x1c5: {  	v58 =	vperm.xlane v42, v1;
	v56 =	vsel vm1, v48, v54;
	v57 =	vperm.xlane v39, v1  }
0x1c6: {  	v40 =	vadd.f32 v41, v56  }
0x1c7: {  	v39 =	vsel vm1, v58, v39;
	v59 =	vsel vm1, v42, v57  }
0x1c8: {  	v39 =	vadd.f32 v39, v59;
	v60 =	vperm.xlane v40, v2;
	_ =	sdelay $0x1  }
0x1c9: {  	v40 =	vadd.f32 v60, v40;
	v61 =	vperm.xlane v39, v2;
	_ =	sdelay $0x1  }
0x1ca: {  	v62 =	vperm.xlane v40, v3;
	v39 =	vadd.f32 v61, v39;
	_ =	sdelay $0x1  }
0x1cb: {  	v40 =	vadd.f32 v62, v40;
	v41 =	vperm.xlane v39, v3;
	_ =	sdelay $0x1  }
0x1cc: {  	v39 =	vadd.f32 v41, v39;
	v40 =	vmul.f32 $1.562500000e-02, v40;
	_ =	sdelay $0x1  }
0x1cd: {  	v39 =	vmul.f32 $1.562500000e-02, v39;
	v63 =	vmul.f32 v40, v40;
	_ =	sdelay $0x1  }
0x1ce: {  	v39 =	vsub.f32 v39, v63;
	_ =	sdelay $0x1  }
0x1cf: {  	v39 =	vadd.f32 $9.999999740e-06, v39;
	_ =	sdelay $0x1  }
0x1d0: {  	v44 =	vshra.s32 v39, $0x1;
	v39 =	vmul.f32 $5.000000000e-01, v39  }
0x1d1: {  	v41 =	vsub.s32 $0x5F3759DF, v44  }
0x1d2: {  	v48 =	vmul.f32 v41, v39;
	_ =	sdelay $0x1  }
0x1d3: {  	v42 =	vmul.f32 v41, v48;
	_ =	sdelay $0x1  }
0x1d4: {  	v42 =	vsub.f32 $1.500000000e+00, v42;
	_ =	sdelay $0x1  }
0x1d5: {  	v41 =	vmul.f32 v41, v42;
	_ =	sdelay $0x1  }
0x1d6: {  	v39 =	vmul.f32 v41, v39;
	_ =	sdelay $0x1  }
0x1d7: {  	v39 =	vmul.f32 v39, v41;
	_ =	sdelay $0x1  }
0x1d8: {  	v39 =	vsub.f32 $1.500000000e+00, v39;
	_ =	sdelay $0x1  }
0x1d9: {  	v39 =	vmul.f32 v39, v41;
	_ =	sdelay $0x1  }
0x1da: {  	v40 =	vmul.f32 v39, v40;
	v41 =	vperm.xlane v39, v5  }
0x1db: {  	v54 =	vperm.xlane v39, v4;
	v58 =	vperm.xlane v39, v6  }
0x1dc: {  	v62 =	vperm.xlane v39, v7;
	v49 =	vperm.xlane v40, v5  }
0x1dd: {  	v50 =	vmul.f32 v41, v45;
	v51 =	vmul.f32 v41, v46  }
0x1de: {  	v52 =	vmul.f32 v41, v47;
	v33 =	vmul.f32 v41, v33  }
0x1df: {  	v56 =	vperm.xlane v40, v4;
	v36 =	vmul.f32 v54, v36  }
0x1e0: {  	v37 =	vmul.f32 v54, v37;
	v57 =	vmul.f32 v54, v38  }
0x1e1: {  	v34 =	vmul.f32 v54, v34;
	v59 =	vperm.xlane v40, v6  }
0x1e2: {  	v35 =	vmul.f32 v58, v35;
	v32 =	vmul.f32 v58, v32  }
0x1e3: {  	v27 =	vmul.f32 v58, v27;
	v26 =	vmul.f32 v58, v26  }
0x1e4: {  	v63 =	vperm.xlane v40, v7;
	v31 =	vmul.f32 v62, v31;
	v43 =	vsub.f32 v50, v49  }
0x1e5: {  	v30 =	vmul.f32 v62, v30;
	v29 =	vmul.f32 v62, v29;
	v44 =	vsub.f32 v51, v49  }
0x1e6: {  	v28 =	vmul.f32 v62, v28;
	v53 =	vsub.f32 v52, v49;
	v43 =	vmul.f32 v43, v8  }
0x1e7: {  	v33 =	vsub.f32 v33, v49;
	v36 =	vsub.f32 v36, v56;
	v44 =	vmul.f32 v44, v10  }
0x1e8: {  	v37 =	vsub.f32 v37, v56;
	v41 =	vmul.f32 v53, v12;
	v43 =	vadd.f32 v43, v9  }
0x1e9: {  	v34 =	vsub.f32 v34, v56;
	v33 =	vmul.f32 v33, v14;
	v55 =	vadd.f32 v44, v11  }
0x1ea: {  	v35 =	vsub.f32 v35, v59;
	v41 =	vadd.f32 v41, v13;
	[tilespmem:v22+s25+$0x6720 ss:$0x1] =	vst.idx.msk $0xffff, v43  }
0x1eb: {  	v32 =	vsub.f32 v32, v59;
	v33 =	vadd.f32 v33, v15;
	[tilespmem:v22+s25+$0x6730 ss:$0x1] =	vst.idx.msk $0xffff, v55  }
0x1ec: {  	v27 =	vsub.f32 v27, v59;
	v26 =	vsub.f32 v26, v59;
	[tilespmem:v22+s25+$0x6740 ss:$0x1] =	vst.idx.msk $0xffff, v41  }
0x1ed: {  	v36 =	vmul.f32 v36, v8;
	[tilespmem:v22+s25+$0x6750 ss:$0x1] =	vst.idx.msk $0xffff, v33;
	v33 =	vsub.f32 v57, v56  }
0x1ee: {  	v31 =	vsub.f32 v31, v63;
	v30 =	vsub.f32 v30, v63;
	v37 =	vmul.f32 v37, v10  }
0x1ef: {  	v29 =	vsub.f32 v29, v63;
	v36 =	vadd.f32 v36, v9;
	v33 =	vmul.f32 v33, v12  }
0x1f0: {  	v28 =	vsub.f32 v28, v63;
	v34 =	vmul.f32 v34, v14;
	v60 =	vadd.f32 v37, v11  }
0x1f1: {  	v35 =	vmul.f32 v35, v8;
	[tilespmem:v23+s25+$0x6720 ss:$0x1] =	vst.idx.msk $0xffff, v36;
	v33 =	vadd.f32 v33, v13  }
0x1f2: {  	v32 =	vmul.f32 v32, v10;
	v34 =	vadd.f32 v34, v15;
	[tilespmem:v23+s25+$0x6730 ss:$0x1] =	vst.idx.msk $0xffff, v60  }
0x1f3: {  	v27 =	vmul.f32 v27, v12;
	v61 =	vadd.f32 v35, v9;
	[tilespmem:v23+s25+$0x6740 ss:$0x1] =	vst.idx.msk $0xffff, v33  }
0x1f4: {  	v26 =	vmul.f32 v26, v14;
	v32 =	vadd.f32 v32, v11;
	[tilespmem:v23+s25+$0x6750 ss:$0x1] =	vst.idx.msk $0xffff, v34  }
0x1f5: {  	v31 =	vmul.f32 v31, v8;
	v27 =	vadd.f32 v27, v13;
	[tilespmem:v24+s25+$0x6720 ss:$0x1] =	vst.idx.msk $0xffff, v61  }
0x1f6: {  	v30 =	vmul.f32 v30, v10;
	v26 =	vadd.f32 v26, v15;
	[tilespmem:v24+s25+$0x6730 ss:$0x1] =	vst.idx.msk $0xffff, v32  }
0x1f7: {  	p0 =	sne.s32 s23, $0xC0;
	v29 =	vmul.f32 v29, v12;
	[tilespmem:v24+s25+$0x6740 ss:$0x1] =	vst.idx.msk $0xffff, v27;
	v27 =	vadd.f32 v31, v9  }
.Ltmp0:
0x1f8: {  	v28 =	vmul.f32 v28, v14;
	[tilespmem:v24+s25+$0x6750 ss:$0x1] =	vst.idx.msk $0xffff, v26;
	v26 =	vadd.f32 v30, v11;
	(pc) =	sbr.rel @p0 .LBB2_3-.Ltmp0, $4  }
0x1f9: {  	[tilespmem:v25+s25+$0x6720 ss:$0x1] =	vst.idx.msk $0xffff, v27;
	v27 =	vadd.f32 v29, v13  }
0x1fa: {  	[tilespmem:v25+s25+$0x6730 ss:$0x1] =	vst.idx.msk $0xffff, v26;
	v26 =	vadd.f32 v28, v15  }
0x1fb: {  	[tilespmem:v25+s25+$0x6740 ss:$0x1] =	vst.idx.msk $0xffff, v27  }
0x1fc: {  	s23 =	sadd.s32 $0x10, s23;
	[tilespmem:v25+s25+$0x6750 ss:$0x1] =	vst.idx.msk $0xffff, v26  }
0x1fd: {  	s21 =	smul.u32 $0x640, s21  }
0x1fe: {  	s23 =	sadd.s32 $0x3, s20  }
0x1ff: {  	s25 =	sadd.s32 $0x6720, s19;
	p0 =	sgt.u32 s1, $0x1FD;
	s21 =	sadd.s32 s3, s21  }
0x200: {  	[hbm4b:s21+s4] =	stream.linear.scatter [tilespmem:s25], [sflag:s23], $0x3200, $0x38;
	[tilespmem:$0xE4A0] =	vst v63  }
0x201: {  	s21 =	sadd.s32 @!p0 s1, s15  }
0x202: {  	s21 =	smul.u32 @!p0 $0x19, s21  }
0x203: {  	s20 =	smul.u32 @!p0 $0xC8, s20  }
0x204: {  	s25 =	simm.s32 @!p0 $0x0;
	s23 =	sadd.s32 @!p0 s6, s21  }
0x205: {  	[tilespmem:s20], [sflag:$0x5] =	stream.linear.gather @!p0 [hbm4b:s23+s25], $0xC8, $0x38;
	[tilespmem:$0xE4A0] =	vst v63  }
0x206: {  	s23 =	simm.s32 @!p0 $0x5  }
0x207: {  	_ =	swait.ge @!p0 [sflag:s23], $0xC8  }
0x208: {  	[sflag:s23] =	ssyncset.done @!p0 $0x0  }
0x209: {  	s28 =	sadd.s32 @!p0 $0x190, s20;
	s21 =	sadd.s32 @!p0 s8, s21;
	[sflag:s23] =	ssyncadd.s32 @!p0 $0xFFFFFF38  }
0x20a: {  	[tilespmem:s28], [sflag:$0x5] =	stream.linear.gather @!p0 [hbm4b:s21+s25], $0xC8, $0x38;
	[tilespmem:$0xE4A0] =	vst v63  }
0x20b: {  	_ =	swait.ge @!p0 [sflag:s23], $0xC8  }
0x20c: {  	s1 =	sadd.s32 $0x1, s1;
	[sflag:s23] =	ssyncset.done @!p0 $0x0  }
0x20d: {  	s21 =	sadd.s32 @!p0 $0x320, s19;
	[sflag:s23] =	ssyncadd.s32 @!p0 $0xFFFFFF38;
	s23 =	simm.s32 @!p0 $0x80  }
0x20e: {  	[tilespmem:s21], [sflag:s17] =	stream.indirect.gather @!p0 [hbm4b:s9+s23], $0x40, s20, s23, $0xb8;
	[tilespmem:$0xE4A0] =	vst v63  }
0x20f: {  	s19 =	sadd.s32 @!p0 $0x2320, s19;
	s20 =	sadd.s32 @!p0 $0x80, s20;
	s21 =	simm.s32 @!p0 $0x48  }
0x210: {  	[tilespmem:s19], [sflag:s17] =	stream.indirect.gather @!p0 [hbm4b:s9+s21], $0x40, s20, s21, $0xb8;
	[tilespmem:$0xE4A0] =	vst v63  }
0x211: {  	p0 =	sne.s32 s1, $0x200  }
.Ltmp1:
0x212: {  	_ = 	snop;
	(pc) =	sbr.rel @p0 .LBB2_2-.Ltmp1, $1  }
0x213: {  	_ =	sdelay $0x3  }
0x214: {  	s0 =	sadd.s32 $0x1, s0  }
0x215: {  	_ =	swait.ge [sflag:s2], $0x3200;
	p0 =	sne.s32 s0, s16  }
.Ltmp2:
0x216: {  	[sflag:s2] =	ssyncset.done $0x0;
	(pc) =	sbr.rel @p0 .LBB2_1-.Ltmp2, $4  }
0x217: {  	[sflag:s2] =	ssyncadd.s32 $0xFFFFCE00  }
0x218: {  	_ =	swait.ge [sflag:s5], $0x3200  }
0x219: {  	[sflag:s5] =	ssyncset.done $0x0  }
0x21a: {  	[sflag:s5] =	ssyncadd.s32 $0xFFFFCE00  }
0x21b: {  	_ =	sfence.sel $0x180000  }
0x21c: {  	[bflag:$0x0] =	sbarrier.arrive $0xFFFF  }
0x21d: {  	_ =	strace $0x90000047  }
0x21e: {  	s0 =	stileid.u32;
	[bflag:$0x2] =	sbarrier.arrive $0xFFFF  }
0x21f: {  	p0 =	sne.s32 s0, $0x0;
	s0 =	rddreg [dreg:$0x4]  }
0x220: {  	s0 =	sadd.s32 @!p0 $0x100000, s0  }
0x221: {  	[sflag:s0] =	ssyncadd.tile.s32 @!p0 $0x1;
	_ =	shalt  }
.Lfunc_end2:
_tile_overlayer_lowered:
.L_overlay_start_2:
0x222: {  	(tag) =	ssettag $0x2  }
0x223: {  	s0 =	rddreg [dreg:$0x0];
	s2 =	stileid.u32  }
0x224: {  	s1 =	rddreg [dreg:$0x1];
	p0 =	sne.s32 s2, $0x0  }
0x225: {  	s3 =	rddreg [dreg:$0x2];
	[bflag:$0x3] =	sbarrier.arrive $0xFFFF;
	s2 =	simm.s32 @!p0 $0x1C05  }
0x226: {  	[timem:s3], [sflag:s2] =	dma.local @!p0 [hbm:s0], s1  }
0x227: {  	s0 =	simm.s32 @!p0 $0x5  }
0x228: {  	_ =	swait.ge @!p0 [sflag:s0], s1  }
0x229: {  	s1 =	ssub.s32 @!p0 $0x0, s1;
	[sflag:s0] =	ssyncset.done @!p0 $0x0  }
0x22a: {  	[sflag:s0] =	ssyncadd.s32 @!p0 s1  }
0x22b: {  	[bflag:$0x3] =	sbarrier.arrive $0xFFFF  }
0x22c: {  	_ =	shalt  }

// kernel: sparse-core-data-format-call.cloned.1.call-start
scs
called_computation_lowered:
.L_overlay_start_0:
0x0: {  	s2 =	sld [smem:$0x3FD9]  }
0x1: {  	s3 =	sld [smem:$0x3FFE];
	_ =	sdelay $0x1  }
0x2: {  	s1 =	srdreg.scid  }
0x3: {  	s0 =	sand.u32 $0x1, s1  }
0x4: {  	s18 =	sshll.u32 s0, $0xA;
	s2 =	sadd.s32 s3, s2  }
0x5: {  	s2 =	sadd.s32 s2, s18  }
0x6: {  	[smem:$0x3FC2] =	sst s2  }
0x7: {  	_ = 	snop  }
0x8: {  	s2 =	sld [smem:$0x3FD0];
	(tm) =	ssettm $0x1  }
0x9: {  	s19 =	sld [smem:$0x3FFB];
	_ =	sdelay $0x3  }
0xa: {  	_ =	strace s19  }
0xb: {  	s3 =	sld [smem:$0x3FFC];
	_ =	sdelay $0x3  }
0xc: {  	_ =	strace s3  }
0xd: {  	s3 =	sld [smem:$0x3FFD];
	_ =	sdelay $0x3  }
0xe: {  	_ =	strace s3  }
0xf: {  	_ =	strace $0x8FFFFFFF  }
0x10: {  	s20 =	sld [smem:$0x3FDB];
	_ =	sdelay $0x1  }
0x11: {  	s4 =	simm.s32 $_scs_section_size  }
0x12: {  	s5 =	simm.s32 $_size__tile_overlayer_lowered;
	s6 =	simm.s32 $_tile_overlayer_lowered  }
0x13: {  	s23 =	simm.s32 $0x1BFF;
	s22 =	sshll.u32 s6, $0x1;
	s3 =	sadd.s32 s4, s20  }
0x14: {  	s7 =	simm.s32 $0x0;
	s21 =	sshll.u32 s5, $0x1;
	s5 =	sadd.s32 s22, s3  }
0x15: {  	[timem:s7], [sflag:s23] =	dma.local [hbm:s5], s21  }
0x16: {  	_ =	swait.ge [sflag:s23], s21  }
0x17: {  	s4 =	ssub.s32 $0x0, s21;
	[sflag:s23] =	ssyncset.done $0x0  }
0x18: {  	[sflag:s23] =	ssyncadd.s32 s4;
	_ =	sdelay $0x1  }
0x19: {  	s24 =	simm.s32 $0x1B8B  }
0x1a: {  	_ =	swait.ge [sflag:s24], $0x1  }
0x1b: {  	[sflag:s24] =	ssyncset.done $0x0  }
0x1c: {  	s26 =	simm.s32 $0x1B8E;
	s25 =	sld [smem:$0x3FFE];
	[sflag:s24] =	ssyncadd.s32 $0xFFFFFFFF  }
0x1d: {  	s27 =	simm.s32 $execute0_lowered;
	[smem:$0x3FD2] =	sst s26  }
0x1e: {  	s5 =	sshll.u32 s27, $0x1;
	_ =	strace $0x80000049;
	[dreg:$0x1] =	wrdreg $0xFFFFFFFF  }
0x1f: {  	s28 =	simm.s32 $_size_execute0_lowered;
	s3 =	sadd.s32 s3, s5;
	[dreg:$0x0] =	wrdreg $0x0  }
0x20: {  	s5 =	sshll.u32 s28, $0x1;
	[dreg:$0x2] =	wrdreg s3  }
0x21: {  	[dreg:$0x3] =	wrdreg s5  }
0x22: {  	[dreg:$0x4] =	wrdreg $0xC0  }
0x23: {  	_ =	task [dreg:s7], $0x5FFFF  }
0x24: {  	[dreg:$0x1] =	wrdreg $0xFFFFFFFF  }
0x25: {  	[dreg:$0x0] =	wrdreg $0x60  }
0x26: {  	[dreg:$0x2] =	wrdreg s25  }
0x27: {  	[dreg:$0x3] =	wrdreg s2  }
0x28: {  	[dreg:$0x4] =	wrdreg $0x9  }
0x29: {  	_ =	task.clear_ibuf [dreg:s7], $0x5FFFF;
	_ =	strace $0x90000049  }
0x2a: {  	s29 =	simm.s32 $0x9;
	_ =	strace $0x8000004B  }
0x2b: {  	_ =	swait.ge [sflag:s29], $0x1  }
0x2c: {  	[sflag:s29] =	ssyncadd.s32 $0xFFFFFFFF  }
0x2d: {  	_ =	strace $0x9000004B  }
0x2e: {  	_ =	sfence  }
0x2f: {  	s30 =	sld [smem:$0x0];
	_ =	sdelay $0x2  }
0x30: {  	s31 =	sshll.u32 s1, $0xD;
	s1 =	sshrl.u32 s1, $0x2  }
0x31: {  	s3 =	sand.u32 $0x4000, s31;
	s1 =	sadd.s32 s1, s30  }
0x32: {  	s0 =	sor.u32 s3, s0;
	s1 =	sshll.u32 s1, $0x11  }
0x33: {  	s0 =	sor.u32 s1, s0  }
0x34: {  	s0 =	sadd.s32 $0x8F2B, s0  }
0x35: {  	[sflag:s0] =	ssyncadd.remote.s32 $0x1  }
0x36: {  	_ =	sfence.sel $0xFFFF  }
0x37: {  	[dreg:$0x0] =	wrdreg $0xFFFFFFFF;
	(pc) =	sbr.abs _section_cstart, $3  }
0x38: {  	[dreg:$0x1] =	wrdreg $0xFFFFFFFF  }
0x39: {  	_ =	task.clear_ibuf [dreg:s7], $0x2FFFF;
	_ =	strace $0x9FFFFFFF  }
0x3a: {  	(tm) =	ssettm $0x7FFFFFFF  }
0x3b: {  	_ =	shalt  }
tec
execute0_lowered:
.L_overlay_start_1:
0x0: {  	(tag) =	ssettag $0x1  }
0x1: {  	s0 =	srdreg.scid  }
0x2: {  	s1 =	sshll.u32 s0, $0x4  }
0x3: {  	s0 =	stileid.u32;
	s1 =	sand.u32 $0x10, s1  }
0x4: {  	s1 =	sor.u32 s0, s1  }
0x5: {  	s6 =	rddreg [dreg:$0x0];
	s4 =	simm.s32 $0x1;
	s2 =	sshll.u32 s1, $0x7  }
0x6: {  	s7 =	simm.s32 $0x2;
	s12 =	simm.s32 $0x0;
	s1 =	ssub.s32 $0x4000, s2  }
0x7: {  	s8 =	simm.s32 $0x20000;
	s13 =	simm.s32 $0x0;
	s3 =	sand.u32 $0xF80, s1  }
0x8: {  	s9 =	simm.s32 $0x0;
	s5 =	sshrl.u32 s1, $0xC;
	p0 =	sne.s32 s3, $0x0  }
.Ltmp0:
0x9: {  	s1 =	rddreg [dreg:$0x2];
	s4 =	simm.s32 @!p0 $0x0;
	(pc) =	sbr.rel .LBB1_1-.Ltmp0, $4  }
0xa: {  	s11 =	simm.s32 $0x0;
	s3 =	rddreg [dreg:$0x1];
	s5 =	sadd.s32 s4, s5  }
0xb: {  	_ =	strace $0x8000004A;
	s4 =	simm.s32 $0x1;
	s5 =	smul.u32 $0xC8, s5  }
0xc: {  	s6 =	sadd.s32 $0x800, s6;
	s10 =	smov.u32 s2;
	[sflag:s4] =	ssyncpa.u1 $0x0  }
0xd: {  	p0 =	por $0x0, $0x0;
	[sflag:s7] =	ssyncpa.u1 $0x0;
	s7 =	sor.u32 $0x1, s5  }
.LBB1_4:
0xe: {  	s16 =	sshll.u32 s13, $0x3;
	s17 =	sand.u32 $0x78, s13  }
0xf: {  	s30 =	sand.u32 $0x1F800, s13;
	s12 =	sshll.u32 s12, $0x11;
	s16 =	sand.u32 $0x3C00, s16  }
0x10: {  	[tilespmem:s15+$0x810 ss:$0x81] =	vst.msk $0xffff, v2;
	s31 =	sand.u32 $0x7, s13;
	s16 =	sor.u32 s17, s16;
	s17 =	sadd.s32 s3, s30  }
0x11: {  	[tilespmem:s15+$0x1020 ss:$0x81] =	vst.msk $0xffff, v0;
	s13 =	sshll.u32 s31, $0x12;
	s12 =	sadd.s32 s12, s17;
	s16 =	sshrl.u32 s16, $0x3  }
0x12: {  	[tilespmem:s15+$0x0 ss:$0x81] =	vst.msk $0xffff, v1;
	s13 =	sor.u32 $0x400, s13;
	s12 =	sadd.s32 s16, s12  }
0x13: {  	[hbm4b:s12+s13] =	stream.strided.scatter [tilespmem:s14], [sflag:$0x2], $0x2000, s8, s13, $0x20;
	[tilespmem:$0x8080] =	vst v63  }
.LBB1_5:
0x14: {  	s14 =	sadd.s32 $0x1, s9  }
0x15: {  	s12 =	sadd.s32 $0x1000, s10;
	s16 =	smov.u32 s10;
	p2 =	sgt.s32 s14, $0xC7  }
0x16: {  	s16 =	smov.u32 @p2 s12  }
0x17: {  	s14 =	simm.s32 @p2 $0x0;
	p2 =	sgt.s32 s16, $0x3FFF  }
0x18: {  	s16 =	smov.u32 @p2 s2;
	p2 =	sne.s32 s11, s7  }
.Ltmp1:
0x19: {  	p1 =	slt.u32 s11, $0x2;
	(pc) =	sbr.rel @!p2 .LBB1_6-.Ltmp1, $4  }
0x1a: {  	s15 =	simm.s32 @!p1 $0x2  }
0x1b: {  	s13 =	smov.u32 s10;
	p0 =	por !p0, !p0;
	_ =	swait.ge @!p1 [sflag:s15], $0x2000  }
0x1c: {  	s12 =	smov.u32 s9;
	[sflag:s15] =	ssyncset.done @!p1 $0x0;
	s9 =	smov.u32 s14  }
0x1d: {  	s11 =	sadd.s32 $0x1, s11;
	[sflag:s15] =	ssyncadd.s32 @!p1 $0xFFFFE000;
	s10 =	smov.u32 s16  }
.LBB1_1:
0x1e: {  	p1 =	sge.u32 s11, s5  }
0x1f: {  	s14 =	sand.u32 @!p1 $0x1FFFFFF, s9  }
0x20: {  	s15 =	smulhi.u32 @!p1 $0x147AE15, s14;
	_ =	sdelay $0x1  }
0x21: {  	s15 =	smul.u32 @!p1 $0xC8, s15  }
0x22: {  	s16 =	sxor.u32 @!p1 $0xFFFFFFFF, s11;
	s17 =	smul.u32 @!p1 $0xC80, s10  }
0x23: {  	s31 =	sadd.s32 $0xFFFFFFFF, s11;
	s16 =	sshll.u32 @!p1 s16, $0xD;
	s14 =	ssub.s32 @!p1 s14, s15  }
0x24: {  	s15 =	sand.u32 @!p1 $0x2000, s16;
	s16 =	sadd.s32 @!p1 s6, s17;
	s14 =	sshll.u32 @!p1 s14, $0x4  }
0x25: {  	s17 =	simm.s32 @!p1 $0x6400;
	s14 =	sadd.s32 @!p1 s14, s16;
	s16 =	simm.s32 @!p1 $0x40  }
0x26: {  	[tilespmem:s15], [sflag:$0x1] =	stream.strided.gather @!p1 [hbm4b:s14+s16], $0x2000, s17, s16, $0x38;
	[tilespmem:$0x8080] =	vst v63  }
0x27: {  	p1 =	sge.u32 s31, s5  }
.Ltmp2:
0x28: {  	_ = 	snop;
	(pc) =	sbr.rel @p1 .LBB1_5-.Ltmp2, $1  }
0x29: {  	_ =	sdelay $0x3  }
0x2a: {  	s14 =	simm.s32 $0x1  }
0x2b: {  	_ =	swait.ge [sflag:s4], $0x2000;
	s14 =	simm.s32 @!p0 $0x0  }
0x2c: {  	[sflag:s4] =	ssyncset.done $0x0;
	s15 =	sshll.u32 s14, $0xD  }
0x2d: {  	[sflag:s4] =	ssyncadd.s32 $0xFFFFE000;
	s18 =	sor.u32 $0x20, s15  }
0x2e: {  	s14 =	smul.u32 $0x8100, s14;
	v3 =	vld [tilespmem:s18+$0x10]  }
0x2f: {  	s30 =	sand.u32 $0x1, s11;
	v2 =	vld [tilespmem:s18+$0xFFFFFFF0]  }
0x30: {  	s15 =	smul.u32 $0x8100, s30;
	s14 =	sshrl.u32 s14, $0x2;
	v0 =	vld [tilespmem:s18+$0x0]  }
0x31: {  	v1 =	vld [tilespmem:s18+$0xFFFFFFE0];
	s16 =	sor.u32 $0x4000, s14  }
0x32: {  	s31 =	sshrl.u32 s15, $0x2;
	s15 =	sadd.s32 $0x0, s16  }
0x33: {  	s17 =	simm.s32 $0x4;
	s18 =	sadd.s32 $0x40, s18;
	s14 =	sor.u32 $0x4000, s31;
	[tilespmem:s15+$0x1830 ss:$0x81] =	vst.msk $0xffff, v3  }
.LBB1_3:
0x34: {  	v3 =	vld [tilespmem:s18+$0x10];
	p1 =	sne.s32 s17, $0x1FC;
	[tilespmem:s15+$0x810 ss:$0x81] =	vst.msk $0xffff, v2;
	s19 =	smov.u32 s17;
	s17 =	sadd.s32 $0x4, s17  }
.Ltmp3:
0x35: {  	v2 =	vld [tilespmem:s18+$0xFFFFFFF0];
	[tilespmem:s15+$0x1020 ss:$0x81] =	vst.msk $0xffff, v0;
	(pc) =	sbr.rel @p1 .LBB1_3-.Ltmp3, $4  }
0x36: {  	v0 =	vld [tilespmem:s18+$0x0];
	[tilespmem:s15+$0x0 ss:$0x81] =	vst.msk $0xffff, v1  }
0x37: {  	s15 =	sshra.s32 s19, $0x2;
	v1 =	vld [tilespmem:s18+$0xFFFFFFE0]  }
0x38: {  	s15 =	sadd.s32 s15, s16  }
0x39: {  	s18 =	sadd.s32 $0x40, s18;
	[tilespmem:s15+$0x1830 ss:$0x81] =	vst.msk $0xffff, v3  }
.Ltmp4:
0x3a: {  	_ = 	snop;
	(pc) =	sbr.rel .LBB1_4-.Ltmp4, $1  }
0x3b: {  	_ =	sdelay $0x3  }
.LBB1_6:
0x3c: {  	_ =	sfence.sel $0x180000  }
0x3d: {  	s2 =	simm.s32 $0x1;
	[bflag:$0x0] =	sbarrier.arrive $0xFFFF  }
0x3e: {  	s31 =	simm.s32 $0x2;
	[sflag:s2] =	ssyncpa.u1 $0x1  }
0x3f: {  	[sflag:s31] =	ssyncpa.u1 $0x1  }
0x40: {  	p0 =	sne.s32 s0, $0x0;
	_ =	strace $0x9000004A  }
0x41: {  	s0 =	sadd.s32 @!p0 $0x100000, s1;
	[bflag:$0x2] =	sbarrier.arrive $0xFFFF  }
0x42: {  	[sflag:s0] =	ssyncadd.tile.s32 @!p0 $0x1;
	_ =	shalt  }
.Lfunc_end1:
_tile_overlayer_lowered:
.L_overlay_start_2:
0x43: {  	(tag) =	ssettag $0x2  }
0x44: {  	s0 =	rddreg [dreg:$0x0];
	s2 =	stileid.u32  }
0x45: {  	s1 =	rddreg [dreg:$0x1];
	p0 =	sne.s32 s2, $0x0  }
0x46: {  	s3 =	rddreg [dreg:$0x2];
	[bflag:$0x3] =	sbarrier.arrive $0xFFFF;
	s2 =	simm.s32 @!p0 $0x1C01  }
0x47: {  	[timem:s3], [sflag:s2] =	dma.local @!p0 [hbm:s0], s1  }
0x48: {  	s0 =	simm.s32 @!p0 $0x1  }
0x49: {  	_ =	swait.ge @!p0 [sflag:s0], s1  }
0x4a: {  	s1 =	ssub.s32 @!p0 $0x0, s1;
	[sflag:s0] =	ssyncset.done @!p0 $0x0  }
0x4b: {  	[sflag:s0] =	ssyncadd.s32 @!p0 s1  }
0x4c: {  	[bflag:$0x3] =	sbarrier.arrive $0xFFFF  }
0x4d: {  	_ =	shalt  }

</sc_bundles>
